<compile_context>
chip_gen: v7x
topology: tpu7x:2x2x1
jax: 0.10.2.dev20260603
libtpu: 0.0.44.dev20260713+nightly
codegen_flags: <defaults>
</compile_context>

<pallas_src>
import functools

import jax
import jax.numpy as jnp
from jax import lax
from jax.experimental import pallas as pl
from jax.experimental.pallas import tpu as pltpu
from jax.experimental.pallas import tpu_sc as plsc

SUB = 80
NBUF = 5


def _pq_body(x8_ref, wsb_ref, wrb_ref, p_ref, q_ref):
    x8 = x8_ref[...]
    p_ref[...] = jnp.dot(x8, wsb_ref[...], preferred_element_type=jnp.float32)
    q_ref[...] = jnp.dot(x8, wrb_ref[...], preferred_element_type=jnp.float32)


def _out_body(ea_ref, g_ref, wet_ref, bcol_ref, o_ref):
    acc = jnp.dot(wet_ref[...], ea_ref[...], preferred_element_type=jnp.float32)
    blkc = o_ref.shape[1] // 128
    i = pl.program_id(0)
    g = g_ref[:, pl.ds(i * blkc, blkc), :].reshape(o_ref.shape)
    o_ref[...] = jnp.maximum(acc + g + bcol_ref[...], 0.0)


def _make_sc_gather_add(n_nodes, n_edges, d_out, n_workers):
    mesh = plsc.VectorSubcoreMesh(core_axis_name="c", subcore_axis_name="s")
    epw = n_edges // n_workers
    cpw = epw // SUB
    outer = cpw // NBUF
    grp = NBUF * SUB

    scratch_types = [
        pltpu.VMEM((epw,), jnp.int32),
        pltpu.VMEM((epw,), jnp.int32),
        pltpu.VMEM((NBUF, SUB, d_out), jnp.float32),
        pltpu.VMEM((NBUF, SUB, d_out), jnp.float32),
        pltpu.VMEM((d_out * grp,), jnp.float32),
    ] + [pltpu.SemaphoreType.DMA] * (NBUF + 1)

    @functools.partial(
        pl.kernel,
        out_type=jax.ShapeDtypeStruct((d_out, n_edges), jnp.float32),
        mesh=mesh,
        scratch_types=scratch_types,
        compiler_params=pltpu.CompilerParams(
            use_tc_tiling_on_sc=False, needs_layout_passes=False),
    )
    def sc_kernel(p_hbm, q_hbm, ei2_hbm, gt_hbm,
                  sidx, didx, prow, qrow, gbuf, *sems):
        semg = sems[:NBUF]
        semo = sems[NBUF]
        wid = lax.axis_index("s") * 2 + lax.axis_index("c")
        pltpu.sync_copy(ei2_hbm.at[0, pl.ds(wid * epw, epw)], sidx)
        pltpu.sync_copy(ei2_hbm.at[1, pl.ds(wid * epw, epw)], didx)

        def fire(t, b):
            pltpu.make_async_copy(
                p_hbm.at[sidx.at[pl.ds(t * SUB, SUB)]], prow.at[b], semg[b]
            ).start()
            pltpu.make_async_copy(
                q_hbm.at[didx.at[pl.ds(t * SUB, SUB)]], qrow.at[b], semg[b]
            ).start()

        def wait_gathers(t, b):
            pltpu.make_async_copy(
                p_hbm.at[sidx.at[pl.ds(t * SUB, SUB)]], prow.at[b], semg[b]
            ).wait()
            pltpu.make_async_copy(
                q_hbm.at[didx.at[pl.ds(t * SUB, SUB)]], qrow.at[b], semg[b]
            ).wait()

        def out_copies(go):
            col0 = wid * epw + go * grp
            return [
                pltpu.make_async_copy(
                    gbuf.at[pl.ds(j * grp, grp)],
                    gt_hbm.at[j, pl.ds(col0, grp)],
                    semo,
                )
                for j in range(d_out)
            ]

        for b in range(NBUF):
            fire(b, b)

        ivec = lax.broadcasted_iota(jnp.int32, (16,), 0) * grp

        def step(go, carry):
            @pl.when(go > 0)
            def _():
                for c in out_copies(go - 1):
                    c.wait()

            for b in range(NBUF):
                t = go * NBUF + b
                wait_gathers(t, b)
                pb = prow.at[b]
                qb = qrow.at[b]
                base = b * SUB

                @plsc.parallel_loop(0, SUB, step=1, unroll=16)
                def _(i):
                    row = pb[i, :] + qb[i, :]
                    plsc.store_scatter(gbuf, [ivec + (base + i)], row)

                @pl.when(go < outer - 1)
                def _():
                    fire(t + NBUF, b)

            for c in out_copies(go):
                c.start()
            return carry

        lax.fori_loop(0, outer, step, 0)
        for c in out_copies(outer - 1):
            c.wait()

    return sc_kernel


def kernel(x, edge_index, edge_attr, W, b):
    n_nodes, d_in = x.shape
    n_edges, d_edge = edge_attr.shape
    d_out = W.shape[1]

    w_s = W[:d_in]
    w_r = W[d_in:2 * d_in]
    w_e = W[2 * d_in:]
    ei2 = edge_index.T
    ea_t = edge_attr.T
    wet = w_e.T
    bcol = b.reshape(d_out, 1)

    pack = 128 // d_out
    x8 = x.reshape(n_nodes // pack, pack * d_in)
    eye = jnp.eye(pack, dtype=jnp.float32)
    wsb = jnp.kron(eye, w_s)
    wrb = jnp.kron(eye, w_r)
    p128, q128 = pl.pallas_call(
        _pq_body,
        out_shape=(
            jax.ShapeDtypeStruct((n_nodes // pack, 128), jnp.float32),
            jax.ShapeDtypeStruct((n_nodes // pack, 128), jnp.float32),
        ),
    )(x8, wsb, wrb)
    p = p128.reshape(n_nodes, d_out)
    q = q128.reshape(n_nodes, d_out)

    info = plsc.get_sparse_core_info()
    n_workers = info.num_cores * info.num_subcores
    assert n_edges % (n_workers * SUB * NBUF) == 0
    gt = _make_sc_gather_add(n_nodes, n_edges, d_out, n_workers)(p, q, ei2)

    gt3 = gt.reshape(d_out, n_edges // 128, 128)
    blk = 32000
    grid = n_edges // blk
    out_t = pl.pallas_call(
        _out_body,
        grid=(grid,),
        in_specs=[
            pl.BlockSpec((d_edge, blk), lambda i: (0, i)),
            pl.BlockSpec((d_out, n_edges // 128, 128), lambda i: (0, 0, 0)),
            pl.BlockSpec((d_out, d_edge), lambda i: (0, 0)),
            pl.BlockSpec((d_out, 1), lambda i: (0, 0)),
        ],
        out_specs=pl.BlockSpec((d_out, blk), lambda i: (0, i)),
        out_shape=jax.ShapeDtypeStruct((d_out, n_edges), jnp.float32),
    )(ea_t, gt3, wet, bcol)
    return out_t.T

# --- scband reference (transcript-rebuilt; emitter-appended) ---
"""Pipeline reference for scband-edge-model-14585708937338 (READ-ONLY COPY).

The authoritative reference and input builder live on the scoring server;
editing this copy changes nothing except your own understanding.
"""

import jax, jax.numpy as jnp
import numpy as np


def setup_inputs(seed: int = 0) -> dict:
    key = jax.random.key(seed)
    k1, k2, k3, k4 = jax.random.split(key, 4)
    N, E, D, DE, DO = 10000, 320000, 128, 16, 16
    x = jax.random.normal(k1, (N, D), dtype=jnp.float32)
    edge_index = jax.random.randint(k2, (E, 2), 0, N, dtype=jnp.int32)
    edge_attr = jax.random.normal(k3, (E, DE), dtype=jnp.float32)
    W = jax.random.normal(k4, (2 * D + DE, DO), dtype=jnp.float32) * 0.05
    b = jnp.zeros((DO,), dtype=jnp.float32)
    return {"x": x, "edge_index": edge_index, "edge_attr": edge_attr, "W": W, "b": b}


def reference(x, edge_index, edge_attr, W, b):
    # edge_index comes in as [E, 2]; permute(1, 0) -> [2, E]
    ei = edge_index.T
    sender_node_feature = jnp.take(x, ei[0], axis=0)
    receive_node_feature = jnp.take(x, ei[1], axis=0)
    out = jnp.concatenate([sender_node_feature, receive_node_feature, edge_attr], axis=-1)
    # edge_mlp: Linear(272 -> 16) + ReLU
    return jax.nn.relu(out @ W + b)

if __name__ == "__main__":
    import jax
    _d = setup_inputs()
    print(jax.jit(kernel)(*tuple(_d.values())))

</pallas_src>

<mosaic_0001>
#map = affine_map<(d0, d1) -> (0, 0)>
module attributes {stable_mosaic.version = 14 : i64} {
  func.func @sc_kernel(%arg0: i32, %arg1: i32, %arg2: memref<10000x16xf32, #tpu.memory_space<hbm>>, %arg3: memref<10000x16xf32, #tpu.memory_space<hbm>>, %arg4: memref<2x320000xi32, #tpu.memory_space<hbm>>, %arg5: memref<16x320000xf32, #tpu.memory_space<hbm>>, %arg6: memref<10000xi32, #tpu.memory_space<vmem>>, %arg7: memref<10000xi32, #tpu.memory_space<vmem>>, %arg8: memref<5x80x16xf32, #tpu.memory_space<vmem>>, %arg9: memref<5x80x16xf32, #tpu.memory_space<vmem>>, %arg10: memref<6400xf32, #tpu.memory_space<vmem>>, %arg11: memref<!tpu.dma_semaphore, #tpu.memory_space<semaphore_mem>>, %arg12: memref<!tpu.dma_semaphore, #tpu.memory_space<semaphore_mem>>, %arg13: memref<!tpu.dma_semaphore, #tpu.memory_space<semaphore_mem>>, %arg14: memref<!tpu.dma_semaphore, #tpu.memory_space<semaphore_mem>>, %arg15: memref<!tpu.dma_semaphore, #tpu.memory_space<semaphore_mem>>, %arg16: memref<!tpu.dma_semaphore, #tpu.memory_space<semaphore_mem>>) attributes {dimension_semantics = [#tpu.dimension_semantics<core_parallel>, #tpu.dimension_semantics<subcore_parallel>], iteration_bounds = array<i64: 2, 16>, scalar_prefetch = 0 : i64, scratch_operands = 11 : i64, tpu.core_type = #tpu.core_type<sc_vector_subcore>, window_params = [{transform_indices = #map}, {transform_indices = #map}, {transform_indices = #map}, {transform_indices = #map}]} {
    %mul3A = arith.constant 2 : i32
    %mul3A_0 = arith.muli %arg1, %mul3A : i32
    %add3A = arith.addi %mul3A_0, %arg0 : i32
    %mul3A_1 = arith.constant 10000 : i32
    %mul3A_2 = arith.muli %add3A, %mul3A_1 : i32
    %run_scoped3A = arith.constant 0 : i32
    "tpu.region"() ({
      %run_scoped3A_260 = tpu.sem_alloc : memref<!tpu.dma_semaphore, #tpu.memory_space<semaphore_mem>>
      %dma_start3A_261 = tpu.memref_slice %arg4[%run_scoped3A, %mul3A_2] : memref<2x320000xi32, #tpu.memory_space<hbm>> -> memref<1x10000xi32, #tpu.memory_space<hbm>>
      %dma_start3A_262 = tpu.memref_squeeze %dma_start3A_261 : memref<1x10000xi32, #tpu.memory_space<hbm>> -> memref<10000xi32, #tpu.memory_space<hbm>>
      %dma_start3A_263 = tpu.memref_slice %arg4[%run_scoped3A, %mul3A_2] : memref<2x320000xi32, #tpu.memory_space<hbm>> -> memref<1x10000xi32, #tpu.memory_space<hbm>>
      %dma_start3A_264 = tpu.memref_squeeze %dma_start3A_263 : memref<1x10000xi32, #tpu.memory_space<hbm>> -> memref<10000xi32, #tpu.memory_space<hbm>>
      tpu.enqueue_dma source(%dma_start3A_264 : memref<10000xi32, #tpu.memory_space<hbm>>) target(%arg6 : memref<10000xi32, #tpu.memory_space<vmem>>) target_semaphore(%run_scoped3A_260 : memref<!tpu.dma_semaphore, #tpu.memory_space<semaphore_mem>>)
      %dma_wait3A_265 = tpu.memref_slice %arg4[%run_scoped3A, %mul3A_2] : memref<2x320000xi32, #tpu.memory_space<hbm>> -> memref<1x10000xi32, #tpu.memory_space<hbm>>
      %dma_wait3A_266 = tpu.memref_squeeze %dma_wait3A_265 : memref<1x10000xi32, #tpu.memory_space<hbm>> -> memref<10000xi32, #tpu.memory_space<hbm>>
      %dma_wait3A_267 = tpu.memref_slice %arg4[%run_scoped3A, %mul3A_2] : memref<2x320000xi32, #tpu.memory_space<hbm>> -> memref<1x10000xi32, #tpu.memory_space<hbm>>
      %dma_wait3A_268 = tpu.memref_squeeze %dma_wait3A_267 : memref<1x10000xi32, #tpu.memory_space<hbm>> -> memref<10000xi32, #tpu.memory_space<hbm>>
      tpu.wait_dma2 semaphore(%run_scoped3A_260 : memref<!tpu.dma_semaphore, #tpu.memory_space<semaphore_mem>>) src(%dma_wait3A_268 : memref<10000xi32, #tpu.memory_space<hbm>>) dst(%arg6 : memref<10000xi32, #tpu.memory_space<vmem>>)
      tpu.yield
    }) : () -> ()
    %mul3A_3 = arith.constant 10000 : i32
    %mul3A_4 = arith.muli %add3A, %mul3A_3 : i32
    %run_scoped3A_5 = arith.constant 1 : i32
    "tpu.region"() ({
      %run_scoped3A_260 = tpu.sem_alloc : memref<!tpu.dma_semaphore, #tpu.memory_space<semaphore_mem>>
      %dma_start3A_261 = tpu.memref_slice %arg4[%run_scoped3A_5, %mul3A_4] : memref<2x320000xi32, #tpu.memory_space<hbm>> -> memref<1x10000xi32, #tpu.memory_space<hbm>>
      %dma_start3A_262 = tpu.memref_squeeze %dma_start3A_261 : memref<1x10000xi32, #tpu.memory_space<hbm>> -> memref<10000xi32, #tpu.memory_space<hbm>>
      %dma_start3A_263 = tpu.memref_slice %arg4[%run_scoped3A_5, %mul3A_4] : memref<2x320000xi32, #tpu.memory_space<hbm>> -> memref<1x10000xi32, #tpu.memory_space<hbm>>
      %dma_start3A_264 = tpu.memref_squeeze %dma_start3A_263 : memref<1x10000xi32, #tpu.memory_space<hbm>> -> memref<10000xi32, #tpu.memory_space<hbm>>
      tpu.enqueue_dma source(%dma_start3A_264 : memref<10000xi32, #tpu.memory_space<hbm>>) target(%arg7 : memref<10000xi32, #tpu.memory_space<vmem>>) target_semaphore(%run_scoped3A_260 : memref<!tpu.dma_semaphore, #tpu.memory_space<semaphore_mem>>)
      %dma_wait3A_265 = tpu.memref_slice %arg4[%run_scoped3A_5, %mul3A_4] : memref<2x320000xi32, #tpu.memory_space<hbm>> -> memref<1x10000xi32, #tpu.memory_space<hbm>>
      %dma_wait3A_266 = tpu.memref_squeeze %dma_wait3A_265 : memref<1x10000xi32, #tpu.memory_space<hbm>> -> memref<10000xi32, #tpu.memory_space<hbm>>
      %dma_wait3A_267 = tpu.memref_slice %arg4[%run_scoped3A_5, %mul3A_4] : memref<2x320000xi32, #tpu.memory_space<hbm>> -> memref<1x10000xi32, #tpu.memory_space<hbm>>
      %dma_wait3A_268 = tpu.memref_squeeze %dma_wait3A_267 : memref<1x10000xi32, #tpu.memory_space<hbm>> -> memref<10000xi32, #tpu.memory_space<hbm>>
      tpu.wait_dma2 semaphore(%run_scoped3A_260 : memref<!tpu.dma_semaphore, #tpu.memory_space<semaphore_mem>>) src(%dma_wait3A_268 : memref<10000xi32, #tpu.memory_space<hbm>>) dst(%arg7 : memref<10000xi32, #tpu.memory_space<vmem>>)
      tpu.yield
    }) : () -> ()
    %dma_start3A = arith.constant 0 : i32
    %dma_start3A_6 = arith.constant 0 : i32
    %dma_start3A_7 = arith.constant 0 : i32
    %dma_start3A_8 = tpu.memref_slice %arg8[%dma_start3A, %dma_start3A_6, %dma_start3A_7] : memref<5x80x16xf32, #tpu.memory_space<vmem>> -> memref<1x80x16xf32, #tpu.memory_space<vmem>>
    %dma_start3A_9 = tpu.memref_squeeze %dma_start3A_8 : memref<1x80x16xf32, #tpu.memory_space<vmem>> -> memref<80x16xf32, #tpu.memory_space<vmem>>
    %dma_start3A_10 = arith.constant 0 : i32
    %dma_start3A_11 = tpu.memref_slice %arg6[%dma_start3A_10] : memref<10000xi32, #tpu.memory_space<vmem>> -> memref<80xi32, #tpu.memory_space<vmem>>
    %dma_start3A_12 = arith.constant 0 : i32
    %dma_start3A_13 = arith.constant 0 : i32
    %dma_start3A_14 = tpu.memref_slice %arg2[%dma_start3A_12, %dma_start3A_13] : memref<10000x16xf32, #tpu.memory_space<hbm>> -> memref<10000x16xf32, #tpu.memory_space<hbm>>
    tpu.enqueue_indirect_dma source(%dma_start3A_14 : memref<10000x16xf32, #tpu.memory_space<hbm>>) target(%dma_start3A_9 : memref<80x16xf32, #tpu.memory_space<vmem>>) offsets(%dma_start3A_11 : memref<80xi32, #tpu.memory_space<vmem>>) semaphore(%arg11 : memref<!tpu.dma_semaphore, #tpu.memory_space<semaphore_mem>>)
    %dma_start3A_15 = arith.constant 0 : i32
    %dma_start3A_16 = arith.constant 0 : i32
    %dma_start3A_17 = arith.constant 0 : i32
    %dma_start3A_18 = tpu.memref_slice %arg9[%dma_start3A_15, %dma_start3A_16, %dma_start3A_17] : memref<5x80x16xf32, #tpu.memory_space<vmem>> -> memref<1x80x16xf32, #tpu.memory_space<vmem>>
    %dma_start3A_19 = tpu.memref_squeeze %dma_start3A_18 : memref<1x80x16xf32, #tpu.memory_space<vmem>> -> memref<80x16xf32, #tpu.memory_space<vmem>>
    %dma_start3A_20 = arith.constant 0 : i32
    %dma_start3A_21 = tpu.memref_slice %arg7[%dma_start3A_20] : memref<10000xi32, #tpu.memory_space<vmem>> -> memref<80xi32, #tpu.memory_space<vmem>>
    %dma_start3A_22 = arith.constant 0 : i32
    %dma_start3A_23 = arith.constant 0 : i32
    %dma_start3A_24 = tpu.memref_slice %arg3[%dma_start3A_22, %dma_start3A_23] : memref<10000x16xf32, #tpu.memory_space<hbm>> -> memref<10000x16xf32, #tpu.memory_space<hbm>>
    tpu.enqueue_indirect_dma source(%dma_start3A_24 : memref<10000x16xf32, #tpu.memory_space<hbm>>) target(%dma_start3A_19 : memref<80x16xf32, #tpu.memory_space<vmem>>) offsets(%dma_start3A_21 : memref<80xi32, #tpu.memory_space<vmem>>) semaphore(%arg11 : memref<!tpu.dma_semaphore, #tpu.memory_space<semaphore_mem>>)
    %dma_start3A_25 = arith.constant 1 : i32
    %dma_start3A_26 = arith.constant 0 : i32
    %dma_start3A_27 = arith.constant 0 : i32
    %dma_start3A_28 = tpu.memref_slice %arg8[%dma_start3A_25, %dma_start3A_26, %dma_start3A_27] : memref<5x80x16xf32, #tpu.memory_space<vmem>> -> memref<1x80x16xf32, #tpu.memory_space<vmem>>
    %dma_start3A_29 = tpu.memref_squeeze %dma_start3A_28 : memref<1x80x16xf32, #tpu.memory_space<vmem>> -> memref<80x16xf32, #tpu.memory_space<vmem>>
    %dma_start3A_30 = arith.constant 80 : i32
    %dma_start3A_31 = tpu.memref_slice %arg6[%dma_start3A_30] : memref<10000xi32, #tpu.memory_space<vmem>> -> memref<80xi32, #tpu.memory_space<vmem>>
    %dma_start3A_32 = arith.constant 0 : i32
    %dma_start3A_33 = arith.constant 0 : i32
    %dma_start3A_34 = tpu.memref_slice %arg2[%dma_start3A_32, %dma_start3A_33] : memref<10000x16xf32, #tpu.memory_space<hbm>> -> memref<10000x16xf32, #tpu.memory_space<hbm>>
    tpu.enqueue_indirect_dma source(%dma_start3A_34 : memref<10000x16xf32, #tpu.memory_space<hbm>>) target(%dma_start3A_29 : memref<80x16xf32, #tpu.memory_space<vmem>>) offsets(%dma_start3A_31 : memref<80xi32, #tpu.memory_space<vmem>>) semaphore(%arg12 : memref<!tpu.dma_semaphore, #tpu.memory_space<semaphore_mem>>)
    %dma_start3A_35 = arith.constant 1 : i32
    %dma_start3A_36 = arith.constant 0 : i32
    %dma_start3A_37 = arith.constant 0 : i32
    %dma_start3A_38 = tpu.memref_slice %arg9[%dma_start3A_35, %dma_start3A_36, %dma_start3A_37] : memref<5x80x16xf32, #tpu.memory_space<vmem>> -> memref<1x80x16xf32, #tpu.memory_space<vmem>>
    %dma_start3A_39 = tpu.memref_squeeze %dma_start3A_38 : memref<1x80x16xf32, #tpu.memory_space<vmem>> -> memref<80x16xf32, #tpu.memory_space<vmem>>
    %dma_start3A_40 = arith.constant 80 : i32
    %dma_start3A_41 = tpu.memref_slice %arg7[%dma_start3A_40] : memref<10000xi32, #tpu.memory_space<vmem>> -> memref<80xi32, #tpu.memory_space<vmem>>
    %dma_start3A_42 = arith.constant 0 : i32
    %dma_start3A_43 = arith.constant 0 : i32
    %dma_start3A_44 = tpu.memref_slice %arg3[%dma_start3A_42, %dma_start3A_43] : memref<10000x16xf32, #tpu.memory_space<hbm>> -> memref<10000x16xf32, #tpu.memory_space<hbm>>
    tpu.enqueue_indirect_dma source(%dma_start3A_44 : memref<10000x16xf32, #tpu.memory_space<hbm>>) target(%dma_start3A_39 : memref<80x16xf32, #tpu.memory_space<vmem>>) offsets(%dma_start3A_41 : memref<80xi32, #tpu.memory_space<vmem>>) semaphore(%arg12 : memref<!tpu.dma_semaphore, #tpu.memory_space<semaphore_mem>>)
    %dma_start3A_45 = arith.constant 2 : i32
    %dma_start3A_46 = arith.constant 0 : i32
    %dma_start3A_47 = arith.constant 0 : i32
    %dma_start3A_48 = tpu.memref_slice %arg8[%dma_start3A_45, %dma_start3A_46, %dma_start3A_47] : memref<5x80x16xf32, #tpu.memory_space<vmem>> -> memref<1x80x16xf32, #tpu.memory_space<vmem>>
    %dma_start3A_49 = tpu.memref_squeeze %dma_start3A_48 : memref<1x80x16xf32, #tpu.memory_space<vmem>> -> memref<80x16xf32, #tpu.memory_space<vmem>>
    %dma_start3A_50 = arith.constant 160 : i32
    %dma_start3A_51 = tpu.memref_slice %arg6[%dma_start3A_50] : memref<10000xi32, #tpu.memory_space<vmem>> -> memref<80xi32, #tpu.memory_space<vmem>>
    %dma_start3A_52 = arith.constant 0 : i32
    %dma_start3A_53 = arith.constant 0 : i32
    %dma_start3A_54 = tpu.memref_slice %arg2[%dma_start3A_52, %dma_start3A_53] : memref<10000x16xf32, #tpu.memory_space<hbm>> -> memref<10000x16xf32, #tpu.memory_space<hbm>>
    tpu.enqueue_indirect_dma source(%dma_start3A_54 : memref<10000x16xf32, #tpu.memory_space<hbm>>) target(%dma_start3A_49 : memref<80x16xf32, #tpu.memory_space<vmem>>) offsets(%dma_start3A_51 : memref<80xi32, #tpu.memory_space<vmem>>) semaphore(%arg13 : memref<!tpu.dma_semaphore, #tpu.memory_space<semaphore_mem>>)
    %dma_start3A_55 = arith.constant 2 : i32
    %dma_start3A_56 = arith.constant 0 : i32
    %dma_start3A_57 = arith.constant 0 : i32
    %dma_start3A_58 = tpu.memref_slice %arg9[%dma_start3A_55, %dma_start3A_56, %dma_start3A_57] : memref<5x80x16xf32, #tpu.memory_space<vmem>> -> memref<1x80x16xf32, #tpu.memory_space<vmem>>
    %dma_start3A_59 = tpu.memref_squeeze %dma_start3A_58 : memref<1x80x16xf32, #tpu.memory_space<vmem>> -> memref<80x16xf32, #tpu.memory_space<vmem>>
    %dma_start3A_60 = arith.constant 160 : i32
    %dma_start3A_61 = tpu.memref_slice %arg7[%dma_start3A_60] : memref<10000xi32, #tpu.memory_space<vmem>> -> memref<80xi32, #tpu.memory_space<vmem>>
    %dma_start3A_62 = arith.constant 0 : i32
    %dma_start3A_63 = arith.constant 0 : i32
    %dma_start3A_64 = tpu.memref_slice %arg3[%dma_start3A_62, %dma_start3A_63] : memref<10000x16xf32, #tpu.memory_space<hbm>> -> memref<10000x16xf32, #tpu.memory_space<hbm>>
    tpu.enqueue_indirect_dma source(%dma_start3A_64 : memref<10000x16xf32, #tpu.memory_space<hbm>>) target(%dma_start3A_59 : memref<80x16xf32, #tpu.memory_space<vmem>>) offsets(%dma_start3A_61 : memref<80xi32, #tpu.memory_space<vmem>>) semaphore(%arg13 : memref<!tpu.dma_semaphore, #tpu.memory_space<semaphore_mem>>)
    %dma_start3A_65 = arith.constant 3 : i32
    %dma_start3A_66 = arith.constant 0 : i32
    %dma_start3A_67 = arith.constant 0 : i32
    %dma_start3A_68 = tpu.memref_slice %arg8[%dma_start3A_65, %dma_start3A_66, %dma_start3A_67] : memref<5x80x16xf32, #tpu.memory_space<vmem>> -> memref<1x80x16xf32, #tpu.memory_space<vmem>>
    %dma_start3A_69 = tpu.memref_squeeze %dma_start3A_68 : memref<1x80x16xf32, #tpu.memory_space<vmem>> -> memref<80x16xf32, #tpu.memory_space<vmem>>
    %dma_start3A_70 = arith.constant 240 : i32
    %dma_start3A_71 = tpu.memref_slice %arg6[%dma_start3A_70] : memref<10000xi32, #tpu.memory_space<vmem>> -> memref<80xi32, #tpu.memory_space<vmem>>
    %dma_start3A_72 = arith.constant 0 : i32
    %dma_start3A_73 = arith.constant 0 : i32
    %dma_start3A_74 = tpu.memref_slice %arg2[%dma_start3A_72, %dma_start3A_73] : memref<10000x16xf32, #tpu.memory_space<hbm>> -> memref<10000x16xf32, #tpu.memory_space<hbm>>
    tpu.enqueue_indirect_dma source(%dma_start3A_74 : memref<10000x16xf32, #tpu.memory_space<hbm>>) target(%dma_start3A_69 : memref<80x16xf32, #tpu.memory_space<vmem>>) offsets(%dma_start3A_71 : memref<80xi32, #tpu.memory_space<vmem>>) semaphore(%arg14 : memref<!tpu.dma_semaphore, #tpu.memory_space<semaphore_mem>>)
    %dma_start3A_75 = arith.constant 3 : i32
    %dma_start3A_76 = arith.constant 0 : i32
    %dma_start3A_77 = arith.constant 0 : i32
    %dma_start3A_78 = tpu.memref_slice %arg9[%dma_start3A_75, %dma_start3A_76, %dma_start3A_77] : memref<5x80x16xf32, #tpu.memory_space<vmem>> -> memref<1x80x16xf32, #tpu.memory_space<vmem>>
    %dma_start3A_79 = tpu.memref_squeeze %dma_start3A_78 : memref<1x80x16xf32, #tpu.memory_space<vmem>> -> memref<80x16xf32, #tpu.memory_space<vmem>>
    %dma_start3A_80 = arith.constant 240 : i32
    %dma_start3A_81 = tpu.memref_slice %arg7[%dma_start3A_80] : memref<10000xi32, #tpu.memory_space<vmem>> -> memref<80xi32, #tpu.memory_space<vmem>>
    %dma_start3A_82 = arith.constant 0 : i32
    %dma_start3A_83 = arith.constant 0 : i32
    %dma_start3A_84 = tpu.memref_slice %arg3[%dma_start3A_82, %dma_start3A_83] : memref<10000x16xf32, #tpu.memory_space<hbm>> -> memref<10000x16xf32, #tpu.memory_space<hbm>>
    tpu.enqueue_indirect_dma source(%dma_start3A_84 : memref<10000x16xf32, #tpu.memory_space<hbm>>) target(%dma_start3A_79 : memref<80x16xf32, #tpu.memory_space<vmem>>) offsets(%dma_start3A_81 : memref<80xi32, #tpu.memory_space<vmem>>) semaphore(%arg14 : memref<!tpu.dma_semaphore, #tpu.memory_space<semaphore_mem>>)
    %dma_start3A_85 = arith.constant 4 : i32
    %dma_start3A_86 = arith.constant 0 : i32
    %dma_start3A_87 = arith.constant 0 : i32
    %dma_start3A_88 = tpu.memref_slice %arg8[%dma_start3A_85, %dma_start3A_86, %dma_start3A_87] : memref<5x80x16xf32, #tpu.memory_space<vmem>> -> memref<1x80x16xf32, #tpu.memory_space<vmem>>
    %dma_start3A_89 = tpu.memref_squeeze %dma_start3A_88 : memref<1x80x16xf32, #tpu.memory_space<vmem>> -> memref<80x16xf32, #tpu.memory_space<vmem>>
    %dma_start3A_90 = arith.constant 320 : i32
    %dma_start3A_91 = tpu.memref_slice %arg6[%dma_start3A_90] : memref<10000xi32, #tpu.memory_space<vmem>> -> memref<80xi32, #tpu.memory_space<vmem>>
    %dma_start3A_92 = arith.constant 0 : i32
    %dma_start3A_93 = arith.constant 0 : i32
    %dma_start3A_94 = tpu.memref_slice %arg2[%dma_start3A_92, %dma_start3A_93] : memref<10000x16xf32, #tpu.memory_space<hbm>> -> memref<10000x16xf32, #tpu.memory_space<hbm>>
    tpu.enqueue_indirect_dma source(%dma_start3A_94 : memref<10000x16xf32, #tpu.memory_space<hbm>>) target(%dma_start3A_89 : memref<80x16xf32, #tpu.memory_space<vmem>>) offsets(%dma_start3A_91 : memref<80xi32, #tpu.memory_space<vmem>>) semaphore(%arg15 : memref<!tpu.dma_semaphore, #tpu.memory_space<semaphore_mem>>)
    %dma_start3A_95 = arith.constant 4 : i32
    %dma_start3A_96 = arith.constant 0 : i32
    %dma_start3A_97 = arith.constant 0 : i32
    %dma_start3A_98 = tpu.memref_slice %arg9[%dma_start3A_95, %dma_start3A_96, %dma_start3A_97] : memref<5x80x16xf32, #tpu.memory_space<vmem>> -> memref<1x80x16xf32, #tpu.memory_space<vmem>>
    %dma_start3A_99 = tpu.memref_squeeze %dma_start3A_98 : memref<1x80x16xf32, #tpu.memory_space<vmem>> -> memref<80x16xf32, #tpu.memory_space<vmem>>
    %dma_start3A_100 = arith.constant 320 : i32
    %dma_start3A_101 = tpu.memref_slice %arg7[%dma_start3A_100] : memref<10000xi32, #tpu.memory_space<vmem>> -> memref<80xi32, #tpu.memory_space<vmem>>
    %dma_start3A_102 = arith.constant 0 : i32
    %dma_start3A_103 = arith.constant 0 : i32
    %dma_start3A_104 = tpu.memref_slice %arg3[%dma_start3A_102, %dma_start3A_103] : memref<10000x16xf32, #tpu.memory_space<hbm>> -> memref<10000x16xf32, #tpu.memory_space<hbm>>
    tpu.enqueue_indirect_dma source(%dma_start3A_104 : memref<10000x16xf32, #tpu.memory_space<hbm>>) target(%dma_start3A_99 : memref<80x16xf32, #tpu.memory_space<vmem>>) offsets(%dma_start3A_101 : memref<80xi32, #tpu.memory_space<vmem>>) semaphore(%arg15 : memref<!tpu.dma_semaphore, #tpu.memory_space<semaphore_mem>>)
    %iota3A = tpu.iota {dimensions = array<i32: 0>} : vector<16xi32>
    %mul3A_105 = arith.constant 400 : i32
    %mul3A_106 = vector.broadcast %mul3A_105 : i32 to vector<16xi32>
    %mul3A_107 = arith.muli %iota3A, %mul3A_106 : vector<16xi32>
    %scan3A = arith.constant 0 : i32
    %scan3A_108 = arith.constant 0 : i32
    %scan3A_109 = arith.constant 25 : i32
    %scan3A_110 = arith.addi %scan3A_108, %scan3A_109 : i32
    %scan3A_111 = arith.constant 1 : i32
    scf.for %scan3A_260 = %scan3A_108 to %scan3A_110 step %scan3A_111  : i32 {
      %gt3A = arith.constant 0 : i32
      %gt3A_261 = arith.cmpi sgt, %scan3A_260, %gt3A : i32
      %convert_element_type3A = arith.extui %gt3A_261 : i1 to i32
      %cond3A = arith.constant 0 : i32
      %cond3A_262 = arith.cmpi ne, %convert_element_type3A, %cond3A : i32
      scf.if %cond3A_262 {
        %sub3A = arith.constant 1 : i32
        %sub3A_590 = arith.subi %scan3A_260, %sub3A : i32
        %mul3A_591 = arith.constant 10000 : i32
        %mul3A_592 = arith.muli %add3A, %mul3A_591 : i32
        %mul3A_593 = arith.constant 400 : i32
        %mul3A_594 = arith.muli %sub3A_590, %mul3A_593 : i32
        %add3A_595 = arith.addi %mul3A_592, %mul3A_594 : i32
        %dma_wait3A_596 = arith.constant 0 : i32
        %dma_wait3A_597 = arith.constant 0 : i32
        %dma_wait3A_598 = tpu.memref_slice %arg10[%dma_wait3A_597] : memref<6400xf32, #tpu.memory_space<vmem>> -> memref<400xf32, #tpu.memory_space<vmem>>
        %dma_wait3A_599 = tpu.memref_slice %arg5[%dma_wait3A_596, %add3A_595] : memref<16x320000xf32, #tpu.memory_space<hbm>> -> memref<1x400xf32, #tpu.memory_space<hbm>>
        %dma_wait3A_600 = tpu.memref_squeeze %dma_wait3A_599 : memref<1x400xf32, #tpu.memory_space<hbm>> -> memref<400xf32, #tpu.memory_space<hbm>>
        %dma_wait3A_601 = tpu.memref_slice %arg5[%dma_wait3A_596, %add3A_595] : memref<16x320000xf32, #tpu.memory_space<hbm>> -> memref<1x400xf32, #tpu.memory_space<hbm>>
        %dma_wait3A_602 = tpu.memref_squeeze %dma_wait3A_601 : memref<1x400xf32, #tpu.memory_space<hbm>> -> memref<400xf32, #tpu.memory_space<hbm>>
        %dma_wait3A_603 = arith.constant 0 : i32
        %dma_wait3A_604 = tpu.memref_slice %arg10[%dma_wait3A_603] : memref<6400xf32, #tpu.memory_space<vmem>> -> memref<400xf32, #tpu.memory_space<vmem>>
        tpu.wait_dma2 semaphore(%arg16 : memref<!tpu.dma_semaphore, #tpu.memory_space<semaphore_mem>>) src(%dma_wait3A_604 : memref<400xf32, #tpu.memory_space<vmem>>) dst(%dma_wait3A_602 : memref<400xf32, #tpu.memory_space<hbm>>)
        %dma_wait3A_605 = arith.constant 1 : i32
        %dma_wait3A_606 = arith.constant 400 : i32
        %dma_wait3A_607 = tpu.memref_slice %arg10[%dma_wait3A_606] : memref<6400xf32, #tpu.memory_space<vmem>> -> memref<400xf32, #tpu.memory_space<vmem>>
        %dma_wait3A_608 = tpu.memref_slice %arg5[%dma_wait3A_605, %add3A_595] : memref<16x320000xf32, #tpu.memory_space<hbm>> -> memref<1x400xf32, #tpu.memory_space<hbm>>
        %dma_wait3A_609 = tpu.memref_squeeze %dma_wait3A_608 : memref<1x400xf32, #tpu.memory_space<hbm>> -> memref<400xf32, #tpu.memory_space<hbm>>
        %dma_wait3A_610 = tpu.memref_slice %arg5[%dma_wait3A_605, %add3A_595] : memref<16x320000xf32, #tpu.memory_space<hbm>> -> memref<1x400xf32, #tpu.memory_space<hbm>>
        %dma_wait3A_611 = tpu.memref_squeeze %dma_wait3A_610 : memref<1x400xf32, #tpu.memory_space<hbm>> -> memref<400xf32, #tpu.memory_space<hbm>>
        %dma_wait3A_612 = arith.constant 400 : i32
        %dma_wait3A_613 = tpu.memref_slice %arg10[%dma_wait3A_612] : memref<6400xf32, #tpu.memory_space<vmem>> -> memref<400xf32, #tpu.memory_space<vmem>>
        tpu.wait_dma2 semaphore(%arg16 : memref<!tpu.dma_semaphore, #tpu.memory_space<semaphore_mem>>) src(%dma_wait3A_613 : memref<400xf32, #tpu.memory_space<vmem>>) dst(%dma_wait3A_611 : memref<400xf32, #tpu.memory_space<hbm>>)
        %dma_wait3A_614 = arith.constant 2 : i32
        %dma_wait3A_615 = arith.constant 800 : i32
        %dma_wait3A_616 = tpu.memref_slice %arg10[%dma_wait3A_615] : memref<6400xf32, #tpu.memory_space<vmem>> -> memref<400xf32, #tpu.memory_space<vmem>>
        %dma_wait3A_617 = tpu.memref_slice %arg5[%dma_wait3A_614, %add3A_595] : memref<16x320000xf32, #tpu.memory_space<hbm>> -> memref<1x400xf32, #tpu.memory_space<hbm>>
        %dma_wait3A_618 = tpu.memref_squeeze %dma_wait3A_617 : memref<1x400xf32, #tpu.memory_space<hbm>> -> memref<400xf32, #tpu.memory_space<hbm>>
        %dma_wait3A_619 = tpu.memref_slice %arg5[%dma_wait3A_614, %add3A_595] : memref<16x320000xf32, #tpu.memory_space<hbm>> -> memref<1x400xf32, #tpu.memory_space<hbm>>
        %dma_wait3A_620 = tpu.memref_squeeze %dma_wait3A_619 : memref<1x400xf32, #tpu.memory_space<hbm>> -> memref<400xf32, #tpu.memory_space<hbm>>
        %dma_wait3A_621 = arith.constant 800 : i32
        %dma_wait3A_622 = tpu.memref_slice %arg10[%dma_wait3A_621] : memref<6400xf32, #tpu.memory_space<vmem>> -> memref<400xf32, #tpu.memory_space<vmem>>
        tpu.wait_dma2 semaphore(%arg16 : memref<!tpu.dma_semaphore, #tpu.memory_space<semaphore_mem>>) src(%dma_wait3A_622 : memref<400xf32, #tpu.memory_space<vmem>>) dst(%dma_wait3A_620 : memref<400xf32, #tpu.memory_space<hbm>>)
        %dma_wait3A_623 = arith.constant 3 : i32
        %dma_wait3A_624 = arith.constant 1200 : i32
        %dma_wait3A_625 = tpu.memref_slice %arg10[%dma_wait3A_624] : memref<6400xf32, #tpu.memory_space<vmem>> -> memref<400xf32, #tpu.memory_space<vmem>>
        %dma_wait3A_626 = tpu.memref_slice %arg5[%dma_wait3A_623, %add3A_595] : memref<16x320000xf32, #tpu.memory_space<hbm>> -> memref<1x400xf32, #tpu.memory_space<hbm>>
        %dma_wait3A_627 = tpu.memref_squeeze %dma_wait3A_626 : memref<1x400xf32, #tpu.memory_space<hbm>> -> memref<400xf32, #tpu.memory_space<hbm>>
        %dma_wait3A_628 = tpu.memref_slice %arg5[%dma_wait3A_623, %add3A_595] : memref<16x320000xf32, #tpu.memory_space<hbm>> -> memref<1x400xf32, #tpu.memory_space<hbm>>
        %dma_wait3A_629 = tpu.memref_squeeze %dma_wait3A_628 : memref<1x400xf32, #tpu.memory_space<hbm>> -> memref<400xf32, #tpu.memory_space<hbm>>
        %dma_wait3A_630 = arith.constant 1200 : i32
        %dma_wait3A_631 = tpu.memref_slice %arg10[%dma_wait3A_630] : memref<6400xf32, #tpu.memory_space<vmem>> -> memref<400xf32, #tpu.memory_space<vmem>>
        tpu.wait_dma2 semaphore(%arg16 : memref<!tpu.dma_semaphore, #tpu.memory_space<semaphore_mem>>) src(%dma_wait3A_631 : memref<400xf32, #tpu.memory_space<vmem>>) dst(%dma_wait3A_629 : memref<400xf32, #tpu.memory_space<hbm>>)
        %dma_wait3A_632 = arith.constant 4 : i32
        %dma_wait3A_633 = arith.constant 1600 : i32
        %dma_wait3A_634 = tpu.memref_slice %arg10[%dma_wait3A_633] : memref<6400xf32, #tpu.memory_space<vmem>> -> memref<400xf32, #tpu.memory_space<vmem>>
        %dma_wait3A_635 = tpu.memref_slice %arg5[%dma_wait3A_632, %add3A_595] : memref<16x320000xf32, #tpu.memory_space<hbm>> -> memref<1x400xf32, #tpu.memory_space<hbm>>
        %dma_wait3A_636 = tpu.memref_squeeze %dma_wait3A_635 : memref<1x400xf32, #tpu.memory_space<hbm>> -> memref<400xf32, #tpu.memory_space<hbm>>
        %dma_wait3A_637 = tpu.memref_slice %arg5[%dma_wait3A_632, %add3A_595] : memref<16x320000xf32, #tpu.memory_space<hbm>> -> memref<1x400xf32, #tpu.memory_space<hbm>>
        %dma_wait3A_638 = tpu.memref_squeeze %dma_wait3A_637 : memref<1x400xf32, #tpu.memory_space<hbm>> -> memref<400xf32, #tpu.memory_space<hbm>>
        %dma_wait3A_639 = arith.constant 1600 : i32
        %dma_wait3A_640 = tpu.memref_slice %arg10[%dma_wait3A_639] : memref<6400xf32, #tpu.memory_space<vmem>> -> memref<400xf32, #tpu.memory_space<vmem>>
        tpu.wait_dma2 semaphore(%arg16 : memref<!tpu.dma_semaphore, #tpu.memory_space<semaphore_mem>>) src(%dma_wait3A_640 : memref<400xf32, #tpu.memory_space<vmem>>) dst(%dma_wait3A_638 : memref<400xf32, #tpu.memory_space<hbm>>)
        %dma_wait3A_641 = arith.constant 5 : i32
        %dma_wait3A_642 = arith.constant 2000 : i32
        %dma_wait3A_643 = tpu.memref_slice %arg10[%dma_wait3A_642] : memref<6400xf32, #tpu.memory_space<vmem>> -> memref<400xf32, #tpu.memory_space<vmem>>
        %dma_wait3A_644 = tpu.memref_slice %arg5[%dma_wait3A_641, %add3A_595] : memref<16x320000xf32, #tpu.memory_space<hbm>> -> memref<1x400xf32, #tpu.memory_space<hbm>>
        %dma_wait3A_645 = tpu.memref_squeeze %dma_wait3A_644 : memref<1x400xf32, #tpu.memory_space<hbm>> -> memref<400xf32, #tpu.memory_space<hbm>>
        %dma_wait3A_646 = tpu.memref_slice %arg5[%dma_wait3A_641, %add3A_595] : memref<16x320000xf32, #tpu.memory_space<hbm>> -> memref<1x400xf32, #tpu.memory_space<hbm>>
        %dma_wait3A_647 = tpu.memref_squeeze %dma_wait3A_646 : memref<1x400xf32, #tpu.memory_space<hbm>> -> memref<400xf32, #tpu.memory_space<hbm>>
        %dma_wait3A_648 = arith.constant 2000 : i32
        %dma_wait3A_649 = tpu.memref_slice %arg10[%dma_wait3A_648] : memref<6400xf32, #tpu.memory_space<vmem>> -> memref<400xf32, #tpu.memory_space<vmem>>
        tpu.wait_dma2 semaphore(%arg16 : memref<!tpu.dma_semaphore, #tpu.memory_space<semaphore_mem>>) src(%dma_wait3A_649 : memref<400xf32, #tpu.memory_space<vmem>>) dst(%dma_wait3A_647 : memref<400xf32, #tpu.memory_space<hbm>>)
        %dma_wait3A_650 = arith.constant 6 : i32
        %dma_wait3A_651 = arith.constant 2400 : i32
        %dma_wait3A_652 = tpu.memref_slice %arg10[%dma_wait3A_651] : memref<6400xf32, #tpu.memory_space<vmem>> -> memref<400xf32, #tpu.memory_space<vmem>>
        %dma_wait3A_653 = tpu.memref_slice %arg5[%dma_wait3A_650, %add3A_595] : memref<16x320000xf32, #tpu.memory_space<hbm>> -> memref<1x400xf32, #tpu.memory_space<hbm>>
        %dma_wait3A_654 = tpu.memref_squeeze %dma_wait3A_653 : memref<1x400xf32, #tpu.memory_space<hbm>> -> memref<400xf32, #tpu.memory_space<hbm>>
        %dma_wait3A_655 = tpu.memref_slice %arg5[%dma_wait3A_650, %add3A_595] : memref<16x320000xf32, #tpu.memory_space<hbm>> -> memref<1x400xf32, #tpu.memory_space<hbm>>
        %dma_wait3A_656 = tpu.memref_squeeze %dma_wait3A_655 : memref<1x400xf32, #tpu.memory_space<hbm>> -> memref<400xf32, #tpu.memory_space<hbm>>
        %dma_wait3A_657 = arith.constant 2400 : i32
        %dma_wait3A_658 = tpu.memref_slice %arg10[%dma_wait3A_657] : memref<6400xf32, #tpu.memory_space<vmem>> -> memref<400xf32, #tpu.memory_space<vmem>>
        tpu.wait_dma2 semaphore(%arg16 : memref<!tpu.dma_semaphore, #tpu.memory_space<semaphore_mem>>) src(%dma_wait3A_658 : memref<400xf32, #tpu.memory_space<vmem>>) dst(%dma_wait3A_656 : memref<400xf32, #tpu.memory_space<hbm>>)
        %dma_wait3A_659 = arith.constant 7 : i32
        %dma_wait3A_660 = arith.constant 2800 : i32
        %dma_wait3A_661 = tpu.memref_slice %arg10[%dma_wait3A_660] : memref<6400xf32, #tpu.memory_space<vmem>> -> memref<400xf32, #tpu.memory_space<vmem>>
        %dma_wait3A_662 = tpu.memref_slice %arg5[%dma_wait3A_659, %add3A_595] : memref<16x320000xf32, #tpu.memory_space<hbm>> -> memref<1x400xf32, #tpu.memory_space<hbm>>
        %dma_wait3A_663 = tpu.memref_squeeze %dma_wait3A_662 : memref<1x400xf32, #tpu.memory_space<hbm>> -> memref<400xf32, #tpu.memory_space<hbm>>
        %dma_wait3A_664 = tpu.memref_slice %arg5[%dma_wait3A_659, %add3A_595] : memref<16x320000xf32, #tpu.memory_space<hbm>> -> memref<1x400xf32, #tpu.memory_space<hbm>>
        %dma_wait3A_665 = tpu.memref_squeeze %dma_wait3A_664 : memref<1x400xf32, #tpu.memory_space<hbm>> -> memref<400xf32, #tpu.memory_space<hbm>>
        %dma_wait3A_666 = arith.constant 2800 : i32
        %dma_wait3A_667 = tpu.memref_slice %arg10[%dma_wait3A_666] : memref<6400xf32, #tpu.memory_space<vmem>> -> memref<400xf32, #tpu.memory_space<vmem>>
        tpu.wait_dma2 semaphore(%arg16 : memref<!tpu.dma_semaphore, #tpu.memory_space<semaphore_mem>>) src(%dma_wait3A_667 : memref<400xf32, #tpu.memory_space<vmem>>) dst(%dma_wait3A_665 : memref<400xf32, #tpu.memory_space<hbm>>)
        %dma_wait3A_668 = arith.constant 8 : i32
        %dma_wait3A_669 = arith.constant 3200 : i32
        %dma_wait3A_670 = tpu.memref_slice %arg10[%dma_wait3A_669] : memref<6400xf32, #tpu.memory_space<vmem>> -> memref<400xf32, #tpu.memory_space<vmem>>
        %dma_wait3A_671 = tpu.memref_slice %arg5[%dma_wait3A_668, %add3A_595] : memref<16x320000xf32, #tpu.memory_space<hbm>> -> memref<1x400xf32, #tpu.memory_space<hbm>>
        %dma_wait3A_672 = tpu.memref_squeeze %dma_wait3A_671 : memref<1x400xf32, #tpu.memory_space<hbm>> -> memref<400xf32, #tpu.memory_space<hbm>>
        %dma_wait3A_673 = tpu.memref_slice %arg5[%dma_wait3A_668, %add3A_595] : memref<16x320000xf32, #tpu.memory_space<hbm>> -> memref<1x400xf32, #tpu.memory_space<hbm>>
        %dma_wait3A_674 = tpu.memref_squeeze %dma_wait3A_673 : memref<1x400xf32, #tpu.memory_space<hbm>> -> memref<400xf32, #tpu.memory_space<hbm>>
        %dma_wait3A_675 = arith.constant 3200 : i32
        %dma_wait3A_676 = tpu.memref_slice %arg10[%dma_wait3A_675] : memref<6400xf32, #tpu.memory_space<vmem>> -> memref<400xf32, #tpu.memory_space<vmem>>
        tpu.wait_dma2 semaphore(%arg16 : memref<!tpu.dma_semaphore, #tpu.memory_space<semaphore_mem>>) src(%dma_wait3A_676 : memref<400xf32, #tpu.memory_space<vmem>>) dst(%dma_wait3A_674 : memref<400xf32, #tpu.memory_space<hbm>>)
        %dma_wait3A_677 = arith.constant 9 : i32
        %dma_wait3A_678 = arith.constant 3600 : i32
        %dma_wait3A_679 = tpu.memref_slice %arg10[%dma_wait3A_678] : memref<6400xf32, #tpu.memory_space<vmem>> -> memref<400xf32, #tpu.memory_space<vmem>>
        %dma_wait3A_680 = tpu.memref_slice %arg5[%dma_wait3A_677, %add3A_595] : memref<16x320000xf32, #tpu.memory_space<hbm>> -> memref<1x400xf32, #tpu.memory_space<hbm>>
        %dma_wait3A_681 = tpu.memref_squeeze %dma_wait3A_680 : memref<1x400xf32, #tpu.memory_space<hbm>> -> memref<400xf32, #tpu.memory_space<hbm>>
        %dma_wait3A_682 = tpu.memref_slice %arg5[%dma_wait3A_677, %add3A_595] : memref<16x320000xf32, #tpu.memory_space<hbm>> -> memref<1x400xf32, #tpu.memory_space<hbm>>
        %dma_wait3A_683 = tpu.memref_squeeze %dma_wait3A_682 : memref<1x400xf32, #tpu.memory_space<hbm>> -> memref<400xf32, #tpu.memory_space<hbm>>
        %dma_wait3A_684 = arith.constant 3600 : i32
        %dma_wait3A_685 = tpu.memref_slice %arg10[%dma_wait3A_684] : memref<6400xf32, #tpu.memory_space<vmem>> -> memref<400xf32, #tpu.memory_space<vmem>>
        tpu.wait_dma2 semaphore(%arg16 : memref<!tpu.dma_semaphore, #tpu.memory_space<semaphore_mem>>) src(%dma_wait3A_685 : memref<400xf32, #tpu.memory_space<vmem>>) dst(%dma_wait3A_683 : memref<400xf32, #tpu.memory_space<hbm>>)
        %dma_wait3A_686 = arith.constant 10 : i32
        %dma_wait3A_687 = arith.constant 4000 : i32
        %dma_wait3A_688 = tpu.memref_slice %arg10[%dma_wait3A_687] : memref<6400xf32, #tpu.memory_space<vmem>> -> memref<400xf32, #tpu.memory_space<vmem>>
        %dma_wait3A_689 = tpu.memref_slice %arg5[%dma_wait3A_686, %add3A_595] : memref<16x320000xf32, #tpu.memory_space<hbm>> -> memref<1x400xf32, #tpu.memory_space<hbm>>
        %dma_wait3A_690 = tpu.memref_squeeze %dma_wait3A_689 : memref<1x400xf32, #tpu.memory_space<hbm>> -> memref<400xf32, #tpu.memory_space<hbm>>
        %dma_wait3A_691 = tpu.memref_slice %arg5[%dma_wait3A_686, %add3A_595] : memref<16x320000xf32, #tpu.memory_space<hbm>> -> memref<1x400xf32, #tpu.memory_space<hbm>>
        %dma_wait3A_692 = tpu.memref_squeeze %dma_wait3A_691 : memref<1x400xf32, #tpu.memory_space<hbm>> -> memref<400xf32, #tpu.memory_space<hbm>>
        %dma_wait3A_693 = arith.constant 4000 : i32
        %dma_wait3A_694 = tpu.memref_slice %arg10[%dma_wait3A_693] : memref<6400xf32, #tpu.memory_space<vmem>> -> memref<400xf32, #tpu.memory_space<vmem>>
        tpu.wait_dma2 semaphore(%arg16 : memref<!tpu.dma_semaphore, #tpu.memory_space<semaphore_mem>>) src(%dma_wait3A_694 : memref<400xf32, #tpu.memory_space<vmem>>) dst(%dma_wait3A_692 : memref<400xf32, #tpu.memory_space<hbm>>)
        %dma_wait3A_695 = arith.constant 11 : i32
        %dma_wait3A_696 = arith.constant 4400 : i32
        %dma_wait3A_697 = tpu.memref_slice %arg10[%dma_wait3A_696] : memref<6400xf32, #tpu.memory_space<vmem>> -> memref<400xf32, #tpu.memory_space<vmem>>
        %dma_wait3A_698 = tpu.memref_slice %arg5[%dma_wait3A_695, %add3A_595] : memref<16x320000xf32, #tpu.memory_space<hbm>> -> memref<1x400xf32, #tpu.memory_space<hbm>>
        %dma_wait3A_699 = tpu.memref_squeeze %dma_wait3A_698 : memref<1x400xf32, #tpu.memory_space<hbm>> -> memref<400xf32, #tpu.memory_space<hbm>>
        %dma_wait3A_700 = tpu.memref_slice %arg5[%dma_wait3A_695, %add3A_595] : memref<16x320000xf32, #tpu.memory_space<hbm>> -> memref<1x400xf32, #tpu.memory_space<hbm>>
        %dma_wait3A_701 = tpu.memref_squeeze %dma_wait3A_700 : memref<1x400xf32, #tpu.memory_space<hbm>> -> memref<400xf32, #tpu.memory_space<hbm>>
        %dma_wait3A_702 = arith.constant 4400 : i32
        %dma_wait3A_703 = tpu.memref_slice %arg10[%dma_wait3A_702] : memref<6400xf32, #tpu.memory_space<vmem>> -> memref<400xf32, #tpu.memory_space<vmem>>
        tpu.wait_dma2 semaphore(%arg16 : memref<!tpu.dma_semaphore, #tpu.memory_space<semaphore_mem>>) src(%dma_wait3A_703 : memref<400xf32, #tpu.memory_space<vmem>>) dst(%dma_wait3A_701 : memref<400xf32, #tpu.memory_space<hbm>>)
        %dma_wait3A_704 = arith.constant 12 : i32
        %dma_wait3A_705 = arith.constant 4800 : i32
        %dma_wait3A_706 = tpu.memref_slice %arg10[%dma_wait3A_705] : memref<6400xf32, #tpu.memory_space<vmem>> -> memref<400xf32, #tpu.memory_space<vmem>>
        %dma_wait3A_707 = tpu.memref_slice %arg5[%dma_wait3A_704, %add3A_595] : memref<16x320000xf32, #tpu.memory_space<hbm>> -> memref<1x400xf32, #tpu.memory_space<hbm>>
        %dma_wait3A_708 = tpu.memref_squeeze %dma_wait3A_707 : memref<1x400xf32, #tpu.memory_space<hbm>> -> memref<400xf32, #tpu.memory_space<hbm>>
        %dma_wait3A_709 = tpu.memref_slice %arg5[%dma_wait3A_704, %add3A_595] : memref<16x320000xf32, #tpu.memory_space<hbm>> -> memref<1x400xf32, #tpu.memory_space<hbm>>
        %dma_wait3A_710 = tpu.memref_squeeze %dma_wait3A_709 : memref<1x400xf32, #tpu.memory_space<hbm>> -> memref<400xf32, #tpu.memory_space<hbm>>
        %dma_wait3A_711 = arith.constant 4800 : i32
        %dma_wait3A_712 = tpu.memref_slice %arg10[%dma_wait3A_711] : memref<6400xf32, #tpu.memory_space<vmem>> -> memref<400xf32, #tpu.memory_space<vmem>>
        tpu.wait_dma2 semaphore(%arg16 : memref<!tpu.dma_semaphore, #tpu.memory_space<semaphore_mem>>) src(%dma_wait3A_712 : memref<400xf32, #tpu.memory_space<vmem>>) dst(%dma_wait3A_710 : memref<400xf32, #tpu.memory_space<hbm>>)
        %dma_wait3A_713 = arith.constant 13 : i32
        %dma_wait3A_714 = arith.constant 5200 : i32
        %dma_wait3A_715 = tpu.memref_slice %arg10[%dma_wait3A_714] : memref<6400xf32, #tpu.memory_space<vmem>> -> memref<400xf32, #tpu.memory_space<vmem>>
        %dma_wait3A_716 = tpu.memref_slice %arg5[%dma_wait3A_713, %add3A_595] : memref<16x320000xf32, #tpu.memory_space<hbm>> -> memref<1x400xf32, #tpu.memory_space<hbm>>
        %dma_wait3A_717 = tpu.memref_squeeze %dma_wait3A_716 : memref<1x400xf32, #tpu.memory_space<hbm>> -> memref<400xf32, #tpu.memory_space<hbm>>
        %dma_wait3A_718 = tpu.memref_slice %arg5[%dma_wait3A_713, %add3A_595] : memref<16x320000xf32, #tpu.memory_space<hbm>> -> memref<1x400xf32, #tpu.memory_space<hbm>>
        %dma_wait3A_719 = tpu.memref_squeeze %dma_wait3A_718 : memref<1x400xf32, #tpu.memory_space<hbm>> -> memref<400xf32, #tpu.memory_space<hbm>>
        %dma_wait3A_720 = arith.constant 5200 : i32
        %dma_wait3A_721 = tpu.memref_slice %arg10[%dma_wait3A_720] : memref<6400xf32, #tpu.memory_space<vmem>> -> memref<400xf32, #tpu.memory_space<vmem>>
        tpu.wait_dma2 semaphore(%arg16 : memref<!tpu.dma_semaphore, #tpu.memory_space<semaphore_mem>>) src(%dma_wait3A_721 : memref<400xf32, #tpu.memory_space<vmem>>) dst(%dma_wait3A_719 : memref<400xf32, #tpu.memory_space<hbm>>)
        %dma_wait3A_722 = arith.constant 14 : i32
        %dma_wait3A_723 = arith.constant 5600 : i32
        %dma_wait3A_724 = tpu.memref_slice %arg10[%dma_wait3A_723] : memref<6400xf32, #tpu.memory_space<vmem>> -> memref<400xf32, #tpu.memory_space<vmem>>
        %dma_wait3A_725 = tpu.memref_slice %arg5[%dma_wait3A_722, %add3A_595] : memref<16x320000xf32, #tpu.memory_space<hbm>> -> memref<1x400xf32, #tpu.memory_space<hbm>>
        %dma_wait3A_726 = tpu.memref_squeeze %dma_wait3A_725 : memref<1x400xf32, #tpu.memory_space<hbm>> -> memref<400xf32, #tpu.memory_space<hbm>>
        %dma_wait3A_727 = tpu.memref_slice %arg5[%dma_wait3A_722, %add3A_595] : memref<16x320000xf32, #tpu.memory_space<hbm>> -> memref<1x400xf32, #tpu.memory_space<hbm>>
        %dma_wait3A_728 = tpu.memref_squeeze %dma_wait3A_727 : memref<1x400xf32, #tpu.memory_space<hbm>> -> memref<400xf32, #tpu.memory_space<hbm>>
        %dma_wait3A_729 = arith.constant 5600 : i32
        %dma_wait3A_730 = tpu.memref_slice %arg10[%dma_wait3A_729] : memref<6400xf32, #tpu.memory_space<vmem>> -> memref<400xf32, #tpu.memory_space<vmem>>
        tpu.wait_dma2 semaphore(%arg16 : memref<!tpu.dma_semaphore, #tpu.memory_space<semaphore_mem>>) src(%dma_wait3A_730 : memref<400xf32, #tpu.memory_space<vmem>>) dst(%dma_wait3A_728 : memref<400xf32, #tpu.memory_space<hbm>>)
        %dma_wait3A_731 = arith.constant 15 : i32
        %dma_wait3A_732 = arith.constant 6000 : i32
        %dma_wait3A_733 = tpu.memref_slice %arg10[%dma_wait3A_732] : memref<6400xf32, #tpu.memory_space<vmem>> -> memref<400xf32, #tpu.memory_space<vmem>>
        %dma_wait3A_734 = tpu.memref_slice %arg5[%dma_wait3A_731, %add3A_595] : memref<16x320000xf32, #tpu.memory_space<hbm>> -> memref<1x400xf32, #tpu.memory_space<hbm>>
        %dma_wait3A_735 = tpu.memref_squeeze %dma_wait3A_734 : memref<1x400xf32, #tpu.memory_space<hbm>> -> memref<400xf32, #tpu.memory_space<hbm>>
        %dma_wait3A_736 = tpu.memref_slice %arg5[%dma_wait3A_731, %add3A_595] : memref<16x320000xf32, #tpu.memory_space<hbm>> -> memref<1x400xf32, #tpu.memory_space<hbm>>
        %dma_wait3A_737 = tpu.memref_squeeze %dma_wait3A_736 : memref<1x400xf32, #tpu.memory_space<hbm>> -> memref<400xf32, #tpu.memory_space<hbm>>
        %dma_wait3A_738 = arith.constant 6000 : i32
        %dma_wait3A_739 = tpu.memref_slice %arg10[%dma_wait3A_738] : memref<6400xf32, #tpu.memory_space<vmem>> -> memref<400xf32, #tpu.memory_space<vmem>>
        tpu.wait_dma2 semaphore(%arg16 : memref<!tpu.dma_semaphore, #tpu.memory_space<semaphore_mem>>) src(%dma_wait3A_739 : memref<400xf32, #tpu.memory_space<vmem>>) dst(%dma_wait3A_737 : memref<400xf32, #tpu.memory_space<hbm>>)
      } else {
      }
      %mul3A_263 = arith.constant 5 : i32
      %mul3A_264 = arith.muli %scan3A_260, %mul3A_263 : i32
      %add3A_265 = arith.constant 0 : i32
      %add3A_266 = arith.addi %mul3A_264, %add3A_265 : i32
      %mul3A_267 = arith.constant 80 : i32
      %mul3A_268 = arith.muli %add3A_266, %mul3A_267 : i32
      %dma_wait3A_269 = arith.constant 0 : i32
      %dma_wait3A_270 = arith.constant 0 : i32
      %dma_wait3A_271 = arith.constant 0 : i32
      %dma_wait3A_272 = tpu.memref_slice %arg8[%dma_wait3A_269, %dma_wait3A_270, %dma_wait3A_271] : memref<5x80x16xf32, #tpu.memory_space<vmem>> -> memref<1x80x16xf32, #tpu.memory_space<vmem>>
      %dma_wait3A_273 = tpu.memref_squeeze %dma_wait3A_272 : memref<1x80x16xf32, #tpu.memory_space<vmem>> -> memref<80x16xf32, #tpu.memory_space<vmem>>
      %dma_wait3A_274 = tpu.memref_slice %arg6[%mul3A_268] : memref<10000xi32, #tpu.memory_space<vmem>> -> memref<80xi32, #tpu.memory_space<vmem>>
      %dma_wait3A_275 = arith.constant 0 : i32
      %dma_wait3A_276 = arith.constant 0 : i32
      %dma_wait3A_277 = tpu.memref_slice %arg2[%dma_wait3A_275, %dma_wait3A_276] : memref<10000x16xf32, #tpu.memory_space<hbm>> -> memref<10000x16xf32, #tpu.memory_space<hbm>>
      tpu.wait_indirect_dma semaphore(%arg11 : memref<!tpu.dma_semaphore, #tpu.memory_space<semaphore_mem>>) src(%dma_wait3A_277 : memref<10000x16xf32, #tpu.memory_space<hbm>>) dst(%dma_wait3A_273 : memref<80x16xf32, #tpu.memory_space<vmem>>)
      %mul3A_278 = arith.constant 80 : i32
      %mul3A_279 = arith.muli %add3A_266, %mul3A_278 : i32
      %dma_wait3A_280 = arith.constant 0 : i32
      %dma_wait3A_281 = arith.constant 0 : i32
      %dma_wait3A_282 = arith.constant 0 : i32
      %dma_wait3A_283 = tpu.memref_slice %arg9[%dma_wait3A_280, %dma_wait3A_281, %dma_wait3A_282] : memref<5x80x16xf32, #tpu.memory_space<vmem>> -> memref<1x80x16xf32, #tpu.memory_space<vmem>>
      %dma_wait3A_284 = tpu.memref_squeeze %dma_wait3A_283 : memref<1x80x16xf32, #tpu.memory_space<vmem>> -> memref<80x16xf32, #tpu.memory_space<vmem>>
      %dma_wait3A_285 = tpu.memref_slice %arg7[%mul3A_279] : memref<10000xi32, #tpu.memory_space<vmem>> -> memref<80xi32, #tpu.memory_space<vmem>>
      %dma_wait3A_286 = arith.constant 0 : i32
      %dma_wait3A_287 = arith.constant 0 : i32
      %dma_wait3A_288 = tpu.memref_slice %arg3[%dma_wait3A_286, %dma_wait3A_287] : memref<10000x16xf32, #tpu.memory_space<hbm>> -> memref<10000x16xf32, #tpu.memory_space<hbm>>
      tpu.wait_indirect_dma semaphore(%arg11 : memref<!tpu.dma_semaphore, #tpu.memory_space<semaphore_mem>>) src(%dma_wait3A_288 : memref<10000x16xf32, #tpu.memory_space<hbm>>) dst(%dma_wait3A_284 : memref<80x16xf32, #tpu.memory_space<vmem>>)
      %parallel_loop3A = arith.constant 0 : i32
      %parallel_loop3A_289 = arith.constant 80 : i32
      %parallel_loop3A_290 = arith.constant 1 : i32
      %parallel_loop3A_291 = arith.constant 0 : i32
      %parallel_loop3A_292 = arith.constant 0 : i32
      scf.for %parallel_loop3A_590 = %parallel_loop3A to %parallel_loop3A_289 step %parallel_loop3A_290  : i32 {
        %parallel_loop3A_591 = arith.constant 0 : i32
        %parallel_loop3A_592 = arith.constant 0 : i32
        %parallel_loop3A_593 = tpu.memref_slice %arg8[%parallel_loop3A_291, %parallel_loop3A_591, %parallel_loop3A_592] : memref<5x80x16xf32, #tpu.memory_space<vmem>> -> memref<1x80x16xf32, #tpu.memory_space<vmem>>
        %parallel_loop3A_594 = tpu.memref_squeeze %parallel_loop3A_593 : memref<1x80x16xf32, #tpu.memory_space<vmem>> -> memref<80x16xf32, #tpu.memory_space<vmem>>
        %parallel_loop3A_595 = arith.index_cast %parallel_loop3A_590 : i32 to index
        %parallel_loop3A_596 = arith.constant 0 : index
        %parallel_loop3A_597 = tpu.vector_load %parallel_loop3A_594[%parallel_loop3A_595, %parallel_loop3A_596] {strides = array<i32>} : memref<80x16xf32, #tpu.memory_space<vmem>>, vector<16xf32>,
        %parallel_loop3A_598 = arith.constant 0 : i32
        %parallel_loop3A_599 = arith.constant 0 : i32
        %parallel_loop3A_600 = tpu.memref_slice %arg9[%parallel_loop3A_292, %parallel_loop3A_598, %parallel_loop3A_599] : memref<5x80x16xf32, #tpu.memory_space<vmem>> -> memref<1x80x16xf32, #tpu.memory_space<vmem>>
        %parallel_loop3A_601 = tpu.memref_squeeze %parallel_loop3A_600 : memref<1x80x16xf32, #tpu.memory_space<vmem>> -> memref<80x16xf32, #tpu.memory_space<vmem>>
        %parallel_loop3A_602 = arith.index_cast %parallel_loop3A_590 : i32 to index
        %parallel_loop3A_603 = arith.constant 0 : index
        %parallel_loop3A_604 = tpu.vector_load %parallel_loop3A_601[%parallel_loop3A_602, %parallel_loop3A_603] {strides = array<i32>} : memref<80x16xf32, #tpu.memory_space<vmem>>, vector<16xf32>,
        %parallel_loop3A_605 = arith.addf %parallel_loop3A_597, %parallel_loop3A_604 : vector<16xf32>
        %parallel_loop3A_606 = arith.constant 0 : i32
        %parallel_loop3A_607 = arith.addi %parallel_loop3A_606, %parallel_loop3A_590 : i32
        %parallel_loop3A_608 = vector.broadcast %parallel_loop3A_607 : i32 to vector<16xi32>
        %parallel_loop3A_609 = arith.addi %mul3A_107, %parallel_loop3A_608 : vector<16xi32>
        tpu.vector_store_idx %arg10[%parallel_loop3A_609], %parallel_loop3A_605 : memref<6400xf32, #tpu.memory_space<vmem>>[vector<16xi32>], vector<16xf32>,
      } {sc.loop_unroll_factor = 16 : i64, sc.parallel_access}
      %lt3A = arith.constant 24 : i32
      %lt3A_293 = arith.cmpi slt, %scan3A_260, %lt3A : i32
      %convert_element_type3A_294 = arith.extui %lt3A_293 : i1 to i32
      %cond3A_295 = arith.constant 0 : i32
      %cond3A_296 = arith.cmpi ne, %convert_element_type3A_294, %cond3A_295 : i32
      scf.if %cond3A_296 {
        %add3A_590 = arith.constant 5 : i32
        %add3A_591 = arith.addi %add3A_266, %add3A_590 : i32
        %mul3A_592 = arith.constant 80 : i32
        %mul3A_593 = arith.muli %add3A_591, %mul3A_592 : i32
        %dma_start3A_594 = arith.constant 0 : i32
        %dma_start3A_595 = arith.constant 0 : i32
        %dma_start3A_596 = arith.constant 0 : i32
        %dma_start3A_597 = tpu.memref_slice %arg8[%dma_start3A_594, %dma_start3A_595, %dma_start3A_596] : memref<5x80x16xf32, #tpu.memory_space<vmem>> -> memref<1x80x16xf32, #tpu.memory_space<vmem>>
        %dma_start3A_598 = tpu.memref_squeeze %dma_start3A_597 : memref<1x80x16xf32, #tpu.memory_space<vmem>> -> memref<80x16xf32, #tpu.memory_space<vmem>>
        %dma_start3A_599 = tpu.memref_slice %arg6[%mul3A_593] : memref<10000xi32, #tpu.memory_space<vmem>> -> memref<80xi32, #tpu.memory_space<vmem>>
        %dma_start3A_600 = arith.constant 0 : i32
        %dma_start3A_601 = arith.constant 0 : i32
        %dma_start3A_602 = tpu.memref_slice %arg2[%dma_start3A_600, %dma_start3A_601] : memref<10000x16xf32, #tpu.memory_space<hbm>> -> memref<10000x16xf32, #tpu.memory_space<hbm>>
        tpu.enqueue_indirect_dma source(%dma_start3A_602 : memref<10000x16xf32, #tpu.memory_space<hbm>>) target(%dma_start3A_598 : memref<80x16xf32, #tpu.memory_space<vmem>>) offsets(%dma_start3A_599 : memref<80xi32, #tpu.memory_space<vmem>>) semaphore(%arg11 : memref<!tpu.dma_semaphore, #tpu.memory_space<semaphore_mem>>)
        %mul3A_603 = arith.constant 80 : i32
        %mul3A_604 = arith.muli %add3A_591, %mul3A_603 : i32
        %dma_start3A_605 = arith.constant 0 : i32
        %dma_start3A_606 = arith.constant 0 : i32
        %dma_start3A_607 = arith.constant 0 : i32
        %dma_start3A_608 = tpu.memref_slice %arg9[%dma_start3A_605, %dma_start3A_606, %dma_start3A_607] : memref<5x80x16xf32, #tpu.memory_space<vmem>> -> memref<1x80x16xf32, #tpu.memory_space<vmem>>
        %dma_start3A_609 = tpu.memref_squeeze %dma_start3A_608 : memref<1x80x16xf32, #tpu.memory_space<vmem>> -> memref<80x16xf32, #tpu.memory_space<vmem>>
        %dma_start3A_610 = tpu.memref_slice %arg7[%mul3A_604] : memref<10000xi32, #tpu.memory_space<vmem>> -> memref<80xi32, #tpu.memory_space<vmem>>
        %dma_start3A_611 = arith.constant 0 : i32
        %dma_start3A_612 = arith.constant 0 : i32
        %dma_start3A_613 = tpu.memref_slice %arg3[%dma_start3A_611, %dma_start3A_612] : memref<10000x16xf32, #tpu.memory_space<hbm>> -> memref<10000x16xf32, #tpu.memory_space<hbm>>
        tpu.enqueue_indirect_dma source(%dma_start3A_613 : memref<10000x16xf32, #tpu.memory_space<hbm>>) target(%dma_start3A_609 : memref<80x16xf32, #tpu.memory_space<vmem>>) offsets(%dma_start3A_610 : memref<80xi32, #tpu.memory_space<vmem>>) semaphore(%arg11 : memref<!tpu.dma_semaphore, #tpu.memory_space<semaphore_mem>>)
      } else {
      }
      %mul3A_297 = arith.constant 5 : i32
      %mul3A_298 = arith.muli %scan3A_260, %mul3A_297 : i32
      %add3A_299 = arith.constant 1 : i32
      %add3A_300 = arith.addi %mul3A_298, %add3A_299 : i32
      %mul3A_301 = arith.constant 80 : i32
      %mul3A_302 = arith.muli %add3A_300, %mul3A_301 : i32
      %dma_wait3A_303 = arith.constant 1 : i32
      %dma_wait3A_304 = arith.constant 0 : i32
      %dma_wait3A_305 = arith.constant 0 : i32
      %dma_wait3A_306 = tpu.memref_slice %arg8[%dma_wait3A_303, %dma_wait3A_304, %dma_wait3A_305] : memref<5x80x16xf32, #tpu.memory_space<vmem>> -> memref<1x80x16xf32, #tpu.memory_space<vmem>>
      %dma_wait3A_307 = tpu.memref_squeeze %dma_wait3A_306 : memref<1x80x16xf32, #tpu.memory_space<vmem>> -> memref<80x16xf32, #tpu.memory_space<vmem>>
      %dma_wait3A_308 = tpu.memref_slice %arg6[%mul3A_302] : memref<10000xi32, #tpu.memory_space<vmem>> -> memref<80xi32, #tpu.memory_space<vmem>>
      %dma_wait3A_309 = arith.constant 0 : i32
      %dma_wait3A_310 = arith.constant 0 : i32
      %dma_wait3A_311 = tpu.memref_slice %arg2[%dma_wait3A_309, %dma_wait3A_310] : memref<10000x16xf32, #tpu.memory_space<hbm>> -> memref<10000x16xf32, #tpu.memory_space<hbm>>
      tpu.wait_indirect_dma semaphore(%arg12 : memref<!tpu.dma_semaphore, #tpu.memory_space<semaphore_mem>>) src(%dma_wait3A_311 : memref<10000x16xf32, #tpu.memory_space<hbm>>) dst(%dma_wait3A_307 : memref<80x16xf32, #tpu.memory_space<vmem>>)
      %mul3A_312 = arith.constant 80 : i32
      %mul3A_313 = arith.muli %add3A_300, %mul3A_312 : i32
      %dma_wait3A_314 = arith.constant 1 : i32
      %dma_wait3A_315 = arith.constant 0 : i32
      %dma_wait3A_316 = arith.constant 0 : i32
      %dma_wait3A_317 = tpu.memref_slice %arg9[%dma_wait3A_314, %dma_wait3A_315, %dma_wait3A_316] : memref<5x80x16xf32, #tpu.memory_space<vmem>> -> memref<1x80x16xf32, #tpu.memory_space<vmem>>
      %dma_wait3A_318 = tpu.memref_squeeze %dma_wait3A_317 : memref<1x80x16xf32, #tpu.memory_space<vmem>> -> memref<80x16xf32, #tpu.memory_space<vmem>>
      %dma_wait3A_319 = tpu.memref_slice %arg7[%mul3A_313] : memref<10000xi32, #tpu.memory_space<vmem>> -> memref<80xi32, #tpu.memory_space<vmem>>
      %dma_wait3A_320 = arith.constant 0 : i32
      %dma_wait3A_321 = arith.constant 0 : i32
      %dma_wait3A_322 = tpu.memref_slice %arg3[%dma_wait3A_320, %dma_wait3A_321] : memref<10000x16xf32, #tpu.memory_space<hbm>> -> memref<10000x16xf32, #tpu.memory_space<hbm>>
      tpu.wait_indirect_dma semaphore(%arg12 : memref<!tpu.dma_semaphore, #tpu.memory_space<semaphore_mem>>) src(%dma_wait3A_322 : memref<10000x16xf32, #tpu.memory_space<hbm>>) dst(%dma_wait3A_318 : memref<80x16xf32, #tpu.memory_space<vmem>>)
      %parallel_loop3A_323 = arith.constant 0 : i32
      %parallel_loop3A_324 = arith.constant 80 : i32
      %parallel_loop3A_325 = arith.constant 1 : i32
      %parallel_loop3A_326 = arith.constant 1 : i32
      %parallel_loop3A_327 = arith.constant 1 : i32
      scf.for %parallel_loop3A_590 = %parallel_loop3A_323 to %parallel_loop3A_324 step %parallel_loop3A_325  : i32 {
        %parallel_loop3A_591 = arith.constant 0 : i32
        %parallel_loop3A_592 = arith.constant 0 : i32
        %parallel_loop3A_593 = tpu.memref_slice %arg8[%parallel_loop3A_326, %parallel_loop3A_591, %parallel_loop3A_592] : memref<5x80x16xf32, #tpu.memory_space<vmem>> -> memref<1x80x16xf32, #tpu.memory_space<vmem>>
        %parallel_loop3A_594 = tpu.memref_squeeze %parallel_loop3A_593 : memref<1x80x16xf32, #tpu.memory_space<vmem>> -> memref<80x16xf32, #tpu.memory_space<vmem>>
        %parallel_loop3A_595 = arith.index_cast %parallel_loop3A_590 : i32 to index
        %parallel_loop3A_596 = arith.constant 0 : index
        %parallel_loop3A_597 = tpu.vector_load %parallel_loop3A_594[%parallel_loop3A_595, %parallel_loop3A_596] {strides = array<i32>} : memref<80x16xf32, #tpu.memory_space<vmem>>, vector<16xf32>,
        %parallel_loop3A_598 = arith.constant 0 : i32
        %parallel_loop3A_599 = arith.constant 0 : i32
        %parallel_loop3A_600 = tpu.memref_slice %arg9[%parallel_loop3A_327, %parallel_loop3A_598, %parallel_loop3A_599] : memref<5x80x16xf32, #tpu.memory_space<vmem>> -> memref<1x80x16xf32, #tpu.memory_space<vmem>>
        %parallel_loop3A_601 = tpu.memref_squeeze %parallel_loop3A_600 : memref<1x80x16xf32, #tpu.memory_space<vmem>> -> memref<80x16xf32, #tpu.memory_space<vmem>>
        %parallel_loop3A_602 = arith.index_cast %parallel_loop3A_590 : i32 to index
        %parallel_loop3A_603 = arith.constant 0 : index
        %parallel_loop3A_604 = tpu.vector_load %parallel_loop3A_601[%parallel_loop3A_602, %parallel_loop3A_603] {strides = array<i32>} : memref<80x16xf32, #tpu.memory_space<vmem>>, vector<16xf32>,
        %parallel_loop3A_605 = arith.addf %parallel_loop3A_597, %parallel_loop3A_604 : vector<16xf32>
        %parallel_loop3A_606 = arith.constant 80 : i32
        %parallel_loop3A_607 = arith.addi %parallel_loop3A_606, %parallel_loop3A_590 : i32
        %parallel_loop3A_608 = vector.broadcast %parallel_loop3A_607 : i32 to vector<16xi32>
        %parallel_loop3A_609 = arith.addi %mul3A_107, %parallel_loop3A_608 : vector<16xi32>
        tpu.vector_store_idx %arg10[%parallel_loop3A_609], %parallel_loop3A_605 : memref<6400xf32, #tpu.memory_space<vmem>>[vector<16xi32>], vector<16xf32>,
      } {sc.loop_unroll_factor = 16 : i64, sc.parallel_access}
      %lt3A_328 = arith.constant 24 : i32
      %lt3A_329 = arith.cmpi slt, %scan3A_260, %lt3A_328 : i32
      %convert_element_type3A_330 = arith.extui %lt3A_329 : i1 to i32
      %cond3A_331 = arith.constant 0 : i32
      %cond3A_332 = arith.cmpi ne, %convert_element_type3A_330, %cond3A_331 : i32
      scf.if %cond3A_332 {
        %add3A_590 = arith.constant 5 : i32
        %add3A_591 = arith.addi %add3A_300, %add3A_590 : i32
        %mul3A_592 = arith.constant 80 : i32
        %mul3A_593 = arith.muli %add3A_591, %mul3A_592 : i32
        %dma_start3A_594 = arith.constant 1 : i32
        %dma_start3A_595 = arith.constant 0 : i32
        %dma_start3A_596 = arith.constant 0 : i32
        %dma_start3A_597 = tpu.memref_slice %arg8[%dma_start3A_594, %dma_start3A_595, %dma_start3A_596] : memref<5x80x16xf32, #tpu.memory_space<vmem>> -> memref<1x80x16xf32, #tpu.memory_space<vmem>>
        %dma_start3A_598 = tpu.memref_squeeze %dma_start3A_597 : memref<1x80x16xf32, #tpu.memory_space<vmem>> -> memref<80x16xf32, #tpu.memory_space<vmem>>
        %dma_start3A_599 = tpu.memref_slice %arg6[%mul3A_593] : memref<10000xi32, #tpu.memory_space<vmem>> -> memref<80xi32, #tpu.memory_space<vmem>>
        %dma_start3A_600 = arith.constant 0 : i32
        %dma_start3A_601 = arith.constant 0 : i32
        %dma_start3A_602 = tpu.memref_slice %arg2[%dma_start3A_600, %dma_start3A_601] : memref<10000x16xf32, #tpu.memory_space<hbm>> -> memref<10000x16xf32, #tpu.memory_space<hbm>>
        tpu.enqueue_indirect_dma source(%dma_start3A_602 : memref<10000x16xf32, #tpu.memory_space<hbm>>) target(%dma_start3A_598 : memref<80x16xf32, #tpu.memory_space<vmem>>) offsets(%dma_start3A_599 : memref<80xi32, #tpu.memory_space<vmem>>) semaphore(%arg12 : memref<!tpu.dma_semaphore, #tpu.memory_space<semaphore_mem>>)
        %mul3A_603 = arith.constant 80 : i32
        %mul3A_604 = arith.muli %add3A_591, %mul3A_603 : i32
        %dma_start3A_605 = arith.constant 1 : i32
        %dma_start3A_606 = arith.constant 0 : i32
        %dma_start3A_607 = arith.constant 0 : i32
        %dma_start3A_608 = tpu.memref_slice %arg9[%dma_start3A_605, %dma_start3A_606, %dma_start3A_607] : memref<5x80x16xf32, #tpu.memory_space<vmem>> -> memref<1x80x16xf32, #tpu.memory_space<vmem>>
        %dma_start3A_609 = tpu.memref_squeeze %dma_start3A_608 : memref<1x80x16xf32, #tpu.memory_space<vmem>> -> memref<80x16xf32, #tpu.memory_space<vmem>>
        %dma_start3A_610 = tpu.memref_slice %arg7[%mul3A_604] : memref<10000xi32, #tpu.memory_space<vmem>> -> memref<80xi32, #tpu.memory_space<vmem>>
        %dma_start3A_611 = arith.constant 0 : i32
        %dma_start3A_612 = arith.constant 0 : i32
        %dma_start3A_613 = tpu.memref_slice %arg3[%dma_start3A_611, %dma_start3A_612] : memref<10000x16xf32, #tpu.memory_space<hbm>> -> memref<10000x16xf32, #tpu.memory_space<hbm>>
        tpu.enqueue_indirect_dma source(%dma_start3A_613 : memref<10000x16xf32, #tpu.memory_space<hbm>>) target(%dma_start3A_609 : memref<80x16xf32, #tpu.memory_space<vmem>>) offsets(%dma_start3A_610 : memref<80xi32, #tpu.memory_space<vmem>>) semaphore(%arg12 : memref<!tpu.dma_semaphore, #tpu.memory_space<semaphore_mem>>)
      } else {
      }
      %mul3A_333 = arith.constant 5 : i32
      %mul3A_334 = arith.muli %scan3A_260, %mul3A_333 : i32
      %add3A_335 = arith.constant 2 : i32
      %add3A_336 = arith.addi %mul3A_334, %add3A_335 : i32
      %mul3A_337 = arith.constant 80 : i32
      %mul3A_338 = arith.muli %add3A_336, %mul3A_337 : i32
      %dma_wait3A_339 = arith.constant 2 : i32
      %dma_wait3A_340 = arith.constant 0 : i32
      %dma_wait3A_341 = arith.constant 0 : i32
      %dma_wait3A_342 = tpu.memref_slice %arg8[%dma_wait3A_339, %dma_wait3A_340, %dma_wait3A_341] : memref<5x80x16xf32, #tpu.memory_space<vmem>> -> memref<1x80x16xf32, #tpu.memory_space<vmem>>
      %dma_wait3A_343 = tpu.memref_squeeze %dma_wait3A_342 : memref<1x80x16xf32, #tpu.memory_space<vmem>> -> memref<80x16xf32, #tpu.memory_space<vmem>>
      %dma_wait3A_344 = tpu.memref_slice %arg6[%mul3A_338] : memref<10000xi32, #tpu.memory_space<vmem>> -> memref<80xi32, #tpu.memory_space<vmem>>
      %dma_wait3A_345 = arith.constant 0 : i32
      %dma_wait3A_346 = arith.constant 0 : i32
      %dma_wait3A_347 = tpu.memref_slice %arg2[%dma_wait3A_345, %dma_wait3A_346] : memref<10000x16xf32, #tpu.memory_space<hbm>> -> memref<10000x16xf32, #tpu.memory_space<hbm>>
      tpu.wait_indirect_dma semaphore(%arg13 : memref<!tpu.dma_semaphore, #tpu.memory_space<semaphore_mem>>) src(%dma_wait3A_347 : memref<10000x16xf32, #tpu.memory_space<hbm>>) dst(%dma_wait3A_343 : memref<80x16xf32, #tpu.memory_space<vmem>>)
      %mul3A_348 = arith.constant 80 : i32
      %mul3A_349 = arith.muli %add3A_336, %mul3A_348 : i32
      %dma_wait3A_350 = arith.constant 2 : i32
      %dma_wait3A_351 = arith.constant 0 : i32
      %dma_wait3A_352 = arith.constant 0 : i32
      %dma_wait3A_353 = tpu.memref_slice %arg9[%dma_wait3A_350, %dma_wait3A_351, %dma_wait3A_352] : memref<5x80x16xf32, #tpu.memory_space<vmem>> -> memref<1x80x16xf32, #tpu.memory_space<vmem>>
      %dma_wait3A_354 = tpu.memref_squeeze %dma_wait3A_353 : memref<1x80x16xf32, #tpu.memory_space<vmem>> -> memref<80x16xf32, #tpu.memory_space<vmem>>
      %dma_wait3A_355 = tpu.memref_slice %arg7[%mul3A_349] : memref<10000xi32, #tpu.memory_space<vmem>> -> memref<80xi32, #tpu.memory_space<vmem>>
      %dma_wait3A_356 = arith.constant 0 : i32
      %dma_wait3A_357 = arith.constant 0 : i32
      %dma_wait3A_358 = tpu.memref_slice %arg3[%dma_wait3A_356, %dma_wait3A_357] : memref<10000x16xf32, #tpu.memory_space<hbm>> -> memref<10000x16xf32, #tpu.memory_space<hbm>>
      tpu.wait_indirect_dma semaphore(%arg13 : memref<!tpu.dma_semaphore, #tpu.memory_space<semaphore_mem>>) src(%dma_wait3A_358 : memref<10000x16xf32, #tpu.memory_space<hbm>>) dst(%dma_wait3A_354 : memref<80x16xf32, #tpu.memory_space<vmem>>)
      %parallel_loop3A_359 = arith.constant 0 : i32
      %parallel_loop3A_360 = arith.constant 80 : i32
      %parallel_loop3A_361 = arith.constant 1 : i32
      %parallel_loop3A_362 = arith.constant 2 : i32
      %parallel_loop3A_363 = arith.constant 2 : i32
      scf.for %parallel_loop3A_590 = %parallel_loop3A_359 to %parallel_loop3A_360 step %parallel_loop3A_361  : i32 {
        %parallel_loop3A_591 = arith.constant 0 : i32
        %parallel_loop3A_592 = arith.constant 0 : i32
        %parallel_loop3A_593 = tpu.memref_slice %arg8[%parallel_loop3A_362, %parallel_loop3A_591, %parallel_loop3A_592] : memref<5x80x16xf32, #tpu.memory_space<vmem>> -> memref<1x80x16xf32, #tpu.memory_space<vmem>>
        %parallel_loop3A_594 = tpu.memref_squeeze %parallel_loop3A_593 : memref<1x80x16xf32, #tpu.memory_space<vmem>> -> memref<80x16xf32, #tpu.memory_space<vmem>>
        %parallel_loop3A_595 = arith.index_cast %parallel_loop3A_590 : i32 to index
        %parallel_loop3A_596 = arith.constant 0 : index
        %parallel_loop3A_597 = tpu.vector_load %parallel_loop3A_594[%parallel_loop3A_595, %parallel_loop3A_596] {strides = array<i32>} : memref<80x16xf32, #tpu.memory_space<vmem>>, vector<16xf32>,
        %parallel_loop3A_598 = arith.constant 0 : i32
        %parallel_loop3A_599 = arith.constant 0 : i32
        %parallel_loop3A_600 = tpu.memref_slice %arg9[%parallel_loop3A_363, %parallel_loop3A_598, %parallel_loop3A_599] : memref<5x80x16xf32, #tpu.memory_space<vmem>> -> memref<1x80x16xf32, #tpu.memory_space<vmem>>
        %parallel_loop3A_601 = tpu.memref_squeeze %parallel_loop3A_600 : memref<1x80x16xf32, #tpu.memory_space<vmem>> -> memref<80x16xf32, #tpu.memory_space<vmem>>
        %parallel_loop3A_602 = arith.index_cast %parallel_loop3A_590 : i32 to index
        %parallel_loop3A_603 = arith.constant 0 : index
        %parallel_loop3A_604 = tpu.vector_load %parallel_loop3A_601[%parallel_loop3A_602, %parallel_loop3A_603] {strides = array<i32>} : memref<80x16xf32, #tpu.memory_space<vmem>>, vector<16xf32>,
        %parallel_loop3A_605 = arith.addf %parallel_loop3A_597, %parallel_loop3A_604 : vector<16xf32>
        %parallel_loop3A_606 = arith.constant 160 : i32
        %parallel_loop3A_607 = arith.addi %parallel_loop3A_606, %parallel_loop3A_590 : i32
        %parallel_loop3A_608 = vector.broadcast %parallel_loop3A_607 : i32 to vector<16xi32>
        %parallel_loop3A_609 = arith.addi %mul3A_107, %parallel_loop3A_608 : vector<16xi32>
        tpu.vector_store_idx %arg10[%parallel_loop3A_609], %parallel_loop3A_605 : memref<6400xf32, #tpu.memory_space<vmem>>[vector<16xi32>], vector<16xf32>,
      } {sc.loop_unroll_factor = 16 : i64, sc.parallel_access}
      %lt3A_364 = arith.constant 24 : i32
      %lt3A_365 = arith.cmpi slt, %scan3A_260, %lt3A_364 : i32
      %convert_element_type3A_366 = arith.extui %lt3A_365 : i1 to i32
      %cond3A_367 = arith.constant 0 : i32
      %cond3A_368 = arith.cmpi ne, %convert_element_type3A_366, %cond3A_367 : i32
      scf.if %cond3A_368 {
        %add3A_590 = arith.constant 5 : i32
        %add3A_591 = arith.addi %add3A_336, %add3A_590 : i32
        %mul3A_592 = arith.constant 80 : i32
        %mul3A_593 = arith.muli %add3A_591, %mul3A_592 : i32
        %dma_start3A_594 = arith.constant 2 : i32
        %dma_start3A_595 = arith.constant 0 : i32
        %dma_start3A_596 = arith.constant 0 : i32
        %dma_start3A_597 = tpu.memref_slice %arg8[%dma_start3A_594, %dma_start3A_595, %dma_start3A_596] : memref<5x80x16xf32, #tpu.memory_space<vmem>> -> memref<1x80x16xf32, #tpu.memory_space<vmem>>
        %dma_start3A_598 = tpu.memref_squeeze %dma_start3A_597 : memref<1x80x16xf32, #tpu.memory_space<vmem>> -> memref<80x16xf32, #tpu.memory_space<vmem>>
        %dma_start3A_599 = tpu.memref_slice %arg6[%mul3A_593] : memref<10000xi32, #tpu.memory_space<vmem>> -> memref<80xi32, #tpu.memory_space<vmem>>
        %dma_start3A_600 = arith.constant 0 : i32
        %dma_start3A_601 = arith.constant 0 : i32
        %dma_start3A_602 = tpu.memref_slice %arg2[%dma_start3A_600, %dma_start3A_601] : memref<10000x16xf32, #tpu.memory_space<hbm>> -> memref<10000x16xf32, #tpu.memory_space<hbm>>
        tpu.enqueue_indirect_dma source(%dma_start3A_602 : memref<10000x16xf32, #tpu.memory_space<hbm>>) target(%dma_start3A_598 : memref<80x16xf32, #tpu.memory_space<vmem>>) offsets(%dma_start3A_599 : memref<80xi32, #tpu.memory_space<vmem>>) semaphore(%arg13 : memref<!tpu.dma_semaphore, #tpu.memory_space<semaphore_mem>>)
        %mul3A_603 = arith.constant 80 : i32
        %mul3A_604 = arith.muli %add3A_591, %mul3A_603 : i32
        %dma_start3A_605 = arith.constant 2 : i32
        %dma_start3A_606 = arith.constant 0 : i32
        %dma_start3A_607 = arith.constant 0 : i32
        %dma_start3A_608 = tpu.memref_slice %arg9[%dma_start3A_605, %dma_start3A_606, %dma_start3A_607] : memref<5x80x16xf32, #tpu.memory_space<vmem>> -> memref<1x80x16xf32, #tpu.memory_space<vmem>>
        %dma_start3A_609 = tpu.memref_squeeze %dma_start3A_608 : memref<1x80x16xf32, #tpu.memory_space<vmem>> -> memref<80x16xf32, #tpu.memory_space<vmem>>
        %dma_start3A_610 = tpu.memref_slice %arg7[%mul3A_604] : memref<10000xi32, #tpu.memory_space<vmem>> -> memref<80xi32, #tpu.memory_space<vmem>>
        %dma_start3A_611 = arith.constant 0 : i32
        %dma_start3A_612 = arith.constant 0 : i32
        %dma_start3A_613 = tpu.memref_slice %arg3[%dma_start3A_611, %dma_start3A_612] : memref<10000x16xf32, #tpu.memory_space<hbm>> -> memref<10000x16xf32, #tpu.memory_space<hbm>>
        tpu.enqueue_indirect_dma source(%dma_start3A_613 : memref<10000x16xf32, #tpu.memory_space<hbm>>) target(%dma_start3A_609 : memref<80x16xf32, #tpu.memory_space<vmem>>) offsets(%dma_start3A_610 : memref<80xi32, #tpu.memory_space<vmem>>) semaphore(%arg13 : memref<!tpu.dma_semaphore, #tpu.memory_space<semaphore_mem>>)
      } else {
      }
      %mul3A_369 = arith.constant 5 : i32
      %mul3A_370 = arith.muli %scan3A_260, %mul3A_369 : i32
      %add3A_371 = arith.constant 3 : i32
      %add3A_372 = arith.addi %mul3A_370, %add3A_371 : i32
      %mul3A_373 = arith.constant 80 : i32
      %mul3A_374 = arith.muli %add3A_372, %mul3A_373 : i32
      %dma_wait3A_375 = arith.constant 3 : i32
      %dma_wait3A_376 = arith.constant 0 : i32
      %dma_wait3A_377 = arith.constant 0 : i32
      %dma_wait3A_378 = tpu.memref_slice %arg8[%dma_wait3A_375, %dma_wait3A_376, %dma_wait3A_377] : memref<5x80x16xf32, #tpu.memory_space<vmem>> -> memref<1x80x16xf32, #tpu.memory_space<vmem>>
      %dma_wait3A_379 = tpu.memref_squeeze %dma_wait3A_378 : memref<1x80x16xf32, #tpu.memory_space<vmem>> -> memref<80x16xf32, #tpu.memory_space<vmem>>
      %dma_wait3A_380 = tpu.memref_slice %arg6[%mul3A_374] : memref<10000xi32, #tpu.memory_space<vmem>> -> memref<80xi32, #tpu.memory_space<vmem>>
      %dma_wait3A_381 = arith.constant 0 : i32
      %dma_wait3A_382 = arith.constant 0 : i32
      %dma_wait3A_383 = tpu.memref_slice %arg2[%dma_wait3A_381, %dma_wait3A_382] : memref<10000x16xf32, #tpu.memory_space<hbm>> -> memref<10000x16xf32, #tpu.memory_space<hbm>>
      tpu.wait_indirect_dma semaphore(%arg14 : memref<!tpu.dma_semaphore, #tpu.memory_space<semaphore_mem>>) src(%dma_wait3A_383 : memref<10000x16xf32, #tpu.memory_space<hbm>>) dst(%dma_wait3A_379 : memref<80x16xf32, #tpu.memory_space<vmem>>)
      %mul3A_384 = arith.constant 80 : i32
      %mul3A_385 = arith.muli %add3A_372, %mul3A_384 : i32
      %dma_wait3A_386 = arith.constant 3 : i32
      %dma_wait3A_387 = arith.constant 0 : i32
      %dma_wait3A_388 = arith.constant 0 : i32
      %dma_wait3A_389 = tpu.memref_slice %arg9[%dma_wait3A_386, %dma_wait3A_387, %dma_wait3A_388] : memref<5x80x16xf32, #tpu.memory_space<vmem>> -> memref<1x80x16xf32, #tpu.memory_space<vmem>>
      %dma_wait3A_390 = tpu.memref_squeeze %dma_wait3A_389 : memref<1x80x16xf32, #tpu.memory_space<vmem>> -> memref<80x16xf32, #tpu.memory_space<vmem>>
      %dma_wait3A_391 = tpu.memref_slice %arg7[%mul3A_385] : memref<10000xi32, #tpu.memory_space<vmem>> -> memref<80xi32, #tpu.memory_space<vmem>>
      %dma_wait3A_392 = arith.constant 0 : i32
      %dma_wait3A_393 = arith.constant 0 : i32
      %dma_wait3A_394 = tpu.memref_slice %arg3[%dma_wait3A_392, %dma_wait3A_393] : memref<10000x16xf32, #tpu.memory_space<hbm>> -> memref<10000x16xf32, #tpu.memory_space<hbm>>
      tpu.wait_indirect_dma semaphore(%arg14 : memref<!tpu.dma_semaphore, #tpu.memory_space<semaphore_mem>>) src(%dma_wait3A_394 : memref<10000x16xf32, #tpu.memory_space<hbm>>) dst(%dma_wait3A_390 : memref<80x16xf32, #tpu.memory_space<vmem>>)
      %parallel_loop3A_395 = arith.constant 0 : i32
      %parallel_loop3A_396 = arith.constant 80 : i32
      %parallel_loop3A_397 = arith.constant 1 : i32
      %parallel_loop3A_398 = arith.constant 3 : i32
      %parallel_loop3A_399 = arith.constant 3 : i32
      scf.for %parallel_loop3A_590 = %parallel_loop3A_395 to %parallel_loop3A_396 step %parallel_loop3A_397  : i32 {
        %parallel_loop3A_591 = arith.constant 0 : i32
        %parallel_loop3A_592 = arith.constant 0 : i32
        %parallel_loop3A_593 = tpu.memref_slice %arg8[%parallel_loop3A_398, %parallel_loop3A_591, %parallel_loop3A_592] : memref<5x80x16xf32, #tpu.memory_space<vmem>> -> memref<1x80x16xf32, #tpu.memory_space<vmem>>
        %parallel_loop3A_594 = tpu.memref_squeeze %parallel_loop3A_593 : memref<1x80x16xf32, #tpu.memory_space<vmem>> -> memref<80x16xf32, #tpu.memory_space<vmem>>
        %parallel_loop3A_595 = arith.index_cast %parallel_loop3A_590 : i32 to index
        %parallel_loop3A_596 = arith.constant 0 : index
        %parallel_loop3A_597 = tpu.vector_load %parallel_loop3A_594[%parallel_loop3A_595, %parallel_loop3A_596] {strides = array<i32>} : memref<80x16xf32, #tpu.memory_space<vmem>>, vector<16xf32>,
        %parallel_loop3A_598 = arith.constant 0 : i32
        %parallel_loop3A_599 = arith.constant 0 : i32
        %parallel_loop3A_600 = tpu.memref_slice %arg9[%parallel_loop3A_399, %parallel_loop3A_598, %parallel_loop3A_599] : memref<5x80x16xf32, #tpu.memory_space<vmem>> -> memref<1x80x16xf32, #tpu.memory_space<vmem>>
        %parallel_loop3A_601 = tpu.memref_squeeze %parallel_loop3A_600 : memref<1x80x16xf32, #tpu.memory_space<vmem>> -> memref<80x16xf32, #tpu.memory_space<vmem>>
        %parallel_loop3A_602 = arith.index_cast %parallel_loop3A_590 : i32 to index
        %parallel_loop3A_603 = arith.constant 0 : index
        %parallel_loop3A_604 = tpu.vector_load %parallel_loop3A_601[%parallel_loop3A_602, %parallel_loop3A_603] {strides = array<i32>} : memref<80x16xf32, #tpu.memory_space<vmem>>, vector<16xf32>,
        %parallel_loop3A_605 = arith.addf %parallel_loop3A_597, %parallel_loop3A_604 : vector<16xf32>
        %parallel_loop3A_606 = arith.constant 240 : i32
        %parallel_loop3A_607 = arith.addi %parallel_loop3A_606, %parallel_loop3A_590 : i32
        %parallel_loop3A_608 = vector.broadcast %parallel_loop3A_607 : i32 to vector<16xi32>
        %parallel_loop3A_609 = arith.addi %mul3A_107, %parallel_loop3A_608 : vector<16xi32>
        tpu.vector_store_idx %arg10[%parallel_loop3A_609], %parallel_loop3A_605 : memref<6400xf32, #tpu.memory_space<vmem>>[vector<16xi32>], vector<16xf32>,
      } {sc.loop_unroll_factor = 16 : i64, sc.parallel_access}
      %lt3A_400 = arith.constant 24 : i32
      %lt3A_401 = arith.cmpi slt, %scan3A_260, %lt3A_400 : i32
      %convert_element_type3A_402 = arith.extui %lt3A_401 : i1 to i32
      %cond3A_403 = arith.constant 0 : i32
      %cond3A_404 = arith.cmpi ne, %convert_element_type3A_402, %cond3A_403 : i32
      scf.if %cond3A_404 {
        %add3A_590 = arith.constant 5 : i32
        %add3A_591 = arith.addi %add3A_372, %add3A_590 : i32
        %mul3A_592 = arith.constant 80 : i32
        %mul3A_593 = arith.muli %add3A_591, %mul3A_592 : i32
        %dma_start3A_594 = arith.constant 3 : i32
        %dma_start3A_595 = arith.constant 0 : i32
        %dma_start3A_596 = arith.constant 0 : i32
        %dma_start3A_597 = tpu.memref_slice %arg8[%dma_start3A_594, %dma_start3A_595, %dma_start3A_596] : memref<5x80x16xf32, #tpu.memory_space<vmem>> -> memref<1x80x16xf32, #tpu.memory_space<vmem>>
        %dma_start3A_598 = tpu.memref_squeeze %dma_start3A_597 : memref<1x80x16xf32, #tpu.memory_space<vmem>> -> memref<80x16xf32, #tpu.memory_space<vmem>>
        %dma_start3A_599 = tpu.memref_slice %arg6[%mul3A_593] : memref<10000xi32, #tpu.memory_space<vmem>> -> memref<80xi32, #tpu.memory_space<vmem>>
        %dma_start3A_600 = arith.constant 0 : i32
        %dma_start3A_601 = arith.constant 0 : i32
        %dma_start3A_602 = tpu.memref_slice %arg2[%dma_start3A_600, %dma_start3A_601] : memref<10000x16xf32, #tpu.memory_space<hbm>> -> memref<10000x16xf32, #tpu.memory_space<hbm>>
        tpu.enqueue_indirect_dma source(%dma_start3A_602 : memref<10000x16xf32, #tpu.memory_space<hbm>>) target(%dma_start3A_598 : memref<80x16xf32, #tpu.memory_space<vmem>>) offsets(%dma_start3A_599 : memref<80xi32, #tpu.memory_space<vmem>>) semaphore(%arg14 : memref<!tpu.dma_semaphore, #tpu.memory_space<semaphore_mem>>)
        %mul3A_603 = arith.constant 80 : i32
        %mul3A_604 = arith.muli %add3A_591, %mul3A_603 : i32
        %dma_start3A_605 = arith.constant 3 : i32
        %dma_start3A_606 = arith.constant 0 : i32
        %dma_start3A_607 = arith.constant 0 : i32
        %dma_start3A_608 = tpu.memref_slice %arg9[%dma_start3A_605, %dma_start3A_606, %dma_start3A_607] : memref<5x80x16xf32, #tpu.memory_space<vmem>> -> memref<1x80x16xf32, #tpu.memory_space<vmem>>
        %dma_start3A_609 = tpu.memref_squeeze %dma_start3A_608 : memref<1x80x16xf32, #tpu.memory_space<vmem>> -> memref<80x16xf32, #tpu.memory_space<vmem>>
        %dma_start3A_610 = tpu.memref_slice %arg7[%mul3A_604] : memref<10000xi32, #tpu.memory_space<vmem>> -> memref<80xi32, #tpu.memory_space<vmem>>
        %dma_start3A_611 = arith.constant 0 : i32
        %dma_start3A_612 = arith.constant 0 : i32
        %dma_start3A_613 = tpu.memref_slice %arg3[%dma_start3A_611, %dma_start3A_612] : memref<10000x16xf32, #tpu.memory_space<hbm>> -> memref<10000x16xf32, #tpu.memory_space<hbm>>
        tpu.enqueue_indirect_dma source(%dma_start3A_613 : memref<10000x16xf32, #tpu.memory_space<hbm>>) target(%dma_start3A_609 : memref<80x16xf32, #tpu.memory_space<vmem>>) offsets(%dma_start3A_610 : memref<80xi32, #tpu.memory_space<vmem>>) semaphore(%arg14 : memref<!tpu.dma_semaphore, #tpu.memory_space<semaphore_mem>>)
      } else {
      }
      %mul3A_405 = arith.constant 5 : i32
      %mul3A_406 = arith.muli %scan3A_260, %mul3A_405 : i32
      %add3A_407 = arith.constant 4 : i32
      %add3A_408 = arith.addi %mul3A_406, %add3A_407 : i32
      %mul3A_409 = arith.constant 80 : i32
      %mul3A_410 = arith.muli %add3A_408, %mul3A_409 : i32
      %dma_wait3A_411 = arith.constant 4 : i32
      %dma_wait3A_412 = arith.constant 0 : i32
      %dma_wait3A_413 = arith.constant 0 : i32
      %dma_wait3A_414 = tpu.memref_slice %arg8[%dma_wait3A_411, %dma_wait3A_412, %dma_wait3A_413] : memref<5x80x16xf32, #tpu.memory_space<vmem>> -> memref<1x80x16xf32, #tpu.memory_space<vmem>>
      %dma_wait3A_415 = tpu.memref_squeeze %dma_wait3A_414 : memref<1x80x16xf32, #tpu.memory_space<vmem>> -> memref<80x16xf32, #tpu.memory_space<vmem>>
      %dma_wait3A_416 = tpu.memref_slice %arg6[%mul3A_410] : memref<10000xi32, #tpu.memory_space<vmem>> -> memref<80xi32, #tpu.memory_space<vmem>>
      %dma_wait3A_417 = arith.constant 0 : i32
      %dma_wait3A_418 = arith.constant 0 : i32
      %dma_wait3A_419 = tpu.memref_slice %arg2[%dma_wait3A_417, %dma_wait3A_418] : memref<10000x16xf32, #tpu.memory_space<hbm>> -> memref<10000x16xf32, #tpu.memory_space<hbm>>
      tpu.wait_indirect_dma semaphore(%arg15 : memref<!tpu.dma_semaphore, #tpu.memory_space<semaphore_mem>>) src(%dma_wait3A_419 : memref<10000x16xf32, #tpu.memory_space<hbm>>) dst(%dma_wait3A_415 : memref<80x16xf32, #tpu.memory_space<vmem>>)
      %mul3A_420 = arith.constant 80 : i32
      %mul3A_421 = arith.muli %add3A_408, %mul3A_420 : i32
      %dma_wait3A_422 = arith.constant 4 : i32
      %dma_wait3A_423 = arith.constant 0 : i32
      %dma_wait3A_424 = arith.constant 0 : i32
      %dma_wait3A_425 = tpu.memref_slice %arg9[%dma_wait3A_422, %dma_wait3A_423, %dma_wait3A_424] : memref<5x80x16xf32, #tpu.memory_space<vmem>> -> memref<1x80x16xf32, #tpu.memory_space<vmem>>
      %dma_wait3A_426 = tpu.memref_squeeze %dma_wait3A_425 : memref<1x80x16xf32, #tpu.memory_space<vmem>> -> memref<80x16xf32, #tpu.memory_space<vmem>>
      %dma_wait3A_427 = tpu.memref_slice %arg7[%mul3A_421] : memref<10000xi32, #tpu.memory_space<vmem>> -> memref<80xi32, #tpu.memory_space<vmem>>
      %dma_wait3A_428 = arith.constant 0 : i32
      %dma_wait3A_429 = arith.constant 0 : i32
      %dma_wait3A_430 = tpu.memref_slice %arg3[%dma_wait3A_428, %dma_wait3A_429] : memref<10000x16xf32, #tpu.memory_space<hbm>> -> memref<10000x16xf32, #tpu.memory_space<hbm>>
      tpu.wait_indirect_dma semaphore(%arg15 : memref<!tpu.dma_semaphore, #tpu.memory_space<semaphore_mem>>) src(%dma_wait3A_430 : memref<10000x16xf32, #tpu.memory_space<hbm>>) dst(%dma_wait3A_426 : memref<80x16xf32, #tpu.memory_space<vmem>>)
      %parallel_loop3A_431 = arith.constant 0 : i32
      %parallel_loop3A_432 = arith.constant 80 : i32
      %parallel_loop3A_433 = arith.constant 1 : i32
      %parallel_loop3A_434 = arith.constant 4 : i32
      %parallel_loop3A_435 = arith.constant 4 : i32
      scf.for %parallel_loop3A_590 = %parallel_loop3A_431 to %parallel_loop3A_432 step %parallel_loop3A_433  : i32 {
        %parallel_loop3A_591 = arith.constant 0 : i32
        %parallel_loop3A_592 = arith.constant 0 : i32
        %parallel_loop3A_593 = tpu.memref_slice %arg8[%parallel_loop3A_434, %parallel_loop3A_591, %parallel_loop3A_592] : memref<5x80x16xf32, #tpu.memory_space<vmem>> -> memref<1x80x16xf32, #tpu.memory_space<vmem>>
        %parallel_loop3A_594 = tpu.memref_squeeze %parallel_loop3A_593 : memref<1x80x16xf32, #tpu.memory_space<vmem>> -> memref<80x16xf32, #tpu.memory_space<vmem>>
        %parallel_loop3A_595 = arith.index_cast %parallel_loop3A_590 : i32 to index
        %parallel_loop3A_596 = arith.constant 0 : index
        %parallel_loop3A_597 = tpu.vector_load %parallel_loop3A_594[%parallel_loop3A_595, %parallel_loop3A_596] {strides = array<i32>} : memref<80x16xf32, #tpu.memory_space<vmem>>, vector<16xf32>,
        %parallel_loop3A_598 = arith.constant 0 : i32
        %parallel_loop3A_599 = arith.constant 0 : i32
        %parallel_loop3A_600 = tpu.memref_slice %arg9[%parallel_loop3A_435, %parallel_loop3A_598, %parallel_loop3A_599] : memref<5x80x16xf32, #tpu.memory_space<vmem>> -> memref<1x80x16xf32, #tpu.memory_space<vmem>>
        %parallel_loop3A_601 = tpu.memref_squeeze %parallel_loop3A_600 : memref<1x80x16xf32, #tpu.memory_space<vmem>> -> memref<80x16xf32, #tpu.memory_space<vmem>>
        %parallel_loop3A_602 = arith.index_cast %parallel_loop3A_590 : i32 to index
        %parallel_loop3A_603 = arith.constant 0 : index
        %parallel_loop3A_604 = tpu.vector_load %parallel_loop3A_601[%parallel_loop3A_602, %parallel_loop3A_603] {strides = array<i32>} : memref<80x16xf32, #tpu.memory_space<vmem>>, vector<16xf32>,
        %parallel_loop3A_605 = arith.addf %parallel_loop3A_597, %parallel_loop3A_604 : vector<16xf32>
        %parallel_loop3A_606 = arith.constant 320 : i32
        %parallel_loop3A_607 = arith.addi %parallel_loop3A_606, %parallel_loop3A_590 : i32
        %parallel_loop3A_608 = vector.broadcast %parallel_loop3A_607 : i32 to vector<16xi32>
        %parallel_loop3A_609 = arith.addi %mul3A_107, %parallel_loop3A_608 : vector<16xi32>
        tpu.vector_store_idx %arg10[%parallel_loop3A_609], %parallel_loop3A_605 : memref<6400xf32, #tpu.memory_space<vmem>>[vector<16xi32>], vector<16xf32>,
      } {sc.loop_unroll_factor = 16 : i64, sc.parallel_access}
      %lt3A_436 = arith.constant 24 : i32
      %lt3A_437 = arith.cmpi slt, %scan3A_260, %lt3A_436 : i32
      %convert_element_type3A_438 = arith.extui %lt3A_437 : i1 to i32
      %cond3A_439 = arith.constant 0 : i32
      %cond3A_440 = arith.cmpi ne, %convert_element_type3A_438, %cond3A_439 : i32
      scf.if %cond3A_440 {
        %add3A_590 = arith.constant 5 : i32
        %add3A_591 = arith.addi %add3A_408, %add3A_590 : i32
        %mul3A_592 = arith.constant 80 : i32
        %mul3A_593 = arith.muli %add3A_591, %mul3A_592 : i32
        %dma_start3A_594 = arith.constant 4 : i32
        %dma_start3A_595 = arith.constant 0 : i32
        %dma_start3A_596 = arith.constant 0 : i32
        %dma_start3A_597 = tpu.memref_slice %arg8[%dma_start3A_594, %dma_start3A_595, %dma_start3A_596] : memref<5x80x16xf32, #tpu.memory_space<vmem>> -> memref<1x80x16xf32, #tpu.memory_space<vmem>>
        %dma_start3A_598 = tpu.memref_squeeze %dma_start3A_597 : memref<1x80x16xf32, #tpu.memory_space<vmem>> -> memref<80x16xf32, #tpu.memory_space<vmem>>
        %dma_start3A_599 = tpu.memref_slice %arg6[%mul3A_593] : memref<10000xi32, #tpu.memory_space<vmem>> -> memref<80xi32, #tpu.memory_space<vmem>>
        %dma_start3A_600 = arith.constant 0 : i32
        %dma_start3A_601 = arith.constant 0 : i32
        %dma_start3A_602 = tpu.memref_slice %arg2[%dma_start3A_600, %dma_start3A_601] : memref<10000x16xf32, #tpu.memory_space<hbm>> -> memref<10000x16xf32, #tpu.memory_space<hbm>>
        tpu.enqueue_indirect_dma source(%dma_start3A_602 : memref<10000x16xf32, #tpu.memory_space<hbm>>) target(%dma_start3A_598 : memref<80x16xf32, #tpu.memory_space<vmem>>) offsets(%dma_start3A_599 : memref<80xi32, #tpu.memory_space<vmem>>) semaphore(%arg15 : memref<!tpu.dma_semaphore, #tpu.memory_space<semaphore_mem>>)
        %mul3A_603 = arith.constant 80 : i32
        %mul3A_604 = arith.muli %add3A_591, %mul3A_603 : i32
        %dma_start3A_605 = arith.constant 4 : i32
        %dma_start3A_606 = arith.constant 0 : i32
        %dma_start3A_607 = arith.constant 0 : i32
        %dma_start3A_608 = tpu.memref_slice %arg9[%dma_start3A_605, %dma_start3A_606, %dma_start3A_607] : memref<5x80x16xf32, #tpu.memory_space<vmem>> -> memref<1x80x16xf32, #tpu.memory_space<vmem>>
        %dma_start3A_609 = tpu.memref_squeeze %dma_start3A_608 : memref<1x80x16xf32, #tpu.memory_space<vmem>> -> memref<80x16xf32, #tpu.memory_space<vmem>>
        %dma_start3A_610 = tpu.memref_slice %arg7[%mul3A_604] : memref<10000xi32, #tpu.memory_space<vmem>> -> memref<80xi32, #tpu.memory_space<vmem>>
        %dma_start3A_611 = arith.constant 0 : i32
        %dma_start3A_612 = arith.constant 0 : i32
        %dma_start3A_613 = tpu.memref_slice %arg3[%dma_start3A_611, %dma_start3A_612] : memref<10000x16xf32, #tpu.memory_space<hbm>> -> memref<10000x16xf32, #tpu.memory_space<hbm>>
        tpu.enqueue_indirect_dma source(%dma_start3A_613 : memref<10000x16xf32, #tpu.memory_space<hbm>>) target(%dma_start3A_609 : memref<80x16xf32, #tpu.memory_space<vmem>>) offsets(%dma_start3A_610 : memref<80xi32, #tpu.memory_space<vmem>>) semaphore(%arg15 : memref<!tpu.dma_semaphore, #tpu.memory_space<semaphore_mem>>)
      } else {
      }
      %mul3A_441 = arith.constant 10000 : i32
      %mul3A_442 = arith.muli %add3A, %mul3A_441 : i32
      %mul3A_443 = arith.constant 400 : i32
      %mul3A_444 = arith.muli %scan3A_260, %mul3A_443 : i32
      %add3A_445 = arith.addi %mul3A_442, %mul3A_444 : i32
      %dma_start3A_446 = arith.constant 0 : i32
      %dma_start3A_447 = arith.constant 0 : i32
      %dma_start3A_448 = tpu.memref_slice %arg10[%dma_start3A_447] : memref<6400xf32, #tpu.memory_space<vmem>> -> memref<400xf32, #tpu.memory_space<vmem>>
      %dma_start3A_449 = tpu.memref_slice %arg5[%dma_start3A_446, %add3A_445] : memref<16x320000xf32, #tpu.memory_space<hbm>> -> memref<1x400xf32, #tpu.memory_space<hbm>>
      %dma_start3A_450 = tpu.memref_squeeze %dma_start3A_449 : memref<1x400xf32, #tpu.memory_space<hbm>> -> memref<400xf32, #tpu.memory_space<hbm>>
      %dma_start3A_451 = tpu.memref_slice %arg5[%dma_start3A_446, %add3A_445] : memref<16x320000xf32, #tpu.memory_space<hbm>> -> memref<1x400xf32, #tpu.memory_space<hbm>>
      %dma_start3A_452 = tpu.memref_squeeze %dma_start3A_451 : memref<1x400xf32, #tpu.memory_space<hbm>> -> memref<400xf32, #tpu.memory_space<hbm>>
      %dma_start3A_453 = arith.constant 0 : i32
      %dma_start3A_454 = tpu.memref_slice %arg10[%dma_start3A_453] : memref<6400xf32, #tpu.memory_space<vmem>> -> memref<400xf32, #tpu.memory_space<vmem>>
      tpu.enqueue_dma source(%dma_start3A_454 : memref<400xf32, #tpu.memory_space<vmem>>) target(%dma_start3A_452 : memref<400xf32, #tpu.memory_space<hbm>>) target_semaphore(%arg16 : memref<!tpu.dma_semaphore, #tpu.memory_space<semaphore_mem>>)
      %dma_start3A_455 = arith.constant 1 : i32
      %dma_start3A_456 = arith.constant 400 : i32
      %dma_start3A_457 = tpu.memref_slice %arg10[%dma_start3A_456] : memref<6400xf32, #tpu.memory_space<vmem>> -> memref<400xf32, #tpu.memory_space<vmem>>
      %dma_start3A_458 = tpu.memref_slice %arg5[%dma_start3A_455, %add3A_445] : memref<16x320000xf32, #tpu.memory_space<hbm>> -> memref<1x400xf32, #tpu.memory_space<hbm>>
      %dma_start3A_459 = tpu.memref_squeeze %dma_start3A_458 : memref<1x400xf32, #tpu.memory_space<hbm>> -> memref<400xf32, #tpu.memory_space<hbm>>
      %dma_start3A_460 = tpu.memref_slice %arg5[%dma_start3A_455, %add3A_445] : memref<16x320000xf32, #tpu.memory_space<hbm>> -> memref<1x400xf32, #tpu.memory_space<hbm>>
      %dma_start3A_461 = tpu.memref_squeeze %dma_start3A_460 : memref<1x400xf32, #tpu.memory_space<hbm>> -> memref<400xf32, #tpu.memory_space<hbm>>
      %dma_start3A_462 = arith.constant 400 : i32
      %dma_start3A_463 = tpu.memref_slice %arg10[%dma_start3A_462] : memref<6400xf32, #tpu.memory_space<vmem>> -> memref<400xf32, #tpu.memory_space<vmem>>
      tpu.enqueue_dma source(%dma_start3A_463 : memref<400xf32, #tpu.memory_space<vmem>>) target(%dma_start3A_461 : memref<400xf32, #tpu.memory_space<hbm>>) target_semaphore(%arg16 : memref<!tpu.dma_semaphore, #tpu.memory_space<semaphore_mem>>)
      %dma_start3A_464 = arith.constant 2 : i32
      %dma_start3A_465 = arith.constant 800 : i32
      %dma_start3A_466 = tpu.memref_slice %arg10[%dma_start3A_465] : memref<6400xf32, #tpu.memory_space<vmem>> -> memref<400xf32, #tpu.memory_space<vmem>>
      %dma_start3A_467 = tpu.memref_slice %arg5[%dma_start3A_464, %add3A_445] : memref<16x320000xf32, #tpu.memory_space<hbm>> -> memref<1x400xf32, #tpu.memory_space<hbm>>
      %dma_start3A_468 = tpu.memref_squeeze %dma_start3A_467 : memref<1x400xf32, #tpu.memory_space<hbm>> -> memref<400xf32, #tpu.memory_space<hbm>>
      %dma_start3A_469 = tpu.memref_slice %arg5[%dma_start3A_464, %add3A_445] : memref<16x320000xf32, #tpu.memory_space<hbm>> -> memref<1x400xf32, #tpu.memory_space<hbm>>
      %dma_start3A_470 = tpu.memref_squeeze %dma_start3A_469 : memref<1x400xf32, #tpu.memory_space<hbm>> -> memref<400xf32, #tpu.memory_space<hbm>>
      %dma_start3A_471 = arith.constant 800 : i32
      %dma_start3A_472 = tpu.memref_slice %arg10[%dma_start3A_471] : memref<6400xf32, #tpu.memory_space<vmem>> -> memref<400xf32, #tpu.memory_space<vmem>>
      tpu.enqueue_dma source(%dma_start3A_472 : memref<400xf32, #tpu.memory_space<vmem>>) target(%dma_start3A_470 : memref<400xf32, #tpu.memory_space<hbm>>) target_semaphore(%arg16 : memref<!tpu.dma_semaphore, #tpu.memory_space<semaphore_mem>>)
      %dma_start3A_473 = arith.constant 3 : i32
      %dma_start3A_474 = arith.constant 1200 : i32
      %dma_start3A_475 = tpu.memref_slice %arg10[%dma_start3A_474] : memref<6400xf32, #tpu.memory_space<vmem>> -> memref<400xf32, #tpu.memory_space<vmem>>
      %dma_start3A_476 = tpu.memref_slice %arg5[%dma_start3A_473, %add3A_445] : memref<16x320000xf32, #tpu.memory_space<hbm>> -> memref<1x400xf32, #tpu.memory_space<hbm>>
      %dma_start3A_477 = tpu.memref_squeeze %dma_start3A_476 : memref<1x400xf32, #tpu.memory_space<hbm>> -> memref<400xf32, #tpu.memory_space<hbm>>
      %dma_start3A_478 = tpu.memref_slice %arg5[%dma_start3A_473, %add3A_445] : memref<16x320000xf32, #tpu.memory_space<hbm>> -> memref<1x400xf32, #tpu.memory_space<hbm>>
      %dma_start3A_479 = tpu.memref_squeeze %dma_start3A_478 : memref<1x400xf32, #tpu.memory_space<hbm>> -> memref<400xf32, #tpu.memory_space<hbm>>
      %dma_start3A_480 = arith.constant 1200 : i32
      %dma_start3A_481 = tpu.memref_slice %arg10[%dma_start3A_480] : memref<6400xf32, #tpu.memory_space<vmem>> -> memref<400xf32, #tpu.memory_space<vmem>>
      tpu.enqueue_dma source(%dma_start3A_481 : memref<400xf32, #tpu.memory_space<vmem>>) target(%dma_start3A_479 : memref<400xf32, #tpu.memory_space<hbm>>) target_semaphore(%arg16 : memref<!tpu.dma_semaphore, #tpu.memory_space<semaphore_mem>>)
      %dma_start3A_482 = arith.constant 4 : i32
      %dma_start3A_483 = arith.constant 1600 : i32
      %dma_start3A_484 = tpu.memref_slice %arg10[%dma_start3A_483] : memref<6400xf32, #tpu.memory_space<vmem>> -> memref<400xf32, #tpu.memory_space<vmem>>
      %dma_start3A_485 = tpu.memref_slice %arg5[%dma_start3A_482, %add3A_445] : memref<16x320000xf32, #tpu.memory_space<hbm>> -> memref<1x400xf32, #tpu.memory_space<hbm>>
      %dma_start3A_486 = tpu.memref_squeeze %dma_start3A_485 : memref<1x400xf32, #tpu.memory_space<hbm>> -> memref<400xf32, #tpu.memory_space<hbm>>
      %dma_start3A_487 = tpu.memref_slice %arg5[%dma_start3A_482, %add3A_445] : memref<16x320000xf32, #tpu.memory_space<hbm>> -> memref<1x400xf32, #tpu.memory_space<hbm>>
      %dma_start3A_488 = tpu.memref_squeeze %dma_start3A_487 : memref<1x400xf32, #tpu.memory_space<hbm>> -> memref<400xf32, #tpu.memory_space<hbm>>
      %dma_start3A_489 = arith.constant 1600 : i32
      %dma_start3A_490 = tpu.memref_slice %arg10[%dma_start3A_489] : memref<6400xf32, #tpu.memory_space<vmem>> -> memref<400xf32, #tpu.memory_space<vmem>>
      tpu.enqueue_dma source(%dma_start3A_490 : memref<400xf32, #tpu.memory_space<vmem>>) target(%dma_start3A_488 : memref<400xf32, #tpu.memory_space<hbm>>) target_semaphore(%arg16 : memref<!tpu.dma_semaphore, #tpu.memory_space<semaphore_mem>>)
      %dma_start3A_491 = arith.constant 5 : i32
      %dma_start3A_492 = arith.constant 2000 : i32
      %dma_start3A_493 = tpu.memref_slice %arg10[%dma_start3A_492] : memref<6400xf32, #tpu.memory_space<vmem>> -> memref<400xf32, #tpu.memory_space<vmem>>
      %dma_start3A_494 = tpu.memref_slice %arg5[%dma_start3A_491, %add3A_445] : memref<16x320000xf32, #tpu.memory_space<hbm>> -> memref<1x400xf32, #tpu.memory_space<hbm>>
      %dma_start3A_495 = tpu.memref_squeeze %dma_start3A_494 : memref<1x400xf32, #tpu.memory_space<hbm>> -> memref<400xf32, #tpu.memory_space<hbm>>
      %dma_start3A_496 = tpu.memref_slice %arg5[%dma_start3A_491, %add3A_445] : memref<16x320000xf32, #tpu.memory_space<hbm>> -> memref<1x400xf32, #tpu.memory_space<hbm>>
      %dma_start3A_497 = tpu.memref_squeeze %dma_start3A_496 : memref<1x400xf32, #tpu.memory_space<hbm>> -> memref<400xf32, #tpu.memory_space<hbm>>
      %dma_start3A_498 = arith.constant 2000 : i32
      %dma_start3A_499 = tpu.memref_slice %arg10[%dma_start3A_498] : memref<6400xf32, #tpu.memory_space<vmem>> -> memref<400xf32, #tpu.memory_space<vmem>>
      tpu.enqueue_dma source(%dma_start3A_499 : memref<400xf32, #tpu.memory_space<vmem>>) target(%dma_start3A_497 : memref<400xf32, #tpu.memory_space<hbm>>) target_semaphore(%arg16 : memref<!tpu.dma_semaphore, #tpu.memory_space<semaphore_mem>>)
      %dma_start3A_500 = arith.constant 6 : i32
      %dma_start3A_501 = arith.constant 2400 : i32
      %dma_start3A_502 = tpu.memref_slice %arg10[%dma_start3A_501] : memref<6400xf32, #tpu.memory_space<vmem>> -> memref<400xf32, #tpu.memory_space<vmem>>
      %dma_start3A_503 = tpu.memref_slice %arg5[%dma_start3A_500, %add3A_445] : memref<16x320000xf32, #tpu.memory_space<hbm>> -> memref<1x400xf32, #tpu.memory_space<hbm>>
      %dma_start3A_504 = tpu.memref_squeeze %dma_start3A_503 : memref<1x400xf32, #tpu.memory_space<hbm>> -> memref<400xf32, #tpu.memory_space<hbm>>
      %dma_start3A_505 = tpu.memref_slice %arg5[%dma_start3A_500, %add3A_445] : memref<16x320000xf32, #tpu.memory_space<hbm>> -> memref<1x400xf32, #tpu.memory_space<hbm>>
      %dma_start3A_506 = tpu.memref_squeeze %dma_start3A_505 : memref<1x400xf32, #tpu.memory_space<hbm>> -> memref<400xf32, #tpu.memory_space<hbm>>
      %dma_start3A_507 = arith.constant 2400 : i32
      %dma_start3A_508 = tpu.memref_slice %arg10[%dma_start3A_507] : memref<6400xf32, #tpu.memory_space<vmem>> -> memref<400xf32, #tpu.memory_space<vmem>>
      tpu.enqueue_dma source(%dma_start3A_508 : memref<400xf32, #tpu.memory_space<vmem>>) target(%dma_start3A_506 : memref<400xf32, #tpu.memory_space<hbm>>) target_semaphore(%arg16 : memref<!tpu.dma_semaphore, #tpu.memory_space<semaphore_mem>>)
      %dma_start3A_509 = arith.constant 7 : i32
      %dma_start3A_510 = arith.constant 2800 : i32
      %dma_start3A_511 = tpu.memref_slice %arg10[%dma_start3A_510] : memref<6400xf32, #tpu.memory_space<vmem>> -> memref<400xf32, #tpu.memory_space<vmem>>
      %dma_start3A_512 = tpu.memref_slice %arg5[%dma_start3A_509, %add3A_445] : memref<16x320000xf32, #tpu.memory_space<hbm>> -> memref<1x400xf32, #tpu.memory_space<hbm>>
      %dma_start3A_513 = tpu.memref_squeeze %dma_start3A_512 : memref<1x400xf32, #tpu.memory_space<hbm>> -> memref<400xf32, #tpu.memory_space<hbm>>
      %dma_start3A_514 = tpu.memref_slice %arg5[%dma_start3A_509, %add3A_445] : memref<16x320000xf32, #tpu.memory_space<hbm>> -> memref<1x400xf32, #tpu.memory_space<hbm>>
      %dma_start3A_515 = tpu.memref_squeeze %dma_start3A_514 : memref<1x400xf32, #tpu.memory_space<hbm>> -> memref<400xf32, #tpu.memory_space<hbm>>
      %dma_start3A_516 = arith.constant 2800 : i32
      %dma_start3A_517 = tpu.memref_slice %arg10[%dma_start3A_516] : memref<6400xf32, #tpu.memory_space<vmem>> -> memref<400xf32, #tpu.memory_space<vmem>>
      tpu.enqueue_dma source(%dma_start3A_517 : memref<400xf32, #tpu.memory_space<vmem>>) target(%dma_start3A_515 : memref<400xf32, #tpu.memory_space<hbm>>) target_semaphore(%arg16 : memref<!tpu.dma_semaphore, #tpu.memory_space<semaphore_mem>>)
      %dma_start3A_518 = arith.constant 8 : i32
      %dma_start3A_519 = arith.constant 3200 : i32
      %dma_start3A_520 = tpu.memref_slice %arg10[%dma_start3A_519] : memref<6400xf32, #tpu.memory_space<vmem>> -> memref<400xf32, #tpu.memory_space<vmem>>
      %dma_start3A_521 = tpu.memref_slice %arg5[%dma_start3A_518, %add3A_445] : memref<16x320000xf32, #tpu.memory_space<hbm>> -> memref<1x400xf32, #tpu.memory_space<hbm>>
      %dma_start3A_522 = tpu.memref_squeeze %dma_start3A_521 : memref<1x400xf32, #tpu.memory_space<hbm>> -> memref<400xf32, #tpu.memory_space<hbm>>
      %dma_start3A_523 = tpu.memref_slice %arg5[%dma_start3A_518, %add3A_445] : memref<16x320000xf32, #tpu.memory_space<hbm>> -> memref<1x400xf32, #tpu.memory_space<hbm>>
      %dma_start3A_524 = tpu.memref_squeeze %dma_start3A_523 : memref<1x400xf32, #tpu.memory_space<hbm>> -> memref<400xf32, #tpu.memory_space<hbm>>
      %dma_start3A_525 = arith.constant 3200 : i32
      %dma_start3A_526 = tpu.memref_slice %arg10[%dma_start3A_525] : memref<6400xf32, #tpu.memory_space<vmem>> -> memref<400xf32, #tpu.memory_space<vmem>>
      tpu.enqueue_dma source(%dma_start3A_526 : memref<400xf32, #tpu.memory_space<vmem>>) target(%dma_start3A_524 : memref<400xf32, #tpu.memory_space<hbm>>) target_semaphore(%arg16 : memref<!tpu.dma_semaphore, #tpu.memory_space<semaphore_mem>>)
      %dma_start3A_527 = arith.constant 9 : i32
      %dma_start3A_528 = arith.constant 3600 : i32
      %dma_start3A_529 = tpu.memref_slice %arg10[%dma_start3A_528] : memref<6400xf32, #tpu.memory_space<vmem>> -> memref<400xf32, #tpu.memory_space<vmem>>
      %dma_start3A_530 = tpu.memref_slice %arg5[%dma_start3A_527, %add3A_445] : memref<16x320000xf32, #tpu.memory_space<hbm>> -> memref<1x400xf32, #tpu.memory_space<hbm>>
      %dma_start3A_531 = tpu.memref_squeeze %dma_start3A_530 : memref<1x400xf32, #tpu.memory_space<hbm>> -> memref<400xf32, #tpu.memory_space<hbm>>
      %dma_start3A_532 = tpu.memref_slice %arg5[%dma_start3A_527, %add3A_445] : memref<16x320000xf32, #tpu.memory_space<hbm>> -> memref<1x400xf32, #tpu.memory_space<hbm>>
      %dma_start3A_533 = tpu.memref_squeeze %dma_start3A_532 : memref<1x400xf32, #tpu.memory_space<hbm>> -> memref<400xf32, #tpu.memory_space<hbm>>
      %dma_start3A_534 = arith.constant 3600 : i32
      %dma_start3A_535 = tpu.memref_slice %arg10[%dma_start3A_534] : memref<6400xf32, #tpu.memory_space<vmem>> -> memref<400xf32, #tpu.memory_space<vmem>>
      tpu.enqueue_dma source(%dma_start3A_535 : memref<400xf32, #tpu.memory_space<vmem>>) target(%dma_start3A_533 : memref<400xf32, #tpu.memory_space<hbm>>) target_semaphore(%arg16 : memref<!tpu.dma_semaphore, #tpu.memory_space<semaphore_mem>>)
      %dma_start3A_536 = arith.constant 10 : i32
      %dma_start3A_537 = arith.constant 4000 : i32
      %dma_start3A_538 = tpu.memref_slice %arg10[%dma_start3A_537] : memref<6400xf32, #tpu.memory_space<vmem>> -> memref<400xf32, #tpu.memory_space<vmem>>
      %dma_start3A_539 = tpu.memref_slice %arg5[%dma_start3A_536, %add3A_445] : memref<16x320000xf32, #tpu.memory_space<hbm>> -> memref<1x400xf32, #tpu.memory_space<hbm>>
      %dma_start3A_540 = tpu.memref_squeeze %dma_start3A_539 : memref<1x400xf32, #tpu.memory_space<hbm>> -> memref<400xf32, #tpu.memory_space<hbm>>
      %dma_start3A_541 = tpu.memref_slice %arg5[%dma_start3A_536, %add3A_445] : memref<16x320000xf32, #tpu.memory_space<hbm>> -> memref<1x400xf32, #tpu.memory_space<hbm>>
      %dma_start3A_542 = tpu.memref_squeeze %dma_start3A_541 : memref<1x400xf32, #tpu.memory_space<hbm>> -> memref<400xf32, #tpu.memory_space<hbm>>
      %dma_start3A_543 = arith.constant 4000 : i32
      %dma_start3A_544 = tpu.memref_slice %arg10[%dma_start3A_543] : memref<6400xf32, #tpu.memory_space<vmem>> -> memref<400xf32, #tpu.memory_space<vmem>>
      tpu.enqueue_dma source(%dma_start3A_544 : memref<400xf32, #tpu.memory_space<vmem>>) target(%dma_start3A_542 : memref<400xf32, #tpu.memory_space<hbm>>) target_semaphore(%arg16 : memref<!tpu.dma_semaphore, #tpu.memory_space<semaphore_mem>>)
      %dma_start3A_545 = arith.constant 11 : i32
      %dma_start3A_546 = arith.constant 4400 : i32
      %dma_start3A_547 = tpu.memref_slice %arg10[%dma_start3A_546] : memref<6400xf32, #tpu.memory_space<vmem>> -> memref<400xf32, #tpu.memory_space<vmem>>
      %dma_start3A_548 = tpu.memref_slice %arg5[%dma_start3A_545, %add3A_445] : memref<16x320000xf32, #tpu.memory_space<hbm>> -> memref<1x400xf32, #tpu.memory_space<hbm>>
      %dma_start3A_549 = tpu.memref_squeeze %dma_start3A_548 : memref<1x400xf32, #tpu.memory_space<hbm>> -> memref<400xf32, #tpu.memory_space<hbm>>
      %dma_start3A_550 = tpu.memref_slice %arg5[%dma_start3A_545, %add3A_445] : memref<16x320000xf32, #tpu.memory_space<hbm>> -> memref<1x400xf32, #tpu.memory_space<hbm>>
      %dma_start3A_551 = tpu.memref_squeeze %dma_start3A_550 : memref<1x400xf32, #tpu.memory_space<hbm>> -> memref<400xf32, #tpu.memory_space<hbm>>
      %dma_start3A_552 = arith.constant 4400 : i32
      %dma_start3A_553 = tpu.memref_slice %arg10[%dma_start3A_552] : memref<6400xf32, #tpu.memory_space<vmem>> -> memref<400xf32, #tpu.memory_space<vmem>>
      tpu.enqueue_dma source(%dma_start3A_553 : memref<400xf32, #tpu.memory_space<vmem>>) target(%dma_start3A_551 : memref<400xf32, #tpu.memory_space<hbm>>) target_semaphore(%arg16 : memref<!tpu.dma_semaphore, #tpu.memory_space<semaphore_mem>>)
      %dma_start3A_554 = arith.constant 12 : i32
      %dma_start3A_555 = arith.constant 4800 : i32
      %dma_start3A_556 = tpu.memref_slice %arg10[%dma_start3A_555] : memref<6400xf32, #tpu.memory_space<vmem>> -> memref<400xf32, #tpu.memory_space<vmem>>
      %dma_start3A_557 = tpu.memref_slice %arg5[%dma_start3A_554, %add3A_445] : memref<16x320000xf32, #tpu.memory_space<hbm>> -> memref<1x400xf32, #tpu.memory_space<hbm>>
      %dma_start3A_558 = tpu.memref_squeeze %dma_start3A_557 : memref<1x400xf32, #tpu.memory_space<hbm>> -> memref<400xf32, #tpu.memory_space<hbm>>
      %dma_start3A_559 = tpu.memref_slice %arg5[%dma_start3A_554, %add3A_445] : memref<16x320000xf32, #tpu.memory_space<hbm>> -> memref<1x400xf32, #tpu.memory_space<hbm>>
      %dma_start3A_560 = tpu.memref_squeeze %dma_start3A_559 : memref<1x400xf32, #tpu.memory_space<hbm>> -> memref<400xf32, #tpu.memory_space<hbm>>
      %dma_start3A_561 = arith.constant 4800 : i32
      %dma_start3A_562 = tpu.memref_slice %arg10[%dma_start3A_561] : memref<6400xf32, #tpu.memory_space<vmem>> -> memref<400xf32, #tpu.memory_space<vmem>>
      tpu.enqueue_dma source(%dma_start3A_562 : memref<400xf32, #tpu.memory_space<vmem>>) target(%dma_start3A_560 : memref<400xf32, #tpu.memory_space<hbm>>) target_semaphore(%arg16 : memref<!tpu.dma_semaphore, #tpu.memory_space<semaphore_mem>>)
      %dma_start3A_563 = arith.constant 13 : i32
      %dma_start3A_564 = arith.constant 5200 : i32
      %dma_start3A_565 = tpu.memref_slice %arg10[%dma_start3A_564] : memref<6400xf32, #tpu.memory_space<vmem>> -> memref<400xf32, #tpu.memory_space<vmem>>
      %dma_start3A_566 = tpu.memref_slice %arg5[%dma_start3A_563, %add3A_445] : memref<16x320000xf32, #tpu.memory_space<hbm>> -> memref<1x400xf32, #tpu.memory_space<hbm>>
      %dma_start3A_567 = tpu.memref_squeeze %dma_start3A_566 : memref<1x400xf32, #tpu.memory_space<hbm>> -> memref<400xf32, #tpu.memory_space<hbm>>
      %dma_start3A_568 = tpu.memref_slice %arg5[%dma_start3A_563, %add3A_445] : memref<16x320000xf32, #tpu.memory_space<hbm>> -> memref<1x400xf32, #tpu.memory_space<hbm>>
      %dma_start3A_569 = tpu.memref_squeeze %dma_start3A_568 : memref<1x400xf32, #tpu.memory_space<hbm>> -> memref<400xf32, #tpu.memory_space<hbm>>
      %dma_start3A_570 = arith.constant 5200 : i32
      %dma_start3A_571 = tpu.memref_slice %arg10[%dma_start3A_570] : memref<6400xf32, #tpu.memory_space<vmem>> -> memref<400xf32, #tpu.memory_space<vmem>>
      tpu.enqueue_dma source(%dma_start3A_571 : memref<400xf32, #tpu.memory_space<vmem>>) target(%dma_start3A_569 : memref<400xf32, #tpu.memory_space<hbm>>) target_semaphore(%arg16 : memref<!tpu.dma_semaphore, #tpu.memory_space<semaphore_mem>>)
      %dma_start3A_572 = arith.constant 14 : i32
      %dma_start3A_573 = arith.constant 5600 : i32
      %dma_start3A_574 = tpu.memref_slice %arg10[%dma_start3A_573] : memref<6400xf32, #tpu.memory_space<vmem>> -> memref<400xf32, #tpu.memory_space<vmem>>
      %dma_start3A_575 = tpu.memref_slice %arg5[%dma_start3A_572, %add3A_445] : memref<16x320000xf32, #tpu.memory_space<hbm>> -> memref<1x400xf32, #tpu.memory_space<hbm>>
      %dma_start3A_576 = tpu.memref_squeeze %dma_start3A_575 : memref<1x400xf32, #tpu.memory_space<hbm>> -> memref<400xf32, #tpu.memory_space<hbm>>
      %dma_start3A_577 = tpu.memref_slice %arg5[%dma_start3A_572, %add3A_445] : memref<16x320000xf32, #tpu.memory_space<hbm>> -> memref<1x400xf32, #tpu.memory_space<hbm>>
      %dma_start3A_578 = tpu.memref_squeeze %dma_start3A_577 : memref<1x400xf32, #tpu.memory_space<hbm>> -> memref<400xf32, #tpu.memory_space<hbm>>
      %dma_start3A_579 = arith.constant 5600 : i32
      %dma_start3A_580 = tpu.memref_slice %arg10[%dma_start3A_579] : memref<6400xf32, #tpu.memory_space<vmem>> -> memref<400xf32, #tpu.memory_space<vmem>>
      tpu.enqueue_dma source(%dma_start3A_580 : memref<400xf32, #tpu.memory_space<vmem>>) target(%dma_start3A_578 : memref<400xf32, #tpu.memory_space<hbm>>) target_semaphore(%arg16 : memref<!tpu.dma_semaphore, #tpu.memory_space<semaphore_mem>>)
      %dma_start3A_581 = arith.constant 15 : i32
      %dma_start3A_582 = arith.constant 6000 : i32
      %dma_start3A_583 = tpu.memref_slice %arg10[%dma_start3A_582] : memref<6400xf32, #tpu.memory_space<vmem>> -> memref<400xf32, #tpu.memory_space<vmem>>
      %dma_start3A_584 = tpu.memref_slice %arg5[%dma_start3A_581, %add3A_445] : memref<16x320000xf32, #tpu.memory_space<hbm>> -> memref<1x400xf32, #tpu.memory_space<hbm>>
      %dma_start3A_585 = tpu.memref_squeeze %dma_start3A_584 : memref<1x400xf32, #tpu.memory_space<hbm>> -> memref<400xf32, #tpu.memory_space<hbm>>
      %dma_start3A_586 = tpu.memref_slice %arg5[%dma_start3A_581, %add3A_445] : memref<16x320000xf32, #tpu.memory_space<hbm>> -> memref<1x400xf32, #tpu.memory_space<hbm>>
      %dma_start3A_587 = tpu.memref_squeeze %dma_start3A_586 : memref<1x400xf32, #tpu.memory_space<hbm>> -> memref<400xf32, #tpu.memory_space<hbm>>
      %dma_start3A_588 = arith.constant 6000 : i32
      %dma_start3A_589 = tpu.memref_slice %arg10[%dma_start3A_588] : memref<6400xf32, #tpu.memory_space<vmem>> -> memref<400xf32, #tpu.memory_space<vmem>>
      tpu.enqueue_dma source(%dma_start3A_589 : memref<400xf32, #tpu.memory_space<vmem>>) target(%dma_start3A_587 : memref<400xf32, #tpu.memory_space<hbm>>) target_semaphore(%arg16 : memref<!tpu.dma_semaphore, #tpu.memory_space<semaphore_mem>>)
    }
    %scan3A_112 = arith.constant 25 : i32
    %mul3A_113 = arith.constant 10000 : i32
    %mul3A_114 = arith.muli %add3A, %mul3A_113 : i32
    %add3A_115 = arith.constant 9600 : i32
    %add3A_116 = arith.addi %mul3A_114, %add3A_115 : i32
    %dma_wait3A = arith.constant 0 : i32
    %dma_wait3A_117 = arith.constant 0 : i32
    %dma_wait3A_118 = tpu.memref_slice %arg10[%dma_wait3A_117] : memref<6400xf32, #tpu.memory_space<vmem>> -> memref<400xf32, #tpu.memory_space<vmem>>
    %dma_wait3A_119 = tpu.memref_slice %arg5[%dma_wait3A, %add3A_116] : memref<16x320000xf32, #tpu.memory_space<hbm>> -> memref<1x400xf32, #tpu.memory_space<hbm>>
    %dma_wait3A_120 = tpu.memref_squeeze %dma_wait3A_119 : memref<1x400xf32, #tpu.memory_space<hbm>> -> memref<400xf32, #tpu.memory_space<hbm>>
    %dma_wait3A_121 = tpu.memref_slice %arg5[%dma_wait3A, %add3A_116] : memref<16x320000xf32, #tpu.memory_space<hbm>> -> memref<1x400xf32, #tpu.memory_space<hbm>>
    %dma_wait3A_122 = tpu.memref_squeeze %dma_wait3A_121 : memref<1x400xf32, #tpu.memory_space<hbm>> -> memref<400xf32, #tpu.memory_space<hbm>>
    %dma_wait3A_123 = arith.constant 0 : i32
    %dma_wait3A_124 = tpu.memref_slice %arg10[%dma_wait3A_123] : memref<6400xf32, #tpu.memory_space<vmem>> -> memref<400xf32, #tpu.memory_space<vmem>>
    tpu.wait_dma2 semaphore(%arg16 : memref<!tpu.dma_semaphore, #tpu.memory_space<semaphore_mem>>) src(%dma_wait3A_124 : memref<400xf32, #tpu.memory_space<vmem>>) dst(%dma_wait3A_122 : memref<400xf32, #tpu.memory_space<hbm>>)
    %dma_wait3A_125 = arith.constant 1 : i32
    %dma_wait3A_126 = arith.constant 400 : i32
    %dma_wait3A_127 = tpu.memref_slice %arg10[%dma_wait3A_126] : memref<6400xf32, #tpu.memory_space<vmem>> -> memref<400xf32, #tpu.memory_space<vmem>>
    %dma_wait3A_128 = tpu.memref_slice %arg5[%dma_wait3A_125, %add3A_116] : memref<16x320000xf32, #tpu.memory_space<hbm>> -> memref<1x400xf32, #tpu.memory_space<hbm>>
    %dma_wait3A_129 = tpu.memref_squeeze %dma_wait3A_128 : memref<1x400xf32, #tpu.memory_space<hbm>> -> memref<400xf32, #tpu.memory_space<hbm>>
    %dma_wait3A_130 = tpu.memref_slice %arg5[%dma_wait3A_125, %add3A_116] : memref<16x320000xf32, #tpu.memory_space<hbm>> -> memref<1x400xf32, #tpu.memory_space<hbm>>
    %dma_wait3A_131 = tpu.memref_squeeze %dma_wait3A_130 : memref<1x400xf32, #tpu.memory_space<hbm>> -> memref<400xf32, #tpu.memory_space<hbm>>
    %dma_wait3A_132 = arith.constant 400 : i32
    %dma_wait3A_133 = tpu.memref_slice %arg10[%dma_wait3A_132] : memref<6400xf32, #tpu.memory_space<vmem>> -> memref<400xf32, #tpu.memory_space<vmem>>
    tpu.wait_dma2 semaphore(%arg16 : memref<!tpu.dma_semaphore, #tpu.memory_space<semaphore_mem>>) src(%dma_wait3A_133 : memref<400xf32, #tpu.memory_space<vmem>>) dst(%dma_wait3A_131 : memref<400xf32, #tpu.memory_space<hbm>>)
    %dma_wait3A_134 = arith.constant 2 : i32
    %dma_wait3A_135 = arith.constant 800 : i32
    %dma_wait3A_136 = tpu.memref_slice %arg10[%dma_wait3A_135] : memref<6400xf32, #tpu.memory_space<vmem>> -> memref<400xf32, #tpu.memory_space<vmem>>
    %dma_wait3A_137 = tpu.memref_slice %arg5[%dma_wait3A_134, %add3A_116] : memref<16x320000xf32, #tpu.memory_space<hbm>> -> memref<1x400xf32, #tpu.memory_space<hbm>>
    %dma_wait3A_138 = tpu.memref_squeeze %dma_wait3A_137 : memref<1x400xf32, #tpu.memory_space<hbm>> -> memref<400xf32, #tpu.memory_space<hbm>>
    %dma_wait3A_139 = tpu.memref_slice %arg5[%dma_wait3A_134, %add3A_116] : memref<16x320000xf32, #tpu.memory_space<hbm>> -> memref<1x400xf32, #tpu.memory_space<hbm>>
    %dma_wait3A_140 = tpu.memref_squeeze %dma_wait3A_139 : memref<1x400xf32, #tpu.memory_space<hbm>> -> memref<400xf32, #tpu.memory_space<hbm>>
    %dma_wait3A_141 = arith.constant 800 : i32
    %dma_wait3A_142 = tpu.memref_slice %arg10[%dma_wait3A_141] : memref<6400xf32, #tpu.memory_space<vmem>> -> memref<400xf32, #tpu.memory_space<vmem>>
    tpu.wait_dma2 semaphore(%arg16 : memref<!tpu.dma_semaphore, #tpu.memory_space<semaphore_mem>>) src(%dma_wait3A_142 : memref<400xf32, #tpu.memory_space<vmem>>) dst(%dma_wait3A_140 : memref<400xf32, #tpu.memory_space<hbm>>)
    %dma_wait3A_143 = arith.constant 3 : i32
    %dma_wait3A_144 = arith.constant 1200 : i32
    %dma_wait3A_145 = tpu.memref_slice %arg10[%dma_wait3A_144] : memref<6400xf32, #tpu.memory_space<vmem>> -> memref<400xf32, #tpu.memory_space<vmem>>
    %dma_wait3A_146 = tpu.memref_slice %arg5[%dma_wait3A_143, %add3A_116] : memref<16x320000xf32, #tpu.memory_space<hbm>> -> memref<1x400xf32, #tpu.memory_space<hbm>>
    %dma_wait3A_147 = tpu.memref_squeeze %dma_wait3A_146 : memref<1x400xf32, #tpu.memory_space<hbm>> -> memref<400xf32, #tpu.memory_space<hbm>>
    %dma_wait3A_148 = tpu.memref_slice %arg5[%dma_wait3A_143, %add3A_116] : memref<16x320000xf32, #tpu.memory_space<hbm>> -> memref<1x400xf32, #tpu.memory_space<hbm>>
    %dma_wait3A_149 = tpu.memref_squeeze %dma_wait3A_148 : memref<1x400xf32, #tpu.memory_space<hbm>> -> memref<400xf32, #tpu.memory_space<hbm>>
    %dma_wait3A_150 = arith.constant 1200 : i32
    %dma_wait3A_151 = tpu.memref_slice %arg10[%dma_wait3A_150] : memref<6400xf32, #tpu.memory_space<vmem>> -> memref<400xf32, #tpu.memory_space<vmem>>
    tpu.wait_dma2 semaphore(%arg16 : memref<!tpu.dma_semaphore, #tpu.memory_space<semaphore_mem>>) src(%dma_wait3A_151 : memref<400xf32, #tpu.memory_space<vmem>>) dst(%dma_wait3A_149 : memref<400xf32, #tpu.memory_space<hbm>>)
    %dma_wait3A_152 = arith.constant 4 : i32
    %dma_wait3A_153 = arith.constant 1600 : i32
    %dma_wait3A_154 = tpu.memref_slice %arg10[%dma_wait3A_153] : memref<6400xf32, #tpu.memory_space<vmem>> -> memref<400xf32, #tpu.memory_space<vmem>>
    %dma_wait3A_155 = tpu.memref_slice %arg5[%dma_wait3A_152, %add3A_116] : memref<16x320000xf32, #tpu.memory_space<hbm>> -> memref<1x400xf32, #tpu.memory_space<hbm>>
    %dma_wait3A_156 = tpu.memref_squeeze %dma_wait3A_155 : memref<1x400xf32, #tpu.memory_space<hbm>> -> memref<400xf32, #tpu.memory_space<hbm>>
    %dma_wait3A_157 = tpu.memref_slice %arg5[%dma_wait3A_152, %add3A_116] : memref<16x320000xf32, #tpu.memory_space<hbm>> -> memref<1x400xf32, #tpu.memory_space<hbm>>
    %dma_wait3A_158 = tpu.memref_squeeze %dma_wait3A_157 : memref<1x400xf32, #tpu.memory_space<hbm>> -> memref<400xf32, #tpu.memory_space<hbm>>
    %dma_wait3A_159 = arith.constant 1600 : i32
    %dma_wait3A_160 = tpu.memref_slice %arg10[%dma_wait3A_159] : memref<6400xf32, #tpu.memory_space<vmem>> -> memref<400xf32, #tpu.memory_space<vmem>>
    tpu.wait_dma2 semaphore(%arg16 : memref<!tpu.dma_semaphore, #tpu.memory_space<semaphore_mem>>) src(%dma_wait3A_160 : memref<400xf32, #tpu.memory_space<vmem>>) dst(%dma_wait3A_158 : memref<400xf32, #tpu.memory_space<hbm>>)
    %dma_wait3A_161 = arith.constant 5 : i32
    %dma_wait3A_162 = arith.constant 2000 : i32
    %dma_wait3A_163 = tpu.memref_slice %arg10[%dma_wait3A_162] : memref<6400xf32, #tpu.memory_space<vmem>> -> memref<400xf32, #tpu.memory_space<vmem>>
    %dma_wait3A_164 = tpu.memref_slice %arg5[%dma_wait3A_161, %add3A_116] : memref<16x320000xf32, #tpu.memory_space<hbm>> -> memref<1x400xf32, #tpu.memory_space<hbm>>
    %dma_wait3A_165 = tpu.memref_squeeze %dma_wait3A_164 : memref<1x400xf32, #tpu.memory_space<hbm>> -> memref<400xf32, #tpu.memory_space<hbm>>
    %dma_wait3A_166 = tpu.memref_slice %arg5[%dma_wait3A_161, %add3A_116] : memref<16x320000xf32, #tpu.memory_space<hbm>> -> memref<1x400xf32, #tpu.memory_space<hbm>>
    %dma_wait3A_167 = tpu.memref_squeeze %dma_wait3A_166 : memref<1x400xf32, #tpu.memory_space<hbm>> -> memref<400xf32, #tpu.memory_space<hbm>>
    %dma_wait3A_168 = arith.constant 2000 : i32
    %dma_wait3A_169 = tpu.memref_slice %arg10[%dma_wait3A_168] : memref<6400xf32, #tpu.memory_space<vmem>> -> memref<400xf32, #tpu.memory_space<vmem>>
    tpu.wait_dma2 semaphore(%arg16 : memref<!tpu.dma_semaphore, #tpu.memory_space<semaphore_mem>>) src(%dma_wait3A_169 : memref<400xf32, #tpu.memory_space<vmem>>) dst(%dma_wait3A_167 : memref<400xf32, #tpu.memory_space<hbm>>)
    %dma_wait3A_170 = arith.constant 6 : i32
    %dma_wait3A_171 = arith.constant 2400 : i32
    %dma_wait3A_172 = tpu.memref_slice %arg10[%dma_wait3A_171] : memref<6400xf32, #tpu.memory_space<vmem>> -> memref<400xf32, #tpu.memory_space<vmem>>
    %dma_wait3A_173 = tpu.memref_slice %arg5[%dma_wait3A_170, %add3A_116] : memref<16x320000xf32, #tpu.memory_space<hbm>> -> memref<1x400xf32, #tpu.memory_space<hbm>>
    %dma_wait3A_174 = tpu.memref_squeeze %dma_wait3A_173 : memref<1x400xf32, #tpu.memory_space<hbm>> -> memref<400xf32, #tpu.memory_space<hbm>>
    %dma_wait3A_175 = tpu.memref_slice %arg5[%dma_wait3A_170, %add3A_116] : memref<16x320000xf32, #tpu.memory_space<hbm>> -> memref<1x400xf32, #tpu.memory_space<hbm>>
    %dma_wait3A_176 = tpu.memref_squeeze %dma_wait3A_175 : memref<1x400xf32, #tpu.memory_space<hbm>> -> memref<400xf32, #tpu.memory_space<hbm>>
    %dma_wait3A_177 = arith.constant 2400 : i32
    %dma_wait3A_178 = tpu.memref_slice %arg10[%dma_wait3A_177] : memref<6400xf32, #tpu.memory_space<vmem>> -> memref<400xf32, #tpu.memory_space<vmem>>
    tpu.wait_dma2 semaphore(%arg16 : memref<!tpu.dma_semaphore, #tpu.memory_space<semaphore_mem>>) src(%dma_wait3A_178 : memref<400xf32, #tpu.memory_space<vmem>>) dst(%dma_wait3A_176 : memref<400xf32, #tpu.memory_space<hbm>>)
    %dma_wait3A_179 = arith.constant 7 : i32
    %dma_wait3A_180 = arith.constant 2800 : i32
    %dma_wait3A_181 = tpu.memref_slice %arg10[%dma_wait3A_180] : memref<6400xf32, #tpu.memory_space<vmem>> -> memref<400xf32, #tpu.memory_space<vmem>>
    %dma_wait3A_182 = tpu.memref_slice %arg5[%dma_wait3A_179, %add3A_116] : memref<16x320000xf32, #tpu.memory_space<hbm>> -> memref<1x400xf32, #tpu.memory_space<hbm>>
    %dma_wait3A_183 = tpu.memref_squeeze %dma_wait3A_182 : memref<1x400xf32, #tpu.memory_space<hbm>> -> memref<400xf32, #tpu.memory_space<hbm>>
    %dma_wait3A_184 = tpu.memref_slice %arg5[%dma_wait3A_179, %add3A_116] : memref<16x320000xf32, #tpu.memory_space<hbm>> -> memref<1x400xf32, #tpu.memory_space<hbm>>
    %dma_wait3A_185 = tpu.memref_squeeze %dma_wait3A_184 : memref<1x400xf32, #tpu.memory_space<hbm>> -> memref<400xf32, #tpu.memory_space<hbm>>
    %dma_wait3A_186 = arith.constant 2800 : i32
    %dma_wait3A_187 = tpu.memref_slice %arg10[%dma_wait3A_186] : memref<6400xf32, #tpu.memory_space<vmem>> -> memref<400xf32, #tpu.memory_space<vmem>>
    tpu.wait_dma2 semaphore(%arg16 : memref<!tpu.dma_semaphore, #tpu.memory_space<semaphore_mem>>) src(%dma_wait3A_187 : memref<400xf32, #tpu.memory_space<vmem>>) dst(%dma_wait3A_185 : memref<400xf32, #tpu.memory_space<hbm>>)
    %dma_wait3A_188 = arith.constant 8 : i32
    %dma_wait3A_189 = arith.constant 3200 : i32
    %dma_wait3A_190 = tpu.memref_slice %arg10[%dma_wait3A_189] : memref<6400xf32, #tpu.memory_space<vmem>> -> memref<400xf32, #tpu.memory_space<vmem>>
    %dma_wait3A_191 = tpu.memref_slice %arg5[%dma_wait3A_188, %add3A_116] : memref<16x320000xf32, #tpu.memory_space<hbm>> -> memref<1x400xf32, #tpu.memory_space<hbm>>
    %dma_wait3A_192 = tpu.memref_squeeze %dma_wait3A_191 : memref<1x400xf32, #tpu.memory_space<hbm>> -> memref<400xf32, #tpu.memory_space<hbm>>
    %dma_wait3A_193 = tpu.memref_slice %arg5[%dma_wait3A_188, %add3A_116] : memref<16x320000xf32, #tpu.memory_space<hbm>> -> memref<1x400xf32, #tpu.memory_space<hbm>>
    %dma_wait3A_194 = tpu.memref_squeeze %dma_wait3A_193 : memref<1x400xf32, #tpu.memory_space<hbm>> -> memref<400xf32, #tpu.memory_space<hbm>>
    %dma_wait3A_195 = arith.constant 3200 : i32
    %dma_wait3A_196 = tpu.memref_slice %arg10[%dma_wait3A_195] : memref<6400xf32, #tpu.memory_space<vmem>> -> memref<400xf32, #tpu.memory_space<vmem>>
    tpu.wait_dma2 semaphore(%arg16 : memref<!tpu.dma_semaphore, #tpu.memory_space<semaphore_mem>>) src(%dma_wait3A_196 : memref<400xf32, #tpu.memory_space<vmem>>) dst(%dma_wait3A_194 : memref<400xf32, #tpu.memory_space<hbm>>)
    %dma_wait3A_197 = arith.constant 9 : i32
    %dma_wait3A_198 = arith.constant 3600 : i32
    %dma_wait3A_199 = tpu.memref_slice %arg10[%dma_wait3A_198] : memref<6400xf32, #tpu.memory_space<vmem>> -> memref<400xf32, #tpu.memory_space<vmem>>
    %dma_wait3A_200 = tpu.memref_slice %arg5[%dma_wait3A_197, %add3A_116] : memref<16x320000xf32, #tpu.memory_space<hbm>> -> memref<1x400xf32, #tpu.memory_space<hbm>>
    %dma_wait3A_201 = tpu.memref_squeeze %dma_wait3A_200 : memref<1x400xf32, #tpu.memory_space<hbm>> -> memref<400xf32, #tpu.memory_space<hbm>>
    %dma_wait3A_202 = tpu.memref_slice %arg5[%dma_wait3A_197, %add3A_116] : memref<16x320000xf32, #tpu.memory_space<hbm>> -> memref<1x400xf32, #tpu.memory_space<hbm>>
    %dma_wait3A_203 = tpu.memref_squeeze %dma_wait3A_202 : memref<1x400xf32, #tpu.memory_space<hbm>> -> memref<400xf32, #tpu.memory_space<hbm>>
    %dma_wait3A_204 = arith.constant 3600 : i32
    %dma_wait3A_205 = tpu.memref_slice %arg10[%dma_wait3A_204] : memref<6400xf32, #tpu.memory_space<vmem>> -> memref<400xf32, #tpu.memory_space<vmem>>
    tpu.wait_dma2 semaphore(%arg16 : memref<!tpu.dma_semaphore, #tpu.memory_space<semaphore_mem>>) src(%dma_wait3A_205 : memref<400xf32, #tpu.memory_space<vmem>>) dst(%dma_wait3A_203 : memref<400xf32, #tpu.memory_space<hbm>>)
    %dma_wait3A_206 = arith.constant 10 : i32
    %dma_wait3A_207 = arith.constant 4000 : i32
    %dma_wait3A_208 = tpu.memref_slice %arg10[%dma_wait3A_207] : memref<6400xf32, #tpu.memory_space<vmem>> -> memref<400xf32, #tpu.memory_space<vmem>>
    %dma_wait3A_209 = tpu.memref_slice %arg5[%dma_wait3A_206, %add3A_116] : memref<16x320000xf32, #tpu.memory_space<hbm>> -> memref<1x400xf32, #tpu.memory_space<hbm>>
    %dma_wait3A_210 = tpu.memref_squeeze %dma_wait3A_209 : memref<1x400xf32, #tpu.memory_space<hbm>> -> memref<400xf32, #tpu.memory_space<hbm>>
    %dma_wait3A_211 = tpu.memref_slice %arg5[%dma_wait3A_206, %add3A_116] : memref<16x320000xf32, #tpu.memory_space<hbm>> -> memref<1x400xf32, #tpu.memory_space<hbm>>
    %dma_wait3A_212 = tpu.memref_squeeze %dma_wait3A_211 : memref<1x400xf32, #tpu.memory_space<hbm>> -> memref<400xf32, #tpu.memory_space<hbm>>
    %dma_wait3A_213 = arith.constant 4000 : i32
    %dma_wait3A_214 = tpu.memref_slice %arg10[%dma_wait3A_213] : memref<6400xf32, #tpu.memory_space<vmem>> -> memref<400xf32, #tpu.memory_space<vmem>>
    tpu.wait_dma2 semaphore(%arg16 : memref<!tpu.dma_semaphore, #tpu.memory_space<semaphore_mem>>) src(%dma_wait3A_214 : memref<400xf32, #tpu.memory_space<vmem>>) dst(%dma_wait3A_212 : memref<400xf32, #tpu.memory_space<hbm>>)
    %dma_wait3A_215 = arith.constant 11 : i32
    %dma_wait3A_216 = arith.constant 4400 : i32
    %dma_wait3A_217 = tpu.memref_slice %arg10[%dma_wait3A_216] : memref<6400xf32, #tpu.memory_space<vmem>> -> memref<400xf32, #tpu.memory_space<vmem>>
    %dma_wait3A_218 = tpu.memref_slice %arg5[%dma_wait3A_215, %add3A_116] : memref<16x320000xf32, #tpu.memory_space<hbm>> -> memref<1x400xf32, #tpu.memory_space<hbm>>
    %dma_wait3A_219 = tpu.memref_squeeze %dma_wait3A_218 : memref<1x400xf32, #tpu.memory_space<hbm>> -> memref<400xf32, #tpu.memory_space<hbm>>
    %dma_wait3A_220 = tpu.memref_slice %arg5[%dma_wait3A_215, %add3A_116] : memref<16x320000xf32, #tpu.memory_space<hbm>> -> memref<1x400xf32, #tpu.memory_space<hbm>>
    %dma_wait3A_221 = tpu.memref_squeeze %dma_wait3A_220 : memref<1x400xf32, #tpu.memory_space<hbm>> -> memref<400xf32, #tpu.memory_space<hbm>>
    %dma_wait3A_222 = arith.constant 4400 : i32
    %dma_wait3A_223 = tpu.memref_slice %arg10[%dma_wait3A_222] : memref<6400xf32, #tpu.memory_space<vmem>> -> memref<400xf32, #tpu.memory_space<vmem>>
    tpu.wait_dma2 semaphore(%arg16 : memref<!tpu.dma_semaphore, #tpu.memory_space<semaphore_mem>>) src(%dma_wait3A_223 : memref<400xf32, #tpu.memory_space<vmem>>) dst(%dma_wait3A_221 : memref<400xf32, #tpu.memory_space<hbm>>)
    %dma_wait3A_224 = arith.constant 12 : i32
    %dma_wait3A_225 = arith.constant 4800 : i32
    %dma_wait3A_226 = tpu.memref_slice %arg10[%dma_wait3A_225] : memref<6400xf32, #tpu.memory_space<vmem>> -> memref<400xf32, #tpu.memory_space<vmem>>
    %dma_wait3A_227 = tpu.memref_slice %arg5[%dma_wait3A_224, %add3A_116] : memref<16x320000xf32, #tpu.memory_space<hbm>> -> memref<1x400xf32, #tpu.memory_space<hbm>>
    %dma_wait3A_228 = tpu.memref_squeeze %dma_wait3A_227 : memref<1x400xf32, #tpu.memory_space<hbm>> -> memref<400xf32, #tpu.memory_space<hbm>>
    %dma_wait3A_229 = tpu.memref_slice %arg5[%dma_wait3A_224, %add3A_116] : memref<16x320000xf32, #tpu.memory_space<hbm>> -> memref<1x400xf32, #tpu.memory_space<hbm>>
    %dma_wait3A_230 = tpu.memref_squeeze %dma_wait3A_229 : memref<1x400xf32, #tpu.memory_space<hbm>> -> memref<400xf32, #tpu.memory_space<hbm>>
    %dma_wait3A_231 = arith.constant 4800 : i32
    %dma_wait3A_232 = tpu.memref_slice %arg10[%dma_wait3A_231] : memref<6400xf32, #tpu.memory_space<vmem>> -> memref<400xf32, #tpu.memory_space<vmem>>
    tpu.wait_dma2 semaphore(%arg16 : memref<!tpu.dma_semaphore, #tpu.memory_space<semaphore_mem>>) src(%dma_wait3A_232 : memref<400xf32, #tpu.memory_space<vmem>>) dst(%dma_wait3A_230 : memref<400xf32, #tpu.memory_space<hbm>>)
    %dma_wait3A_233 = arith.constant 13 : i32
    %dma_wait3A_234 = arith.constant 5200 : i32
    %dma_wait3A_235 = tpu.memref_slice %arg10[%dma_wait3A_234] : memref<6400xf32, #tpu.memory_space<vmem>> -> memref<400xf32, #tpu.memory_space<vmem>>
    %dma_wait3A_236 = tpu.memref_slice %arg5[%dma_wait3A_233, %add3A_116] : memref<16x320000xf32, #tpu.memory_space<hbm>> -> memref<1x400xf32, #tpu.memory_space<hbm>>
    %dma_wait3A_237 = tpu.memref_squeeze %dma_wait3A_236 : memref<1x400xf32, #tpu.memory_space<hbm>> -> memref<400xf32, #tpu.memory_space<hbm>>
    %dma_wait3A_238 = tpu.memref_slice %arg5[%dma_wait3A_233, %add3A_116] : memref<16x320000xf32, #tpu.memory_space<hbm>> -> memref<1x400xf32, #tpu.memory_space<hbm>>
    %dma_wait3A_239 = tpu.memref_squeeze %dma_wait3A_238 : memref<1x400xf32, #tpu.memory_space<hbm>> -> memref<400xf32, #tpu.memory_space<hbm>>
    %dma_wait3A_240 = arith.constant 5200 : i32
    %dma_wait3A_241 = tpu.memref_slice %arg10[%dma_wait3A_240] : memref<6400xf32, #tpu.memory_space<vmem>> -> memref<400xf32, #tpu.memory_space<vmem>>
    tpu.wait_dma2 semaphore(%arg16 : memref<!tpu.dma_semaphore, #tpu.memory_space<semaphore_mem>>) src(%dma_wait3A_241 : memref<400xf32, #tpu.memory_space<vmem>>) dst(%dma_wait3A_239 : memref<400xf32, #tpu.memory_space<hbm>>)
    %dma_wait3A_242 = arith.constant 14 : i32
    %dma_wait3A_243 = arith.constant 5600 : i32
    %dma_wait3A_244 = tpu.memref_slice %arg10[%dma_wait3A_243] : memref<6400xf32, #tpu.memory_space<vmem>> -> memref<400xf32, #tpu.memory_space<vmem>>
    %dma_wait3A_245 = tpu.memref_slice %arg5[%dma_wait3A_242, %add3A_116] : memref<16x320000xf32, #tpu.memory_space<hbm>> -> memref<1x400xf32, #tpu.memory_space<hbm>>
    %dma_wait3A_246 = tpu.memref_squeeze %dma_wait3A_245 : memref<1x400xf32, #tpu.memory_space<hbm>> -> memref<400xf32, #tpu.memory_space<hbm>>
    %dma_wait3A_247 = tpu.memref_slice %arg5[%dma_wait3A_242, %add3A_116] : memref<16x320000xf32, #tpu.memory_space<hbm>> -> memref<1x400xf32, #tpu.memory_space<hbm>>
    %dma_wait3A_248 = tpu.memref_squeeze %dma_wait3A_247 : memref<1x400xf32, #tpu.memory_space<hbm>> -> memref<400xf32, #tpu.memory_space<hbm>>
    %dma_wait3A_249 = arith.constant 5600 : i32
    %dma_wait3A_250 = tpu.memref_slice %arg10[%dma_wait3A_249] : memref<6400xf32, #tpu.memory_space<vmem>> -> memref<400xf32, #tpu.memory_space<vmem>>
    tpu.wait_dma2 semaphore(%arg16 : memref<!tpu.dma_semaphore, #tpu.memory_space<semaphore_mem>>) src(%dma_wait3A_250 : memref<400xf32, #tpu.memory_space<vmem>>) dst(%dma_wait3A_248 : memref<400xf32, #tpu.memory_space<hbm>>)
    %dma_wait3A_251 = arith.constant 15 : i32
    %dma_wait3A_252 = arith.constant 6000 : i32
    %dma_wait3A_253 = tpu.memref_slice %arg10[%dma_wait3A_252] : memref<6400xf32, #tpu.memory_space<vmem>> -> memref<400xf32, #tpu.memory_space<vmem>>
    %dma_wait3A_254 = tpu.memref_slice %arg5[%dma_wait3A_251, %add3A_116] : memref<16x320000xf32, #tpu.memory_space<hbm>> -> memref<1x400xf32, #tpu.memory_space<hbm>>
    %dma_wait3A_255 = tpu.memref_squeeze %dma_wait3A_254 : memref<1x400xf32, #tpu.memory_space<hbm>> -> memref<400xf32, #tpu.memory_space<hbm>>
    %dma_wait3A_256 = tpu.memref_slice %arg5[%dma_wait3A_251, %add3A_116] : memref<16x320000xf32, #tpu.memory_space<hbm>> -> memref<1x400xf32, #tpu.memory_space<hbm>>
    %dma_wait3A_257 = tpu.memref_squeeze %dma_wait3A_256 : memref<1x400xf32, #tpu.memory_space<hbm>> -> memref<400xf32, #tpu.memory_space<hbm>>
    %dma_wait3A_258 = arith.constant 6000 : i32
    %dma_wait3A_259 = tpu.memref_slice %arg10[%dma_wait3A_258] : memref<6400xf32, #tpu.memory_space<vmem>> -> memref<400xf32, #tpu.memory_space<vmem>>
    tpu.wait_dma2 semaphore(%arg16 : memref<!tpu.dma_semaphore, #tpu.memory_space<semaphore_mem>>) src(%dma_wait3A_259 : memref<400xf32, #tpu.memory_space<vmem>>) dst(%dma_wait3A_257 : memref<400xf32, #tpu.memory_space<hbm>>)
    return
  }
}

module attributes {stable_mosaic.version = 14 : i64} {
  func.func @_pq_body(%arg0: memref<1250x1024xf32, #tpu.memory_space<vmem>>, %arg1: memref<1024x128xf32, #tpu.memory_space<vmem>>, %arg2: memref<1024x128xf32, #tpu.memory_space<vmem>>, %arg3: memref<1250x128xf32, #tpu.memory_space<vmem>>, %arg4: memref<1250x128xf32, #tpu.memory_space<vmem>>) attributes {dimension_semantics = [], scalar_prefetch = 0 : i64, scratch_operands = 0 : i64, tpu.core_type = #tpu.core_type<tc>} {
    %get3A = arith.constant 0 : index
    %get3A_0 = arith.constant 0 : index
    %get3A_1 = vector.load %arg0[%get3A, %get3A_0] : memref<1250x1024xf32, #tpu.memory_space<vmem>>, vector<1250x1024xf32>
    %get3A_2 = arith.constant 0 : index
    %get3A_3 = arith.constant 0 : index
    %get3A_4 = vector.load %arg1[%get3A_2, %get3A_3] : memref<1024x128xf32, #tpu.memory_space<vmem>>, vector<1024x128xf32>
    %dot_general3A = arith.constant dense<0.000000e+00> : vector<1250x128xf32>
    %dot_general3A_5 = tpu.matmul %get3A_1, %get3A_4, %dot_general3A {dimension_numbers = #tpu.dot_dimension_numbers<[1], [0], [0], [1], [0, 0, 1, 1], [], []>, transpose_lhs_hint = false} : vector<1250x1024xf32>, vector<1024x128xf32>, vector<1250x128xf32> -> vector<1250x128xf32>
    %swap3A = arith.constant 0 : index
    %swap3A_6 = arith.constant 0 : index
    %swap3A_7 = vector.load %arg3[%swap3A, %swap3A_6] : memref<1250x128xf32, #tpu.memory_space<vmem>>, vector<1250x128xf32>
    tpu.vector_store %arg3[%swap3A, %swap3A_6], %dot_general3A_5 {strides = array<i32>} : memref<1250x128xf32, #tpu.memory_space<vmem>>, vector<1250x128xf32>,
    %get3A_8 = arith.constant 0 : index
    %get3A_9 = arith.constant 0 : index
    %get3A_10 = vector.load %arg2[%get3A_8, %get3A_9] : memref<1024x128xf32, #tpu.memory_space<vmem>>, vector<1024x128xf32>
    %dot_general3A_11 = arith.constant dense<0.000000e+00> : vector<1250x128xf32>
    %dot_general3A_12 = tpu.matmul %get3A_1, %get3A_10, %dot_general3A_11 {dimension_numbers = #tpu.dot_dimension_numbers<[1], [0], [0], [1], [0, 0, 1, 1], [], []>, transpose_lhs_hint = false} : vector<1250x1024xf32>, vector<1024x128xf32>, vector<1250x128xf32> -> vector<1250x128xf32>
    %swap3A_13 = arith.constant 0 : index
    %swap3A_14 = arith.constant 0 : index
    %swap3A_15 = vector.load %arg4[%swap3A_13, %swap3A_14] : memref<1250x128xf32, #tpu.memory_space<vmem>>, vector<1250x128xf32>
    tpu.vector_store %arg4[%swap3A_13, %swap3A_14], %dot_general3A_12 {strides = array<i32>} : memref<1250x128xf32, #tpu.memory_space<vmem>>, vector<1250x128xf32>,
    return
  }
}

module attributes {stable_mosaic.version = 14 : i64} {
  func.func @_out_body(%arg0: i32, %arg1: memref<16x32000xf32, #tpu.memory_space<vmem>>, %arg2: memref<16x2500x128xf32, #tpu.memory_space<vmem>>, %arg3: memref<16x16xf32, #tpu.memory_space<vmem>>, %arg4: memref<16x1xf32, #tpu.memory_space<vmem>>, %arg5: memref<16x32000xf32, #tpu.memory_space<vmem>>) attributes {dimension_semantics = [#tpu.dimension_semantics<arbitrary>], iteration_bounds = array<i64: 10>, scalar_prefetch = 0 : i64, scratch_operands = 0 : i64, tpu.core_type = #tpu.core_type<tc>, window_params = [{transform_indices = @transform_0, window_bounds = array<i64: 16, 32000>}, {pipeline_mode = #tpu.pipeline_mode<synchronous>, transform_indices = @transform_1, window_bounds = array<i64: 16, 2500, 128>}, {pipeline_mode = #tpu.pipeline_mode<synchronous>, transform_indices = @transform_2, window_bounds = array<i64: 16, 16>}, {pipeline_mode = #tpu.pipeline_mode<synchronous>, transform_indices = @transform_3, window_bounds = array<i64: 16, 1>}, {transform_indices = @transform_4, window_bounds = array<i64: 16, 32000>}]} {
    %get3A = arith.constant 0 : index
    %get3A_0 = arith.constant 0 : index
    %get3A_1 = vector.load %arg3[%get3A, %get3A_0] : memref<16x16xf32, #tpu.memory_space<vmem>>, vector<16x16xf32>
    %get3A_2 = arith.constant 0 : index
    %get3A_3 = arith.constant 0 : index
    %get3A_4 = vector.load %arg1[%get3A_2, %get3A_3] : memref<16x32000xf32, #tpu.memory_space<vmem>>, vector<16x32000xf32>
    %dot_general3A = arith.constant dense<0.000000e+00> : vector<16x32000xf32>
    %dot_general3A_5 = tpu.matmul %get3A_1, %get3A_4, %dot_general3A {dimension_numbers = #tpu.dot_dimension_numbers<[1], [0], [0], [1], [0, 0, 1, 1], [], []>, transpose_lhs_hint = false} : vector<16x16xf32>, vector<16x32000xf32>, vector<16x32000xf32> -> vector<16x32000xf32>
    %mul3A = arith.constant 250 : i32
    %mul3A_6 = arith.muli %arg0, %mul3A : i32
    %get3A_7 = arith.constant 0 : index
    %get3A_8 = arith.index_cast %mul3A_6 : i32 to index
    %get3A_9 = arith.constant 0 : index
    %get3A_10 = vector.load %arg2[%get3A_7, %get3A_8, %get3A_9] : memref<16x2500x128xf32, #tpu.memory_space<vmem>>, vector<16x250x128xf32>
    %reshape3A = vector.shape_cast %get3A_10 : vector<16x250x128xf32> to vector<16x32000xf32>
    %add3A = arith.addf %dot_general3A_5, %reshape3A : vector<16x32000xf32>
    %get3A_11 = arith.constant 0 : index
    %get3A_12 = arith.constant 0 : index
    %get3A_13 = vector.load %arg4[%get3A_11, %get3A_12] : memref<16x1xf32, #tpu.memory_space<vmem>>, vector<16x1xf32>
    %add3A_14 = vector.broadcast %get3A_13 : vector<16x1xf32> to vector<16x32000xf32>
    %add3A_15 = arith.addf %add3A, %add3A_14 : vector<16x32000xf32>
    %max3A = arith.constant 0.000000e+00 : f32
    %max3A_16 = vector.broadcast %max3A : f32 to vector<16x32000xf32>
    %max3A_17 = arith.maximumf %add3A_15, %max3A_16 : vector<16x32000xf32>
    %swap3A = arith.constant 0 : index
    %swap3A_18 = arith.constant 0 : index
    %swap3A_19 = vector.load %arg5[%swap3A, %swap3A_18] : memref<16x32000xf32, #tpu.memory_space<vmem>>, vector<16x32000xf32>
    tpu.vector_store %arg5[%swap3A, %swap3A_18], %max3A_17 {strides = array<i32>} : memref<16x32000xf32, #tpu.memory_space<vmem>>, vector<16x32000xf32>,
    return
  }
  func.func @transform_0(%arg0: i32) -> (i32, i32) {
    %c0_i32 = arith.constant 0 : i32
    %c0_i32_0 = arith.constant 0 : i32
    return %c0_i32, %arg0 : i32, i32
  }
  func.func @transform_1(%arg0: i32) -> (i32, i32, i32) {
    %c0_i32 = arith.constant 0 : i32
    %c0_i32_0 = arith.constant 0 : i32
    %c0_i32_1 = arith.constant 0 : i32
    %c0_i32_2 = arith.constant 0 : i32
    return %c0_i32, %c0_i32_0, %c0_i32_1 : i32, i32, i32
  }
  func.func @transform_2(%arg0: i32) -> (i32, i32) {
    %c0_i32 = arith.constant 0 : i32
    %c0_i32_0 = arith.constant 0 : i32
    %c0_i32_1 = arith.constant 0 : i32
    return %c0_i32, %c0_i32_0 : i32, i32
  }
  func.func @transform_3(%arg0: i32) -> (i32, i32) {
    %c0_i32 = arith.constant 0 : i32
    %c0_i32_0 = arith.constant 0 : i32
    %c0_i32_1 = arith.constant 0 : i32
    return %c0_i32, %c0_i32_0 : i32, i32
  }
  func.func @transform_4(%arg0: i32) -> (i32, i32) {
    %c0_i32 = arith.constant 0 : i32
    %c0_i32_0 = arith.constant 0 : i32
    return %c0_i32, %arg0 : i32, i32
  }
}

</mosaic_0001>

<sc_bundles>
// kernel: kernel.5.cloned.1.call-start
scs
__scs_entry_jumppad:
0x0: {  	(pc) =	sbr.rel $0x88, $3  }
0x1: {  	(tag) =	ssettag $0x0;
	lr =	simm.s32 $0x1  }
0x2: {  	[smem:$0x3F9C] =	sst lr;
	_ =	strace $0xD0000000  }
0x3: {  	_ = 	snop  }
0x4: {  	_ = 	snop  }
0x5: {  	_ = 	snop  }
0x6: {  	_ = 	snop  }
0x7: {  	_ = 	snop  }
__scs_overlays_trampoline_lowered:
0x8: {  	[smem:$0x3FAB] =	sst s0  }
0x9: {  	[smem:$0x3FAC] =	sst s1  }
0xa: {  	[smem:$0x3FAD] =	sst s2  }
0xb: {  	[smem:$0x3FAE] =	sst s3  }
0xc: {  	[smem:$0x3FAF] =	sst s4  }
0xd: {  	[smem:$0x3FB0] =	sst s5  }
0xe: {  	[smem:$0x3FB1] =	sst s6  }
0xf: {  	[smem:$0x3FB2] =	sst s7  }
0x10: {  	[smem:$0x3FB3] =	sst s8  }
0x11: {  	[smem:$0x3FB4] =	sst s9;
	s0 =	simm.s32 @!p0 $0x0  }
0x12: {  	s1 =	sld [smem:$0x3F9A];
	s0 =	simm.s32 @p0 $0x1  }
0x13: {  	[smem:$0x3FB5] =	sst s0;
	s0 =	simm.s32 @!p1 $0x0  }
0x14: {  	s2 =	sld [smem:$0x3F99];
	s0 =	simm.s32 @p1 $0x1  }
0x15: {  	[smem:$0x3FB6] =	sst s0;
	s0 =	simm.s32 @!p2 $0x0  }
0x16: {  	s3 =	sld [smem:$0x3FDB];
	s0 =	simm.s32 @p2 $0x1  }
0x17: {  	s4 =	simm.s32 $0x1BF5;
	[smem:$0x3FB8] =	sst s0  }
0x18: {  	s0 =	sld [smem:$0x3F9B];
	_ =	swait.ge [sflag:s4], $0x0  }
0x19: {  	s7 =	sld [smem:$0x3F9C]  }
0x1a: {  	s8 =	sadd.s32 $0xFFFFE003, lr  }
0x1b: {  	s9 =	sadd.s32 $0xFFFFFEF7, lr;
	s5 =	simm.s32 $0xFFFFFFFF;
	p2 =	slt.u32 s8, $0xFFFFF086  }
0x1c: {  	p1 =	slt.u32 s9, $0xF7A;
	s5 =	simm.s32 @!p2 $0x0  }
0x1d: {  	s5 =	simm.s32 @p1 $0x1;
	p0 =	seq.s32 s7, s2  }
0x1e: {  	s7 =	smul.u32 @!p0 $0xF7A, s2;
	p2 =	seq.s32 @!p0 s5, $0x0  }
0x1f: {  	s9 =	smul.u32 $0xF7A, s1;
	s8 =	simm.s32 @!p0 $0x1BF5;
	p2 =	por !p2, p0  }
0x20: {  	[sflag:s8] =	ssyncset.s32 @!p0 $0xFFFFF086;
	s6 =	sadd.s32 @!p0 s3, s7;
	s7 =	simm.s32 @!p0 $0x108  }
0x21: {  	s3 =	sadd.s32 s3, s9;
	s6 =	sadd.s32 @!p0 $0x88, s6;
	s7 =	simm.s32 @p2 $0x1082  }
0x22: {  	[simem:s7], [sflag:s8] =	dma.local @!p0 [hbm:s6], $0xF7A  }
0x23: {  	s9 =	sor.u32 $0xD0000000, s2;
	s6 =	simm.s32 $0x108;
	_ =	swait.ge @!p0 [sflag:s8], $0x0  }
0x24: {  	s3 =	sadd.s32 $0x88, s3;
	s6 =	simm.s32 @!p1 $0x1082;
	[sflag:s4] =	ssyncset.s32 $0xFFFFF086  }
0x25: {  	[simem:s6], [sflag:s4] =	dma.local [hbm:s3], $0xF7A  }
0x26: {  	[smem:$0x3F9C] =	sst s1;
	(tag) =	ssettag s2;
	_ =	strace s9  }
0x27: {  	s1 =	sld [smem:$0x3FAC]  }
0x28: {  	s2 =	sld [smem:$0x3FAD]  }
0x29: {  	s4 =	sld [smem:$0x3FAF]  }
0x2a: {  	p0 =	seq.s32 s5, $0x0;
	s5 =	sld [smem:$0x3FB0]  }
0x2b: {  	s6 =	sld [smem:$0x3FB1]  }
0x2c: {  	s7 =	sld [smem:$0x3FB2]  }
0x2d: {  	s3 =	simm.s32 $0x108;
	s8 =	sld [smem:$0x3FB3]  }
0x2e: {  	s3 =	simm.s32 @!p0 $0x1082;
	s9 =	sld [smem:$0x3FB4]  }
0x2f: {  	lr =	sadd.s32 s0, s3;
	s0 =	sld [smem:$0x3FAB]  }
0x30: {  	s3 =	sld [smem:$0x3FAE]  }
0x31: {  	[smem:$0x3FB7] =	sst s10  }
0x32: {  	s10 =	sld [smem:$0x3FB5];
	_ =	sdelay $0x3  }
0x33: {  	p0 =	seq.s32 s10, $0x1;
	s10 =	sld [smem:$0x3FB7];
	_ =	sdelay $0x3  }
0x34: {  	[smem:$0x3FB7] =	sst s10  }
0x35: {  	s10 =	sld [smem:$0x3FB6];
	_ =	sdelay $0x3  }
0x36: {  	p1 =	seq.s32 s10, $0x1;
	s10 =	sld [smem:$0x3FB7];
	_ =	sdelay $0x3  }
0x37: {  	[smem:$0x3FB7] =	sst s10  }
0x38: {  	s10 =	sld [smem:$0x3FB8]  }
0x39: {  	_ = 	snop;
	(pc) =	sbr.ind lr, $3  }
0x3a: {  	_ = 	snop  }
0x3b: {  	_ = 	snop  }
0x3c: {  	p2 =	seq.s32 s10, $0x1;
	s10 =	sld [smem:$0x3FB7]  }
0x3d: {  	_ =	shalt  }
0x3e: {  	_ =	shalt  }
0x3f: {  	_ =	shalt  }
0x40: {  	_ =	shalt  }
0x41: {  	_ =	shalt  }
0x42: {  	_ =	shalt  }
0x43: {  	_ =	shalt  }
0x44: {  	_ =	shalt  }
0x45: {  	_ =	shalt  }
0x46: {  	_ =	shalt  }
0x47: {  	_ =	shalt  }
0x48: {  	_ =	shalt  }
0x49: {  	_ =	shalt  }
0x4a: {  	_ =	shalt  }
0x4b: {  	_ =	shalt  }
0x4c: {  	_ =	shalt  }
0x4d: {  	_ =	shalt  }
0x4e: {  	_ =	shalt  }
0x4f: {  	_ =	shalt  }
0x50: {  	_ =	shalt  }
0x51: {  	_ =	shalt  }
0x52: {  	_ =	shalt  }
0x53: {  	_ =	shalt  }
0x54: {  	_ =	shalt  }
0x55: {  	_ =	shalt  }
0x56: {  	_ =	shalt  }
0x57: {  	_ =	shalt  }
0x58: {  	_ =	shalt  }
0x59: {  	_ =	shalt  }
0x5a: {  	_ =	shalt  }
0x5b: {  	_ =	shalt  }
0x5c: {  	_ =	shalt  }
0x5d: {  	_ =	shalt  }
0x5e: {  	_ =	shalt  }
0x5f: {  	_ =	shalt  }
0x60: {  	_ =	shalt  }
0x61: {  	_ =	shalt  }
0x62: {  	_ =	shalt  }
0x63: {  	_ =	shalt  }
0x64: {  	_ =	shalt  }
0x65: {  	_ =	shalt  }
0x66: {  	_ =	shalt  }
0x67: {  	_ =	shalt  }
0x68: {  	_ =	shalt  }
0x69: {  	_ =	shalt  }
0x6a: {  	_ =	shalt  }
0x6b: {  	_ =	shalt  }
0x6c: {  	_ =	shalt  }
0x6d: {  	_ =	shalt  }
0x6e: {  	_ =	shalt  }
0x6f: {  	_ =	shalt  }
0x70: {  	_ =	shalt  }
0x71: {  	_ =	shalt  }
0x72: {  	_ =	shalt  }
0x73: {  	_ =	shalt  }
0x74: {  	_ =	shalt  }
0x75: {  	_ =	shalt  }
0x76: {  	_ =	shalt  }
0x77: {  	_ =	shalt  }
0x78: {  	_ =	shalt  }
0x79: {  	_ =	shalt  }
0x7a: {  	_ =	shalt  }
0x7b: {  	_ =	shalt  }
0x7c: {  	_ =	shalt  }
0x7d: {  	_ =	shalt  }
0x7e: {  	_ =	shalt  }
0x7f: {  	_ =	shalt  }
0x80: {  	_ =	shalt  }
0x81: {  	_ =	shalt  }
0x82: {  	_ =	shalt  }
0x83: {  	_ =	shalt  }
0x84: {  	_ =	shalt  }
0x85: {  	_ =	shalt  }
0x86: {  	_ =	shalt  }
0x87: {  	_ =	shalt  }
.Lfunc_end0:
.L_simem_size_0:
called_computation_lowered:
.L_overlay_start_0:
0x88: {  	s2 =	sld [smem:$0x3FD9]  }
0x89: {  	s3 =	sld [smem:$0x3FFE];
	_ =	sdelay $0x1  }
0x8a: {  	s1 =	srdreg.scid  }
0x8b: {  	s0 =	sand.u32 $0x1, s1  }
0x8c: {  	s17 =	sshll.u32 s0, $0xA;
	s2 =	sadd.s32 s3, s2  }
0x8d: {  	s2 =	sadd.s32 s2, s17  }
0x8e: {  	[smem:$0x3FC3] =	sst s2  }
0x8f: {  	_ = 	snop  }
0x90: {  	s2 =	sld [smem:$0x3FD0];
	(tm) =	ssettm $0x1  }
0x91: {  	s18 =	sld [smem:$0x3FFB];
	_ =	sdelay $0x3  }
0x92: {  	_ =	strace s18  }
0x93: {  	s3 =	sld [smem:$0x3FFC];
	_ =	sdelay $0x3  }
0x94: {  	_ =	strace s3  }
0x95: {  	s3 =	sld [smem:$0x3FFD];
	_ =	sdelay $0x3  }
0x96: {  	_ =	strace s3  }
0x97: {  	_ =	strace $0x8FFFFFFF  }
0x98: {  	s19 =	sld [smem:$0x3FDB];
	_ =	sdelay $0x1  }
0x99: {  	s4 =	simm.s32 $_scs_section_size  }
0x9a: {  	s5 =	simm.s32 $_size__tile_overlayer_lowered;
	s6 =	simm.s32 $_tile_overlayer_lowered  }
0x9b: {  	s22 =	simm.s32 $0x1BFF;
	s21 =	sshll.u32 s6, $0x1;
	s3 =	sadd.s32 s4, s19  }
0x9c: {  	s7 =	simm.s32 $0x0;
	s20 =	sshll.u32 s5, $0x1;
	s5 =	sadd.s32 s21, s3  }
0x9d: {  	[timem:s7], [sflag:s22] =	dma.local [hbm:s5], s20  }
0x9e: {  	_ =	swait.ge [sflag:s22], s20  }
0x9f: {  	s4 =	ssub.s32 $0x0, s20;
	[sflag:s22] =	ssyncset.done $0x0  }
0xa0: {  	[sflag:s22] =	ssyncadd.s32 s4;
	_ =	sdelay $0x1  }
0xa1: {  	s23 =	simm.s32 $0x1B8B  }
0xa2: {  	_ =	swait.ge [sflag:s23], $0x1  }
0xa3: {  	[sflag:s23] =	ssyncset.done $0x0  }
0xa4: {  	s25 =	simm.s32 $0x1B8E;
	s24 =	sld [smem:$0x3FFE];
	[sflag:s23] =	ssyncadd.s32 $0xFFFFFFFF  }
0xa5: {  	s26 =	simm.s32 $execute0_lowered;
	[smem:$0x3FD2] =	sst s25  }
0xa6: {  	s5 =	sshll.u32 s26, $0x1;
	_ =	strace $0x80000046;
	[dreg:$0x1] =	wrdreg $0xFFFFFFFF  }
0xa7: {  	s28 =	simm.s32 $_size_execute0_lowered;
	s3 =	sadd.s32 s3, s5;
	[dreg:$0x0] =	wrdreg $0x0  }
0xa8: {  	s5 =	sshll.u32 s28, $0x1;
	[dreg:$0x2] =	wrdreg s3  }
0xa9: {  	[dreg:$0x3] =	wrdreg s5  }
0xaa: {  	[dreg:$0x4] =	wrdreg $0xC0  }
0xab: {  	_ =	task [dreg:s7], $0x5FFFF  }
0xac: {  	[dreg:$0x1] =	wrdreg $0xFFFFFFFF  }
0xad: {  	[dreg:$0x0] =	wrdreg $0x60  }
0xae: {  	[dreg:$0x2] =	wrdreg s24  }
0xaf: {  	[dreg:$0x3] =	wrdreg s2  }
0xb0: {  	[dreg:$0x4] =	wrdreg $0x9  }
0xb1: {  	_ =	task.clear_ibuf [dreg:s7], $0x5FFFF;
	_ =	strace $0x90000046  }
0xb2: {  	s29 =	simm.s32 $0x9;
	_ =	strace $0x80000048  }
0xb3: {  	_ =	swait.ge [sflag:s29], $0x1  }
0xb4: {  	[sflag:s29] =	ssyncadd.s32 $0xFFFFFFFF  }
0xb5: {  	_ =	strace $0x90000048  }
0xb6: {  	_ =	sfence  }
0xb7: {  	s30 =	sld [smem:$0x0];
	_ =	sdelay $0x2  }
0xb8: {  	s31 =	sshll.u32 s1, $0xD;
	s1 =	sshrl.u32 s1, $0x2  }
0xb9: {  	s3 =	sand.u32 $0x4000, s31;
	s1 =	sadd.s32 s1, s30  }
0xba: {  	s0 =	sor.u32 s3, s0;
	s1 =	sshll.u32 s1, $0x11  }
0xbb: {  	s0 =	sor.u32 s1, s0  }
0xbc: {  	s0 =	sadd.s32 $0x8F2B, s0  }
0xbd: {  	[sflag:s0] =	ssyncadd.remote.s32 $0x1  }
0xbe: {  	_ =	sfence.sel $0xFFFF  }
0xbf: {  	[dreg:$0x0] =	wrdreg $0xFFFFFFFF;
	(pc) =	sbr.abs _section_cstart, $3  }
0xc0: {  	[dreg:$0x1] =	wrdreg $0xFFFFFFFF  }
0xc1: {  	_ =	task.clear_ibuf [dreg:s7], $0x2FFFF;
	_ =	strace $0x9FFFFFFF  }
0xc2: {  	(tm) =	ssettm $0x7FFFFFFF  }
0xc3: {  	_ =	shalt  }
tec
execute0_lowered:
.L_overlay_start_1:
0x0: {  	(tag) =	ssettag $0x1  }
0x1: {  	s0 =	srdreg.scid  }
0x2: {  	s2 =	stileid.u32;
	s1 =	rddreg [dreg:$0x0];
	s3 =	simm.s32 $0x0  }
0x3: {  	s31 =	simm.s32 $0x1;
	s13 =	simm.s32 $0x3;
	s14 =	simm.s32 $0x4  }
0x4: {  	s15 =	simm.s32 $0x5;
	s19 =	simm.s32 $0x8660;
	s20 =	simm.s32 $0x87F0  }
0x5: {  	s21 =	simm.s32 $0x8980;
	s22 =	simm.s32 $0x8B10;
	s23 =	simm.s32 $0x8CA0  }
0x6: {  	s24 =	simm.s32 $0x8E30;
	s28 =	simm.s32 $0x92E0;
	s29 =	simm.s32 $0x9470  }
0x7: {  	s30 =	simm.s32 $0x9600;
	s0 =	sand.u32 $0x1, s0;
	s2 =	sshll.u32 s2, $0x1  }
0x8: {  	s11 =	simm.s32 $0x9790;
	s8 =	simm.s32 $0x0;
	s2 =	sor.u32 s0, s2  }
0x9: {  	[smem:$0x7FF] =	sst s3;
	s0 =	ssub.s32 $0x2, s0;
	s4 =	smul.u32 $0x2710, s2  }
0xa: {  	s5 =	sadd.s32 $0x15E00, s1;
	s6 =	sadd.s32 $0x1AE00, s1;
	s7 =	sshrl.u32 s0, $0x1  }
0xb: {  	_ =	strace $0x80000047;
	s0 =	ssub.s32 s0, s7;
	s2 =	sshrl.u32 s4, $0x3  }
0xc: {  	s7 =	simm.s32 $0x6;
	s0 =	smax.u32 s0, $0x1;
	s2 =	sadd.s32 s2, s1  }
0xd: {  	v0 =	vlaneseq.u32;
	[dreg:$0x5] =	wrdreg s0;
	s1 =	simm.s32 $0x8020;
	s25 =	sadd.s32 $0x2400, s2  }
0xe: {  	v0 =	vmul.u32 $0x190, v0;
	s0 =	simm.s32 $0x2;
	s26 =	sadd.s32 $0xC040, s2;
	[dreg:$0x3] =	wrdreg s25  }
0xf: {  	[dreg:$0x4] =	wrdreg s26;
	s25 =	simm.s32 $0x8FC0;
	s26 =	simm.s32 $0x9150  }
.LBB2_1:
0x10: {  	[dreg:$0x6] =	wrdreg s8  }
0x11: {  	s2 =	rddreg [dreg:$0x3];
	s17 =	simm.s32 $0x7  }
0x12: {  	[tilespmem:s3], [sflag:$0x7] =	stream.linear.gather [hbm4b:s2+s3], $0x2710, $0x38;
	[tilespmem:$0x9920] =	vst v63  }
0x13: {  	_ =	swait.ge [sflag:s17], $0x2710  }
0x14: {  	[sflag:s17] =	ssyncset.done $0x0  }
0x15: {  	s9 =	simm.s32 $0x2710;
	s18 =	rddreg [dreg:$0x4];
	[sflag:s17] =	ssyncadd.s32 $0xFFFFD8F0  }
0x16: {  	[tilespmem:s9], [sflag:$0x7] =	stream.linear.gather [hbm4b:s18+s3], $0x2710, $0x38;
	[tilespmem:$0x9920] =	vst v63  }
0x17: {  	_ =	swait.ge [sflag:s17], $0x2710  }
0x18: {  	[sflag:s17] =	ssyncset.done $0x0  }
0x19: {  	s10 =	simm.s32 $0x4E20;
	s2 =	simm.s32 $0x50;
	[sflag:s17] =	ssyncadd.s32 $0xFFFFD8F0  }
0x1a: {  	[tilespmem:s10], [sflag:$0x1] =	stream.indirect.gather [hbm4b:s5+s2], $0x10, s3, s2, $0xb8;
	[tilespmem:$0x9920] =	vst v63  }
0x1b: {  	s12 =	simm.s32 $0x6720  }
0x1c: {  	[tilespmem:s12], [sflag:$0x1] =	stream.indirect.gather [hbm4b:s6+s2], $0x10, s9, s2, $0xb8;
	[tilespmem:$0x9920] =	vst v63  }
0x1d: {  	s16 =	simm.s32 $0x5320  }
0x1e: {  	[tilespmem:s16], [sflag:$0x2] =	stream.indirect.gather [hbm4b:s5+s2], $0x10, s2, s2, $0xb8;
	[tilespmem:$0x9920] =	vst v63  }
0x1f: {  	s18 =	simm.s32 $0x6C20;
	s17 =	simm.s32 $0x2760  }
0x20: {  	[tilespmem:s18], [sflag:$0x2] =	stream.indirect.gather [hbm4b:s6+s2], $0x10, s17, s2, $0xb8;
	[tilespmem:$0x9920] =	vst v63  }
0x21: {  	s10 =	simm.s32 $0x5820;
	s9 =	simm.s32 $0xA0  }
0x22: {  	[tilespmem:s10], [sflag:$0x3] =	stream.indirect.gather [hbm4b:s5+s2], $0x10, s9, s2, $0xb8;
	[tilespmem:$0x9920] =	vst v63  }
0x23: {  	s12 =	simm.s32 $0x27B0;
	s16 =	simm.s32 $0x7120  }
0x24: {  	[tilespmem:s16], [sflag:$0x3] =	stream.indirect.gather [hbm4b:s6+s2], $0x10, s12, s2, $0xb8;
	[tilespmem:$0x9920] =	vst v63  }
0x25: {  	s17 =	simm.s32 $0xF0;
	s18 =	simm.s32 $0x5D20  }
0x26: {  	[tilespmem:s18], [sflag:$0x4] =	stream.indirect.gather [hbm4b:s5+s2], $0x10, s17, s2, $0xb8;
	[tilespmem:$0x9920] =	vst v63  }
0x27: {  	s9 =	simm.s32 $0x2800;
	s10 =	simm.s32 $0x7620  }
0x28: {  	[tilespmem:s10], [sflag:$0x4] =	stream.indirect.gather [hbm4b:s6+s2], $0x10, s9, s2, $0xb8;
	[tilespmem:$0x9920] =	vst v63  }
0x29: {  	s12 =	simm.s32 $0x140;
	s16 =	simm.s32 $0x6220  }
0x2a: {  	[tilespmem:s16], [sflag:$0x5] =	stream.indirect.gather [hbm4b:s5+s2], $0x10, s12, s2, $0xb8;
	[tilespmem:$0x9920] =	vst v63  }
0x2b: {  	s17 =	simm.s32 $0x2850;
	s18 =	simm.s32 $0x7B20;
	s9 =	simm.s32 $0x0  }
0x2c: {  	[tilespmem:s18], [sflag:$0x5] =	stream.indirect.gather [hbm4b:s6+s2], $0x10, s17, s2, $0xb8;
	[tilespmem:$0x9920] =	vst v63  }
.LBB2_2:
0x2d: {  	p0 =	seq.s32 s9, $0x0  }
0x2e: {  	s2 =	simm.s32 @!p0 $0x6  }
0x2f: {  	_ =	swait.ge @!p0 [sflag:s2], $0x190  }
0x30: {  	[sflag:s2] =	ssyncset.done @!p0 $0x0  }
0x31: {  	[sflag:s2] =	ssyncadd.s32 @!p0 $0xFFFFFE70  }
0x32: {  	_ =	swait.ge @!p0 [sflag:s2], $0x190  }
0x33: {  	[sflag:s2] =	ssyncset.done @!p0 $0x0  }
0x34: {  	[sflag:s2] =	ssyncadd.s32 @!p0 $0xFFFFFE70  }
0x35: {  	_ =	swait.ge @!p0 [sflag:s2], $0x190  }
0x36: {  	[sflag:s2] =	ssyncset.done @!p0 $0x0  }
0x37: {  	[sflag:s2] =	ssyncadd.s32 @!p0 $0xFFFFFE70  }
0x38: {  	_ =	swait.ge @!p0 [sflag:s2], $0x190  }
0x39: {  	[sflag:s2] =	ssyncset.done @!p0 $0x0  }
0x3a: {  	[sflag:s2] =	ssyncadd.s32 @!p0 $0xFFFFFE70  }
0x3b: {  	_ =	swait.ge @!p0 [sflag:s2], $0x190  }
0x3c: {  	[sflag:s2] =	ssyncset.done @!p0 $0x0  }
0x3d: {  	[sflag:s2] =	ssyncadd.s32 @!p0 $0xFFFFFE70  }
0x3e: {  	_ =	swait.ge @!p0 [sflag:s2], $0x190  }
0x3f: {  	[sflag:s2] =	ssyncset.done @!p0 $0x0  }
0x40: {  	[sflag:s2] =	ssyncadd.s32 @!p0 $0xFFFFFE70  }
0x41: {  	_ =	swait.ge @!p0 [sflag:s2], $0x190  }
0x42: {  	[sflag:s2] =	ssyncset.done @!p0 $0x0  }
0x43: {  	[sflag:s2] =	ssyncadd.s32 @!p0 $0xFFFFFE70  }
0x44: {  	_ =	swait.ge @!p0 [sflag:s2], $0x190  }
0x45: {  	[sflag:s2] =	ssyncset.done @!p0 $0x0  }
0x46: {  	[sflag:s2] =	ssyncadd.s32 @!p0 $0xFFFFFE70  }
0x47: {  	_ =	swait.ge @!p0 [sflag:s2], $0x190  }
0x48: {  	[sflag:s2] =	ssyncset.done @!p0 $0x0  }
0x49: {  	[sflag:s2] =	ssyncadd.s32 @!p0 $0xFFFFFE70  }
0x4a: {  	_ =	swait.ge @!p0 [sflag:s2], $0x190  }
0x4b: {  	[sflag:s2] =	ssyncset.done @!p0 $0x0  }
0x4c: {  	[sflag:s2] =	ssyncadd.s32 @!p0 $0xFFFFFE70  }
0x4d: {  	_ =	swait.ge @!p0 [sflag:s2], $0x190  }
0x4e: {  	[sflag:s2] =	ssyncset.done @!p0 $0x0  }
0x4f: {  	[sflag:s2] =	ssyncadd.s32 @!p0 $0xFFFFFE70  }
0x50: {  	_ =	swait.ge @!p0 [sflag:s2], $0x190  }
0x51: {  	[sflag:s2] =	ssyncset.done @!p0 $0x0  }
0x52: {  	[sflag:s2] =	ssyncadd.s32 @!p0 $0xFFFFFE70  }
0x53: {  	_ =	swait.ge @!p0 [sflag:s2], $0x190  }
0x54: {  	[sflag:s2] =	ssyncset.done @!p0 $0x0  }
0x55: {  	[sflag:s2] =	ssyncadd.s32 @!p0 $0xFFFFFE70  }
0x56: {  	_ =	swait.ge @!p0 [sflag:s2], $0x190  }
0x57: {  	[sflag:s2] =	ssyncset.done @!p0 $0x0  }
0x58: {  	[sflag:s2] =	ssyncadd.s32 @!p0 $0xFFFFFE70  }
0x59: {  	_ =	swait.ge @!p0 [sflag:s2], $0x190  }
0x5a: {  	[sflag:s2] =	ssyncset.done @!p0 $0x0  }
0x5b: {  	[sflag:s2] =	ssyncadd.s32 @!p0 $0xFFFFFE70  }
0x5c: {  	_ =	swait.ge @!p0 [sflag:s2], $0x190  }
0x5d: {  	[sflag:s2] =	ssyncset.done @!p0 $0x0  }
0x5e: {  	[sflag:s2] =	ssyncadd.s32 @!p0 $0xFFFFFE70  }
0x5f: {  	_ =	swait.ge [sflag:s31], $0x500  }
0x60: {  	[sflag:s31] =	ssyncset.done $0x0  }
0x61: {  	[sflag:s31] =	ssyncadd.s32 $0xFFFFFB00  }
0x62: {  	_ =	swait.ge [sflag:s31], $0x500  }
0x63: {  	[sflag:s31] =	ssyncset.done $0x0  }
0x64: {  	s2 =	simm.s32 $0x4EA0;
	[sflag:s31] =	ssyncadd.s32 $0xFFFFFB00  }
0x65: {  	s8 =	simm.s32 $0x67A0;
	v2 =	vld [tilespmem:s2+$0x70]  }
0x66: {  	v3 =	vld [tilespmem:s8+$0x70]  }
0x67: {  	v1 =	vld [tilespmem:s8+$0xFFFFFF80]  }
0x68: {  	v4 =	vld [tilespmem:s2+$0xFFFFFF90]  }
0x69: {  	v5 =	vld [tilespmem:s8+$0xFFFFFF90]  }
0x6a: {  	v6 =	vld [tilespmem:s2+$0xFFFFFFA0]  }
0x6b: {  	v7 =	vld [tilespmem:s8+$0xFFFFFFA0]  }
0x6c: {  	v8 =	vld [tilespmem:s2+$0xFFFFFFB0]  }
0x6d: {  	v9 =	vld [tilespmem:s8+$0xFFFFFFB0]  }
0x6e: {  	v10 =	vld [tilespmem:s2+$0xFFFFFFC0]  }
0x6f: {  	v11 =	vld [tilespmem:s8+$0xFFFFFFC0]  }
0x70: {  	v12 =	vld [tilespmem:s2+$0xFFFFFFD0]  }
0x71: {  	v13 =	vld [tilespmem:s8+$0xFFFFFFD0]  }
0x72: {  	v14 =	vld [tilespmem:s2+$0xFFFFFFE0]  }
0x73: {  	s10 =	simm.s32 $0xF;
	v15 =	vld [tilespmem:s8+$0xFFFFFFE0]  }
0x74: {  	s17 =	simm.s32 $0x1;
	v17 =	vadd.s32 s10, v0;
	v16 =	vld [tilespmem:s2+$0xFFFFFFF0]  }
0x75: {  	s18 =	simm.s32 $0x2;
	v19 =	vadd.s32 s17, v0;
	v18 =	vld [tilespmem:s8+$0xFFFFFFF0]  }
0x76: {  	s12 =	simm.s32 $0x3;
	v21 =	vadd.s32 s18, v0;
	v20 =	vld [tilespmem:s2+$0x0]  }
0x77: {  	s16 =	simm.s32 $0x4;
	v22 =	vld [tilespmem:s8+$0x0];
	v2 =	vadd.f32 v3, v2;
	v3 =	vadd.s32 s12, v0  }
0x78: {  	s17 =	simm.s32 $0x5;
	v23 =	vld [tilespmem:s2+$0x10];
	v4 =	vadd.f32 v5, v4;
	v5 =	vadd.s32 s16, v0  }
0x79: {  	s18 =	simm.s32 $0x6;
	v24 =	vld [tilespmem:s8+$0x10];
	[tilespmem:v17+s1+$0x0] =	vst.idx.msk $0xffff, v2;
	v2 =	vadd.f32 v7, v6;
	v6 =	vadd.s32 s17, v0  }
0x7a: {  	v59 =	vld [tilespmem:s8+$0x30];
	s12 =	simm.s32 $0x7;
	[tilespmem:v19+s1+$0x0] =	vst.idx.msk $0xffff, v4;
	v4 =	vadd.f32 v9, v8;
	v8 =	vadd.s32 s18, v0  }
0x7b: {  	s16 =	simm.s32 $0x8;
	v7 =	vld [tilespmem:s2+$0x20];
	[tilespmem:v21+s1+$0x0] =	vst.idx.msk $0xffff, v2;
	v2 =	vadd.f32 v11, v10;
	v10 =	vadd.s32 s12, v0  }
0x7c: {  	v9 =	vld [tilespmem:s8+$0x20];
	s17 =	simm.s32 $0x9;
	[tilespmem:v3+s1+$0x0] =	vst.idx.msk $0xffff, v4;
	v3 =	vadd.f32 v13, v12;
	v4 =	vadd.s32 s16, v0  }
0x7d: {  	v60 =	vld [tilespmem:s2+$0x40];
	s18 =	simm.s32 $0xA;
	[tilespmem:v5+s1+$0x0] =	vst.idx.msk $0xffff, v2;
	v2 =	vadd.f32 v15, v14;
	v5 =	vadd.s32 s17, v0  }
0x7e: {  	v11 =	vld [tilespmem:s2+$0x30];
	[tilespmem:v6+s1+$0x0] =	vst.idx.msk $0xffff, v3;
	v3 =	vadd.f32 v18, v16;
	v6 =	vadd.s32 s18, v0  }
0x7f: {  	v61 =	vld [tilespmem:s8+$0x40];
	s12 =	simm.s32 $0xB;
	[tilespmem:v8+s1+$0x0] =	vst.idx.msk $0xffff, v2;
	v2 =	vadd.f32 v22, v20  }
0x80: {  	v62 =	vld [tilespmem:s2+$0x50];
	s16 =	simm.s32 $0xC;
	v8 =	vadd.s32 s12, v0;
	[tilespmem:v10+s1+$0x0] =	vst.idx.msk $0xffff, v3;
	v3 =	vadd.f32 v24, v23  }
0x81: {  	v63 =	vld [tilespmem:s8+$0x50];
	v10 =	vadd.s32 s16, v0;
	[tilespmem:v4+s1+$0x0] =	vst.idx.msk $0xffff, v2;
	v4 =	vadd.f32 v9, v7  }
0x82: {  	s17 =	simm.s32 $0xD;
	v2 =	vld [tilespmem:s2+$0x60];
	[tilespmem:v5+s1+$0x0] =	vst.idx.msk $0xffff, v3  }
0x83: {  	v7 =	vadd.f32 v59, v11;
	v5 =	vld [tilespmem:s8+$0x60];
	[tilespmem:v6+s1+$0x0] =	vst.idx.msk $0xffff, v4;
	v6 =	vadd.s32 s17, v0  }
0x84: {  	s10 =	simm.s32 $0x4FA0;
	s18 =	simm.s32 $0xE;
	v11 =	vadd.f32 v61, v60;
	v3 =	vld [tilespmem:s2+$0xFFFFFF80]  }
0x85: {  	s16 =	simm.s32 $0x0;
	v9 =	vadd.s32 s18, v0;
	s8 =	simm.s32 $0x68A0;
	v4 =	vld [tilespmem:s10+$0x70];
	[tilespmem:v8+s1+$0x0] =	vst.idx.msk $0xffff, v7  }
0x86: {  	s12 =	simm.s32 $0x10;
	s2 =	simm.s32 $0x20;
	v8 =	vld [tilespmem:s8+$0x70];
	v7 =	vadd.s32 s16, v0;
	[tilespmem:v10+s1+$0x0] =	vst.idx.msk $0xffff, v11;
	v10 =	vadd.f32 v63, v62  }
.LBB2_3:
0x87: {  	p0 =	slt.u32 s2, $0x40;
	v11 =	vld [tilespmem:s8+$0xFFFFFF80];
	s16 =	sadd.s32 $0xF, s12  }
0x88: {  	v12 =	vld [tilespmem:s10+$0xFFFFFF90];
	v13 =	vadd.s32 s16, v0;
	[tilespmem:v6+s1+$0x0] =	vst.idx.msk $0xffff, v10;
	v2 =	vadd.f32 v5, v2  }
0x89: {  	v5 =	vld [tilespmem:s8+$0xFFFFFF90];
	v10 =	vadd.f32 v1, v3  }
0x8a: {  	s16 =	sadd.s32 $0x1, s12;
	v3 =	vld [tilespmem:s10+$0xFFFFFFA0];
	[tilespmem:v9+s1+$0x0] =	vst.idx.msk $0xffff, v2  }
0x8b: {  	v2 =	vadd.s32 s16, v0;
	v6 =	vld [tilespmem:s8+$0xFFFFFFA0];
	v4 =	vadd.f32 v8, v4;
	[tilespmem:v7+s1+$0x0] =	vst.idx.msk $0xffff, v10  }
0x8c: {  	s16 =	sadd.s32 $0x2, s12;
	v7 =	vld [tilespmem:s10+$0xFFFFFFB0];
	v1 =	vmov v11  }
0x8d: {  	v8 =	vadd.s32 s16, v0;
	v9 =	vld [tilespmem:s8+$0xFFFFFFB0];
	[tilespmem:v13+s1+$0x0] =	vst.idx.msk $0xffff, v4  }
0x8e: {  	s16 =	sadd.s32 $0x3, s12;
	v4 =	vadd.f32 v5, v12;
	v5 =	vld [tilespmem:s10+$0xFFFFFFC0]  }
0x8f: {  	v10 =	vadd.s32 s16, v0;
	v11 =	vld [tilespmem:s8+$0xFFFFFFC0]  }
0x90: {  	s16 =	sadd.s32 $0x4, s12;
	[tilespmem:v2+s1+$0x0] =	vst.idx.msk $0xffff, v4;
	v2 =	vadd.f32 v6, v3;
	v3 =	vld [tilespmem:s10+$0xFFFFFFD0]  }
0x91: {  	v4 =	vadd.s32 s16, v0;
	v6 =	vld [tilespmem:s8+$0xFFFFFFD0]  }
0x92: {  	s16 =	sadd.s32 $0x5, s12;
	[tilespmem:v8+s1+$0x0] =	vst.idx.msk $0xffff, v2;
	v2 =	vadd.f32 v9, v7;
	v7 =	vld [tilespmem:s10+$0xFFFFFFE0]  }
0x93: {  	v8 =	vadd.s32 s16, v0;
	v9 =	vld [tilespmem:s8+$0xFFFFFFE0]  }
0x94: {  	s16 =	sadd.s32 $0x6, s12;
	[tilespmem:v10+s1+$0x0] =	vst.idx.msk $0xffff, v2;
	v2 =	vadd.f32 v11, v5;
	v5 =	vld [tilespmem:s10+$0xFFFFFFF0]  }
0x95: {  	v10 =	vadd.s32 s16, v0;
	v11 =	vld [tilespmem:s8+$0xFFFFFFF0]  }
0x96: {  	s16 =	sadd.s32 $0x7, s12;
	[tilespmem:v4+s1+$0x0] =	vst.idx.msk $0xffff, v2;
	v2 =	vadd.f32 v6, v3;
	v3 =	vld [tilespmem:s10+$0x0]  }
0x97: {  	v4 =	vadd.s32 s16, v0;
	v6 =	vld [tilespmem:s8+$0x0]  }
0x98: {  	s16 =	sadd.s32 $0x8, s12;
	[tilespmem:v8+s1+$0x0] =	vst.idx.msk $0xffff, v2;
	v2 =	vadd.f32 v9, v7;
	v7 =	vld [tilespmem:s10+$0x10]  }
0x99: {  	v8 =	vadd.s32 s16, v0;
	v9 =	vld [tilespmem:s8+$0x10]  }
0x9a: {  	s16 =	sadd.s32 $0x9, s12;
	[tilespmem:v10+s1+$0x0] =	vst.idx.msk $0xffff, v2;
	v2 =	vadd.f32 v11, v5;
	v5 =	vld [tilespmem:s10+$0x20]  }
0x9b: {  	v10 =	vadd.s32 s16, v0;
	v11 =	vld [tilespmem:s8+$0x20]  }
0x9c: {  	s16 =	sadd.s32 $0xA, s12;
	[tilespmem:v4+s1+$0x0] =	vst.idx.msk $0xffff, v2;
	v2 =	vadd.f32 v6, v3;
	v3 =	vld [tilespmem:s10+$0x30]  }
0x9d: {  	v4 =	vadd.s32 s16, v0;
	v6 =	vld [tilespmem:s8+$0x30]  }
0x9e: {  	s16 =	sadd.s32 $0xB, s12;
	[tilespmem:v8+s1+$0x0] =	vst.idx.msk $0xffff, v2;
	v2 =	vadd.f32 v9, v7;
	v7 =	vld [tilespmem:s10+$0x40]  }
0x9f: {  	v8 =	vadd.s32 s16, v0;
	v9 =	vld [tilespmem:s8+$0x40]  }
0xa0: {  	s16 =	sadd.s32 $0xC, s12;
	[tilespmem:v10+s1+$0x0] =	vst.idx.msk $0xffff, v2;
	v2 =	vadd.f32 v11, v5;
	v10 =	vld [tilespmem:s10+$0x50]  }
0xa1: {  	v11 =	vadd.s32 s16, v0;
	v12 =	vld [tilespmem:s8+$0x50]  }
.Ltmp0:
0xa2: {  	s16 =	sadd.s32 $0xD, s12;
	[tilespmem:v4+s1+$0x0] =	vst.idx.msk $0xffff, v2;
	v4 =	vadd.f32 v6, v3;
	v2 =	vld [tilespmem:s10+$0x60];
	(pc) =	sbr.rel @p0 .LBB2_3-.Ltmp0, $4  }
0xa3: {  	v6 =	vadd.s32 s16, v0;
	v5 =	vld [tilespmem:s8+$0x60]  }
0xa4: {  	s16 =	sadd.s32 $0xE, s12;
	v3 =	vld [tilespmem:s10+$0xFFFFFF80];
	[tilespmem:v8+s1+$0x0] =	vst.idx.msk $0xffff, v4;
	v13 =	vadd.f32 v9, v7;
	s10 =	sadd.s32 $0x100, s10  }
0xa5: {  	s8 =	sadd.s32 $0x100, s8;
	v9 =	vadd.s32 s16, v0;
	v4 =	vld [tilespmem:s10+$0x70]  }
0xa6: {  	v7 =	vadd.s32 s12, v0;
	s12 =	smov.u32 s2;
	s2 =	sadd.s32 $0x10, s2;
	v8 =	vld [tilespmem:s8+$0x70];
	[tilespmem:v11+s1+$0x0] =	vst.idx.msk $0xffff, v13;
	v10 =	vadd.f32 v12, v10  }
0xa7: {  	v11 =	vld [tilespmem:s8+$0xFFFFFF80]  }
0xa8: {  	v12 =	vld [tilespmem:s10+$0xFFFFFF90]  }
0xa9: {  	v13 =	vld [tilespmem:s8+$0xFFFFFF90]  }
0xaa: {  	v14 =	vld [tilespmem:s10+$0xFFFFFFA0]  }
0xab: {  	v15 =	vld [tilespmem:s8+$0xFFFFFFA0]  }
0xac: {  	v16 =	vld [tilespmem:s10+$0xFFFFFFB0]  }
0xad: {  	v17 =	vld [tilespmem:s8+$0xFFFFFFB0]  }
0xae: {  	v18 =	vld [tilespmem:s10+$0xFFFFFFC0]  }
0xaf: {  	v19 =	vld [tilespmem:s8+$0xFFFFFFC0]  }
0xb0: {  	v20 =	vld [tilespmem:s10+$0xFFFFFFD0]  }
0xb1: {  	v21 =	vld [tilespmem:s8+$0xFFFFFFD0]  }
0xb2: {  	v22 =	vld [tilespmem:s10+$0xFFFFFFE0]  }
0xb3: {  	v23 =	vld [tilespmem:s8+$0xFFFFFFE0]  }
0xb4: {  	v24 =	vld [tilespmem:s10+$0xFFFFFFF0]  }
0xb5: {  	v25 =	vld [tilespmem:s8+$0xFFFFFFF0]  }
0xb6: {  	s2 =	sadd.s32 $0xF, s12;
	v26 =	vld [tilespmem:s10+$0x0]  }
0xb7: {  	s16 =	sadd.s32 $0x1, s12;
	v28 =	vld [tilespmem:s8+$0x0];
	v27 =	vadd.s32 s2, v0  }
0xb8: {  	s17 =	sadd.s32 $0x2, s12;
	v29 =	vld [tilespmem:s10+$0x10];
	v2 =	vadd.f32 v5, v2;
	v5 =	vadd.s32 s16, v0  }
0xb9: {  	s18 =	sadd.s32 $0x3, s12;
	v40 =	vld [tilespmem:s10+$0x30];
	[tilespmem:v6+s1+$0x0] =	vst.idx.msk $0xffff, v10;
	v1 =	vadd.f32 v1, v3;
	v3 =	vadd.s32 s17, v0  }
0xba: {  	v41 =	vld [tilespmem:s8+$0x30];
	s16 =	sadd.s32 $0x4, s12;
	[tilespmem:v9+s1+$0x0] =	vst.idx.msk $0xffff, v2;
	v2 =	vadd.f32 v8, v4;
	v4 =	vadd.s32 s18, v0  }
0xbb: {  	v42 =	vld [tilespmem:s10+$0x40];
	s17 =	sadd.s32 $0x5, s12;
	[tilespmem:v7+s1+$0x0] =	vst.idx.msk $0xffff, v1;
	v7 =	vadd.s32 s16, v0;
	v1 =	vadd.f32 v13, v12  }
0xbc: {  	v43 =	vld [tilespmem:s8+$0x40];
	v10 =	vadd.s32 s17, v0;
	s18 =	sadd.s32 $0x6, s12;
	[tilespmem:v27+s1+$0x0] =	vst.idx.msk $0xffff, v2;
	v2 =	vadd.f32 v15, v14  }
0xbd: {  	v6 =	vld [tilespmem:s8+$0x10];
	s16 =	sadd.s32 $0x7, s12;
	[tilespmem:v5+s1+$0x0] =	vst.idx.msk $0xffff, v1;
	v1 =	vadd.f32 v17, v16;
	v5 =	vadd.s32 s18, v0  }
0xbe: {  	v9 =	vld [tilespmem:s8+$0x20];
	s17 =	sadd.s32 $0x8, s12;
	[tilespmem:v3+s1+$0x0] =	vst.idx.msk $0xffff, v2;
	v2 =	vadd.f32 v19, v18;
	v3 =	vadd.s32 s16, v0  }
0xbf: {  	v8 =	vld [tilespmem:s10+$0x20];
	s18 =	sadd.s32 $0x9, s12;
	[tilespmem:v4+s1+$0x0] =	vst.idx.msk $0xffff, v1;
	v1 =	vadd.f32 v21, v20;
	v4 =	vadd.s32 s17, v0  }
0xc0: {  	v44 =	vld [tilespmem:s10+$0x50];
	s16 =	sadd.s32 $0xA, s12;
	[tilespmem:v7+s1+$0x0] =	vst.idx.msk $0xffff, v2;
	v2 =	vadd.f32 v23, v22;
	v7 =	vadd.s32 s18, v0  }
0xc1: {  	v45 =	vld [tilespmem:s8+$0x50];
	s17 =	sadd.s32 $0xB, s12;
	[tilespmem:v10+s1+$0x0] =	vst.idx.msk $0xffff, v1;
	v1 =	vadd.f32 v25, v24;
	v10 =	vadd.s32 s16, v0  }
0xc2: {  	v46 =	vld [tilespmem:s10+$0x60];
	s18 =	sadd.s32 $0xC, s12;
	[tilespmem:v5+s1+$0x0] =	vst.idx.msk $0xffff, v2;
	v2 =	vadd.f32 v28, v26;
	v5 =	vadd.s32 s17, v0  }
0xc3: {  	s16 =	sadd.s32 $0xD, s12;
	[tilespmem:v3+s1+$0x0] =	vst.idx.msk $0xffff, v1;
	v1 =	vadd.f32 v6, v29;
	v3 =	vadd.s32 s18, v0;
	v6 =	vld [tilespmem:s8+$0x60]  }
0xc4: {  	s17 =	sadd.s32 $0xE, s12;
	[tilespmem:v4+s1+$0x0] =	vst.idx.msk $0xffff, v2;
	v2 =	vadd.f32 v9, v8;
	v4 =	vadd.s32 s16, v0;
	v8 =	vld [tilespmem:s10+$0xFFFFFF80]  }
0xc5: {  	[tilespmem:v7+s1+$0x0] =	vst.idx.msk $0xffff, v1;
	v1 =	vadd.f32 v41, v40;
	v7 =	vadd.s32 s17, v0  }
0xc6: {  	v9 =	vadd.s32 s12, v0;
	[tilespmem:v10+s1+$0x0] =	vst.idx.msk $0xffff, v2;
	v2 =	vadd.f32 v43, v42  }
0xc7: {  	[tilespmem:v5+s1+$0x0] =	vst.idx.msk $0xffff, v1;
	v1 =	vadd.f32 v45, v44  }
0xc8: {  	p0 =	seq.s32 s9, $0x18;
	[tilespmem:v3+s1+$0x0] =	vst.idx.msk $0xffff, v2;
	v2 =	vadd.f32 v6, v46  }
0xc9: {  	s10 =	smul.u32 @!p0 $0x190, s9;
	[tilespmem:v4+s1+$0x0] =	vst.idx.msk $0xffff, v1;
	v1 =	vadd.f32 v11, v8  }
0xca: {  	[tilespmem:v7+s1+$0x0] =	vst.idx.msk $0xffff, v2  }
0xcb: {  	s8 =	simm.s32 @!p0 $0x50;
	s12 =	simm.s32 @!p0 $0x4E20;
	s2 =	sadd.s32 @!p0 $0x190, s10;
	[tilespmem:v9+s1+$0x0] =	vst.idx.msk $0xffff, v1  }
0xcc: {  	[tilespmem:s12], [sflag:$0x1] =	stream.indirect.gather @!p0 [hbm4b:s5+s8], $0x10, s2, s8, $0xb8;
	[tilespmem:$0x9920] =	vst v63  }
0xcd: {  	s2 =	sadd.s32 @!p0 $0x28A0, s10;
	s12 =	simm.s32 @!p0 $0x6720  }
0xce: {  	[tilespmem:s12], [sflag:$0x1] =	stream.indirect.gather @!p0 [hbm4b:s6+s8], $0x10, s2, s8, $0xb8;
	[tilespmem:$0x9920] =	vst v63  }
0xcf: {  	_ =	swait.ge [sflag:s0], $0x500  }
0xd0: {  	[sflag:s0] =	ssyncset.done $0x0  }
0xd1: {  	[sflag:s0] =	ssyncadd.s32 $0xFFFFFB00  }
0xd2: {  	_ =	swait.ge [sflag:s0], $0x500  }
0xd3: {  	[sflag:s0] =	ssyncset.done $0x0  }
0xd4: {  	s16 =	simm.s32 $0x5410;
	[sflag:s0] =	ssyncadd.s32 $0xFFFFFB00  }
0xd5: {  	s12 =	simm.s32 $0x6D10;
	v2 =	vld [tilespmem:s16+$0x0]  }
0xd6: {  	v3 =	vld [tilespmem:s12+$0x0]  }
0xd7: {  	v1 =	vld [tilespmem:s12+$0xFFFFFF10]  }
0xd8: {  	v4 =	vld [tilespmem:s16+$0xFFFFFF20]  }
0xd9: {  	v5 =	vld [tilespmem:s12+$0xFFFFFF20]  }
0xda: {  	v6 =	vld [tilespmem:s16+$0xFFFFFF30]  }
0xdb: {  	v7 =	vld [tilespmem:s12+$0xFFFFFF30]  }
0xdc: {  	v8 =	vld [tilespmem:s16+$0xFFFFFF40]  }
0xdd: {  	v9 =	vld [tilespmem:s12+$0xFFFFFF40]  }
0xde: {  	v10 =	vld [tilespmem:s16+$0xFFFFFF50]  }
0xdf: {  	v11 =	vld [tilespmem:s12+$0xFFFFFF50]  }
0xe0: {  	v47 =	vld [tilespmem:s16+$0xFFFFFF60]  }
0xe1: {  	v48 =	vld [tilespmem:s12+$0xFFFFFF60]  }
0xe2: {  	v49 =	vld [tilespmem:s16+$0xFFFFFF70]  }
0xe3: {  	s18 =	simm.s32 $0x5F;
	v50 =	vld [tilespmem:s12+$0xFFFFFF70]  }
0xe4: {  	v51 =	vadd.s32 s18, v0;
	s8 =	simm.s32 $0x51;
	v52 =	vld [tilespmem:s16+$0xFFFFFF80]  }
0xe5: {  	s17 =	simm.s32 $0x52;
	v53 =	vadd.s32 s8, v0;
	v54 =	vld [tilespmem:s12+$0xFFFFFF80]  }
0xe6: {  	s18 =	simm.s32 $0x53;
	v55 =	vadd.s32 s17, v0;
	v56 =	vld [tilespmem:s16+$0xFFFFFF90]  }
0xe7: {  	s8 =	simm.s32 $0x54;
	v57 =	vld [tilespmem:s12+$0xFFFFFF90];
	v2 =	vadd.f32 v3, v2;
	v3 =	vadd.s32 s18, v0  }
0xe8: {  	s17 =	simm.s32 $0x55;
	v58 =	vld [tilespmem:s16+$0xFFFFFFA0];
	v4 =	vadd.f32 v5, v4;
	v5 =	vadd.s32 s8, v0  }
0xe9: {  	v59 =	vld [tilespmem:s16+$0xFFFFFFC0];
	s18 =	simm.s32 $0x56;
	[tilespmem:v51+s1+$0x0] =	vst.idx.msk $0xffff, v2;
	v2 =	vadd.f32 v7, v6;
	v6 =	vadd.s32 s17, v0  }
0xea: {  	s8 =	simm.s32 $0x57;
	v7 =	vld [tilespmem:s12+$0xFFFFFFA0];
	[tilespmem:v53+s1+$0x0] =	vst.idx.msk $0xffff, v4;
	v4 =	vadd.f32 v9, v8;
	v8 =	vadd.s32 s18, v0  }
0xeb: {  	v9 =	vld [tilespmem:s16+$0xFFFFFFB0];
	s17 =	simm.s32 $0x58;
	[tilespmem:v55+s1+$0x0] =	vst.idx.msk $0xffff, v2;
	v2 =	vadd.f32 v11, v10;
	v10 =	vadd.s32 s8, v0  }
0xec: {  	s18 =	simm.s32 $0x59;
	v11 =	vld [tilespmem:s12+$0xFFFFFFB0];
	[tilespmem:v3+s1+$0x0] =	vst.idx.msk $0xffff, v4;
	v3 =	vadd.f32 v48, v47;
	v4 =	vadd.s32 s17, v0  }
0xed: {  	v60 =	vld [tilespmem:s12+$0xFFFFFFC0];
	s8 =	simm.s32 $0x5A;
	[tilespmem:v5+s1+$0x0] =	vst.idx.msk $0xffff, v2;
	v2 =	vadd.f32 v50, v49;
	v5 =	vadd.s32 s18, v0  }
0xee: {  	v61 =	vld [tilespmem:s16+$0xFFFFFFD0];
	s17 =	simm.s32 $0x5B;
	[tilespmem:v6+s1+$0x0] =	vst.idx.msk $0xffff, v3;
	v3 =	vadd.f32 v54, v52;
	v6 =	vadd.s32 s8, v0  }
0xef: {  	v63 =	vld [tilespmem:s12+$0xFFFFFFD0];
	v62 =	vadd.s32 s17, v0;
	[tilespmem:v8+s1+$0x0] =	vst.idx.msk $0xffff, v2;
	v8 =	vadd.f32 v57, v56  }
0xf0: {  	s18 =	simm.s32 $0x5C;
	v2 =	vld [tilespmem:s16+$0xFFFFFFE0];
	[tilespmem:v10+s1+$0x0] =	vst.idx.msk $0xffff, v3;
	v3 =	vadd.f32 v7, v58  }
0xf1: {  	v7 =	vadd.f32 v11, v9;
	[tilespmem:v4+s1+$0x0] =	vst.idx.msk $0xffff, v8;
	v4 =	vld [tilespmem:s12+$0xFFFFFFE0];
	v8 =	vadd.s32 s18, v0  }
0xf2: {  	s17 =	simm.s32 $0x5D;
	v9 =	vadd.f32 v60, v59;
	[tilespmem:v5+s1+$0x0] =	vst.idx.msk $0xffff, v3;
	v3 =	vld [tilespmem:s16+$0xFFFFFFF0]  }
0xf3: {  	s2 =	simm.s32 $0x0;
	v5 =	vld [tilespmem:s12+$0xFFFFFFF0];
	[tilespmem:v6+s1+$0x0] =	vst.idx.msk $0xffff, v7;
	v7 =	vadd.s32 s17, v0  }
0xf4: {  	s8 =	simm.s32 $0xFFFFFFF0;
	[tilespmem:v62+s1+$0x0] =	vst.idx.msk $0xffff, v9;
	v9 =	vadd.f32 v63, v61;
	v6 =	vld [tilespmem:s16+$0xFFFFFF10];
	s17 =	simm.s32 $0x5E;
	s16 =	simm.s32 $0x5510  }
.LBB2_5:
0xf5: {  	v10 =	vld [tilespmem:s16+$0x0];
	s18 =	sadd.s32 $0x60, s8;
	v11 =	vadd.s32 s17, v0;
	s12 =	sadd.s32 $0x100, s12;
	s8 =	smov.u32 s2  }
0xf6: {  	s2 =	sadd.s32 $0x10, s2;
	v12 =	vld [tilespmem:s12+$0x0];
	v13 =	vadd.s32 s18, v0;
	[tilespmem:v8+s1+$0x0] =	vst.idx.msk $0xffff, v9;
	v2 =	vadd.f32 v4, v2  }
0xf7: {  	s17 =	sadd.s32 $0x6F, s8;
	p1 =	slt.u32 s2, $0x40;
	v4 =	vld [tilespmem:s12+$0xFFFFFF10]  }
0xf8: {  	v9 =	vadd.s32 s17, v0;
	v8 =	vld [tilespmem:s16+$0xFFFFFF20];
	[tilespmem:v7+s1+$0x0] =	vst.idx.msk $0xffff, v2;
	v2 =	vadd.f32 v5, v3  }
0xf9: {  	v3 =	vld [tilespmem:s12+$0xFFFFFF20];
	v14 =	vadd.f32 v1, v6  }
0xfa: {  	s17 =	sadd.s32 $0x61, s8;
	v5 =	vld [tilespmem:s16+$0xFFFFFF30];
	[tilespmem:v11+s1+$0x0] =	vst.idx.msk $0xffff, v2  }
0xfb: {  	v2 =	vadd.s32 s17, v0;
	v6 =	vld [tilespmem:s12+$0xFFFFFF30];
	v7 =	vadd.f32 v12, v10;
	[tilespmem:v13+s1+$0x0] =	vst.idx.msk $0xffff, v14  }
0xfc: {  	s17 =	sadd.s32 $0x62, s8;
	v10 =	vld [tilespmem:s16+$0xFFFFFF40];
	v1 =	vmov v4  }
0xfd: {  	v4 =	vadd.s32 s17, v0;
	v11 =	vld [tilespmem:s12+$0xFFFFFF40];
	[tilespmem:v9+s1+$0x0] =	vst.idx.msk $0xffff, v7  }
0xfe: {  	s17 =	sadd.s32 $0x63, s8;
	v3 =	vadd.f32 v3, v8;
	v7 =	vld [tilespmem:s16+$0xFFFFFF50]  }
0xff: {  	v8 =	vadd.s32 s17, v0;
	v9 =	vld [tilespmem:s12+$0xFFFFFF50]  }
0x100: {  	s17 =	sadd.s32 $0x64, s8;
	[tilespmem:v2+s1+$0x0] =	vst.idx.msk $0xffff, v3;
	v2 =	vadd.f32 v6, v5;
	v3 =	vld [tilespmem:s16+$0xFFFFFF60]  }
0x101: {  	v5 =	vadd.s32 s17, v0;
	v6 =	vld [tilespmem:s12+$0xFFFFFF60]  }
0x102: {  	s17 =	sadd.s32 $0x65, s8;
	[tilespmem:v4+s1+$0x0] =	vst.idx.msk $0xffff, v2;
	v2 =	vadd.f32 v11, v10;
	v4 =	vld [tilespmem:s16+$0xFFFFFF70]  }
0x103: {  	v10 =	vadd.s32 s17, v0;
	v11 =	vld [tilespmem:s12+$0xFFFFFF70]  }
0x104: {  	s17 =	sadd.s32 $0x66, s8;
	[tilespmem:v8+s1+$0x0] =	vst.idx.msk $0xffff, v2;
	v2 =	vadd.f32 v9, v7;
	v7 =	vld [tilespmem:s16+$0xFFFFFF80]  }
0x105: {  	v8 =	vadd.s32 s17, v0;
	v9 =	vld [tilespmem:s12+$0xFFFFFF80]  }
0x106: {  	s17 =	sadd.s32 $0x67, s8;
	[tilespmem:v5+s1+$0x0] =	vst.idx.msk $0xffff, v2;
	v2 =	vadd.f32 v6, v3;
	v3 =	vld [tilespmem:s16+$0xFFFFFF90]  }
0x107: {  	v5 =	vadd.s32 s17, v0;
	v6 =	vld [tilespmem:s12+$0xFFFFFF90]  }
0x108: {  	s17 =	sadd.s32 $0x68, s8;
	[tilespmem:v10+s1+$0x0] =	vst.idx.msk $0xffff, v2;
	v2 =	vadd.f32 v11, v4;
	v4 =	vld [tilespmem:s16+$0xFFFFFFA0]  }
0x109: {  	v10 =	vadd.s32 s17, v0;
	v11 =	vld [tilespmem:s12+$0xFFFFFFA0]  }
0x10a: {  	s17 =	sadd.s32 $0x69, s8;
	[tilespmem:v8+s1+$0x0] =	vst.idx.msk $0xffff, v2;
	v2 =	vadd.f32 v9, v7;
	v7 =	vld [tilespmem:s16+$0xFFFFFFB0]  }
0x10b: {  	v8 =	vadd.s32 s17, v0;
	v9 =	vld [tilespmem:s12+$0xFFFFFFB0]  }
0x10c: {  	s17 =	sadd.s32 $0x6A, s8;
	[tilespmem:v5+s1+$0x0] =	vst.idx.msk $0xffff, v2;
	v2 =	vadd.f32 v6, v3;
	v3 =	vld [tilespmem:s16+$0xFFFFFFC0]  }
0x10d: {  	v5 =	vadd.s32 s17, v0;
	v6 =	vld [tilespmem:s12+$0xFFFFFFC0]  }
0x10e: {  	s17 =	sadd.s32 $0x6B, s8;
	[tilespmem:v10+s1+$0x0] =	vst.idx.msk $0xffff, v2;
	v2 =	vadd.f32 v11, v4;
	v10 =	vld [tilespmem:s16+$0xFFFFFFD0]  }
0x10f: {  	v11 =	vadd.s32 s17, v0;
	v12 =	vld [tilespmem:s12+$0xFFFFFFD0]  }
.Ltmp1:
0x110: {  	s17 =	sadd.s32 $0x6C, s8;
	[tilespmem:v8+s1+$0x0] =	vst.idx.msk $0xffff, v2;
	v7 =	vadd.f32 v9, v7;
	v2 =	vld [tilespmem:s16+$0xFFFFFFE0];
	(pc) =	sbr.rel @p1 .LBB2_5-.Ltmp1, $4  }
0x111: {  	v8 =	vadd.s32 s17, v0;
	v4 =	vld [tilespmem:s12+$0xFFFFFFE0]  }
0x112: {  	s17 =	sadd.s32 $0x6D, s8;
	[tilespmem:v5+s1+$0x0] =	vst.idx.msk $0xffff, v7;
	v9 =	vadd.f32 v6, v3;
	v3 =	vld [tilespmem:s16+$0xFFFFFFF0]  }
0x113: {  	v7 =	vadd.s32 s17, v0;
	v5 =	vld [tilespmem:s12+$0xFFFFFFF0]  }
0x114: {  	s17 =	sadd.s32 $0x6E, s8;
	v6 =	vld [tilespmem:s16+$0xFFFFFF10];
	[tilespmem:v11+s1+$0x0] =	vst.idx.msk $0xffff, v9;
	v9 =	vadd.f32 v12, v10;
	s16 =	sadd.s32 $0x100, s16  }
0x115: {  	_ = 	snop  }
0x116: {  	s2 =	sadd.s32 $0x60, s8;
	v10 =	vadd.s32 s17, v0  }
0x117: {  	v11 =	vadd.s32 s2, v0  }
0x118: {  	v2 =	vadd.f32 v4, v2  }
0x119: {  	[tilespmem:v8+s1+$0x0] =	vst.idx.msk $0xffff, v9;
	v3 =	vadd.f32 v5, v3  }
0x11a: {  	[tilespmem:v7+s1+$0x0] =	vst.idx.msk $0xffff, v2;
	v1 =	vadd.f32 v1, v6  }
0x11b: {  	[tilespmem:v10+s1+$0x0] =	vst.idx.msk $0xffff, v3  }
0x11c: {  	s8 =	simm.s32 @!p0 $0x50;
	s12 =	simm.s32 @!p0 $0x5320;
	s2 =	sadd.s32 @!p0 $0x1E0, s10;
	[tilespmem:v11+s1+$0x0] =	vst.idx.msk $0xffff, v1  }
0x11d: {  	[tilespmem:s12], [sflag:$0x2] =	stream.indirect.gather @!p0 [hbm4b:s5+s8], $0x10, s2, s8, $0xb8;
	[tilespmem:$0x9920] =	vst v63  }
0x11e: {  	s2 =	sadd.s32 @!p0 $0x28F0, s10;
	s12 =	simm.s32 @!p0 $0x6C20  }
0x11f: {  	[tilespmem:s12], [sflag:$0x2] =	stream.indirect.gather @!p0 [hbm4b:s6+s8], $0x10, s2, s8, $0xb8;
	[tilespmem:$0x9920] =	vst v63  }
0x120: {  	_ =	swait.ge [sflag:s13], $0x500  }
0x121: {  	[sflag:s13] =	ssyncset.done $0x0  }
0x122: {  	[sflag:s13] =	ssyncadd.s32 $0xFFFFFB00  }
0x123: {  	_ =	swait.ge [sflag:s13], $0x500  }
0x124: {  	[sflag:s13] =	ssyncset.done $0x0  }
0x125: {  	s16 =	simm.s32 $0x5910;
	[sflag:s13] =	ssyncadd.s32 $0xFFFFFB00  }
0x126: {  	s12 =	simm.s32 $0x7210;
	v2 =	vld [tilespmem:s16+$0x0]  }
0x127: {  	v3 =	vld [tilespmem:s12+$0x0]  }
0x128: {  	v1 =	vld [tilespmem:s12+$0xFFFFFF10]  }
0x129: {  	v4 =	vld [tilespmem:s16+$0xFFFFFF20]  }
0x12a: {  	v5 =	vld [tilespmem:s12+$0xFFFFFF20]  }
0x12b: {  	v6 =	vld [tilespmem:s16+$0xFFFFFF30]  }
0x12c: {  	v7 =	vld [tilespmem:s12+$0xFFFFFF30]  }
0x12d: {  	v8 =	vld [tilespmem:s16+$0xFFFFFF40]  }
0x12e: {  	v9 =	vld [tilespmem:s12+$0xFFFFFF40]  }
0x12f: {  	v10 =	vld [tilespmem:s16+$0xFFFFFF50]  }
0x130: {  	v11 =	vld [tilespmem:s12+$0xFFFFFF50]  }
0x131: {  	v12 =	vld [tilespmem:s16+$0xFFFFFF60]  }
0x132: {  	v13 =	vld [tilespmem:s12+$0xFFFFFF60]  }
0x133: {  	v14 =	vld [tilespmem:s16+$0xFFFFFF70]  }
0x134: {  	s17 =	simm.s32 $0xAF;
	v15 =	vld [tilespmem:s12+$0xFFFFFF70]  }
0x135: {  	s18 =	simm.s32 $0xA1;
	v16 =	vadd.s32 s17, v0;
	v17 =	vld [tilespmem:s16+$0xFFFFFF80]  }
0x136: {  	v18 =	vadd.s32 s18, v0;
	s8 =	simm.s32 $0xA2;
	v19 =	vld [tilespmem:s12+$0xFFFFFF80]  }
0x137: {  	s17 =	simm.s32 $0xA3;
	v20 =	vadd.s32 s8, v0;
	v21 =	vld [tilespmem:s16+$0xFFFFFF90]  }
0x138: {  	s18 =	simm.s32 $0xA4;
	v22 =	vld [tilespmem:s12+$0xFFFFFF90];
	v2 =	vadd.f32 v3, v2;
	v3 =	vadd.s32 s17, v0  }
0x139: {  	s8 =	simm.s32 $0xA5;
	v23 =	vld [tilespmem:s16+$0xFFFFFFA0];
	v4 =	vadd.f32 v5, v4;
	v5 =	vadd.s32 s18, v0  }
0x13a: {  	v59 =	vld [tilespmem:s16+$0xFFFFFFC0];
	s17 =	simm.s32 $0xA6;
	[tilespmem:v16+s1+$0x0] =	vst.idx.msk $0xffff, v2;
	v2 =	vadd.f32 v7, v6;
	v6 =	vadd.s32 s8, v0  }
0x13b: {  	s18 =	simm.s32 $0xA7;
	v7 =	vld [tilespmem:s12+$0xFFFFFFA0];
	[tilespmem:v18+s1+$0x0] =	vst.idx.msk $0xffff, v4;
	v4 =	vadd.f32 v9, v8;
	v8 =	vadd.s32 s17, v0  }
0x13c: {  	v9 =	vld [tilespmem:s16+$0xFFFFFFB0];
	s8 =	simm.s32 $0xA8;
	[tilespmem:v20+s1+$0x0] =	vst.idx.msk $0xffff, v2;
	v2 =	vadd.f32 v11, v10;
	v10 =	vadd.s32 s18, v0  }
0x13d: {  	s17 =	simm.s32 $0xA9;
	v11 =	vld [tilespmem:s12+$0xFFFFFFB0];
	[tilespmem:v3+s1+$0x0] =	vst.idx.msk $0xffff, v4;
	v3 =	vadd.f32 v13, v12;
	v4 =	vadd.s32 s8, v0  }
0x13e: {  	v60 =	vld [tilespmem:s12+$0xFFFFFFC0];
	s18 =	simm.s32 $0xAA;
	[tilespmem:v5+s1+$0x0] =	vst.idx.msk $0xffff, v2;
	v2 =	vadd.f32 v15, v14;
	v5 =	vadd.s32 s17, v0  }
0x13f: {  	v61 =	vld [tilespmem:s16+$0xFFFFFFD0];
	s8 =	simm.s32 $0xAB;
	[tilespmem:v6+s1+$0x0] =	vst.idx.msk $0xffff, v3;
	v3 =	vadd.f32 v19, v17;
	v6 =	vadd.s32 s18, v0  }
0x140: {  	v63 =	vld [tilespmem:s12+$0xFFFFFFD0];
	v62 =	vadd.s32 s8, v0;
	[tilespmem:v8+s1+$0x0] =	vst.idx.msk $0xffff, v2;
	v8 =	vadd.f32 v22, v21  }
0x141: {  	s17 =	simm.s32 $0xAC;
	v2 =	vld [tilespmem:s16+$0xFFFFFFE0];
	[tilespmem:v10+s1+$0x0] =	vst.idx.msk $0xffff, v3;
	v3 =	vadd.f32 v7, v23  }
0x142: {  	v7 =	vadd.f32 v11, v9;
	[tilespmem:v4+s1+$0x0] =	vst.idx.msk $0xffff, v8;
	v4 =	vld [tilespmem:s12+$0xFFFFFFE0];
	v8 =	vadd.s32 s17, v0  }
0x143: {  	s18 =	simm.s32 $0xAD;
	v9 =	vadd.f32 v60, v59;
	[tilespmem:v5+s1+$0x0] =	vst.idx.msk $0xffff, v3;
	v3 =	vld [tilespmem:s16+$0xFFFFFFF0]  }
0x144: {  	s2 =	simm.s32 $0x0;
	v5 =	vld [tilespmem:s12+$0xFFFFFFF0];
	[tilespmem:v6+s1+$0x0] =	vst.idx.msk $0xffff, v7;
	v7 =	vadd.s32 s18, v0  }
0x145: {  	s8 =	simm.s32 $0xFFFFFFF0;
	s17 =	simm.s32 $0xAE;
	[tilespmem:v62+s1+$0x0] =	vst.idx.msk $0xffff, v9;
	v9 =	vadd.f32 v63, v61;
	v6 =	vld [tilespmem:s16+$0xFFFFFF10];
	s16 =	simm.s32 $0x5A10  }
.LBB2_7:
0x146: {  	v10 =	vld [tilespmem:s16+$0x0];
	s18 =	sadd.s32 $0xB0, s8;
	v11 =	vadd.s32 s17, v0;
	s12 =	sadd.s32 $0x100, s12;
	s8 =	smov.u32 s2  }
0x147: {  	s2 =	sadd.s32 $0x10, s2;
	v12 =	vld [tilespmem:s12+$0x0];
	v13 =	vadd.s32 s18, v0;
	[tilespmem:v8+s1+$0x0] =	vst.idx.msk $0xffff, v9;
	v2 =	vadd.f32 v4, v2  }
0x148: {  	s17 =	sadd.s32 $0xBF, s8;
	p1 =	slt.u32 s2, $0x40;
	v4 =	vld [tilespmem:s12+$0xFFFFFF10]  }
0x149: {  	v9 =	vadd.s32 s17, v0;
	v8 =	vld [tilespmem:s16+$0xFFFFFF20];
	[tilespmem:v7+s1+$0x0] =	vst.idx.msk $0xffff, v2;
	v2 =	vadd.f32 v5, v3  }
0x14a: {  	v3 =	vld [tilespmem:s12+$0xFFFFFF20];
	v14 =	vadd.f32 v1, v6  }
0x14b: {  	s17 =	sadd.s32 $0xB1, s8;
	v5 =	vld [tilespmem:s16+$0xFFFFFF30];
	[tilespmem:v11+s1+$0x0] =	vst.idx.msk $0xffff, v2  }
0x14c: {  	v2 =	vadd.s32 s17, v0;
	v6 =	vld [tilespmem:s12+$0xFFFFFF30];
	v7 =	vadd.f32 v12, v10;
	[tilespmem:v13+s1+$0x0] =	vst.idx.msk $0xffff, v14  }
0x14d: {  	s17 =	sadd.s32 $0xB2, s8;
	v10 =	vld [tilespmem:s16+$0xFFFFFF40];
	v1 =	vmov v4  }
0x14e: {  	v4 =	vadd.s32 s17, v0;
	v11 =	vld [tilespmem:s12+$0xFFFFFF40];
	[tilespmem:v9+s1+$0x0] =	vst.idx.msk $0xffff, v7  }
0x14f: {  	s17 =	sadd.s32 $0xB3, s8;
	v3 =	vadd.f32 v3, v8;
	v7 =	vld [tilespmem:s16+$0xFFFFFF50]  }
0x150: {  	v8 =	vadd.s32 s17, v0;
	v9 =	vld [tilespmem:s12+$0xFFFFFF50]  }
0x151: {  	s17 =	sadd.s32 $0xB4, s8;
	[tilespmem:v2+s1+$0x0] =	vst.idx.msk $0xffff, v3;
	v2 =	vadd.f32 v6, v5;
	v3 =	vld [tilespmem:s16+$0xFFFFFF60]  }
0x152: {  	v5 =	vadd.s32 s17, v0;
	v6 =	vld [tilespmem:s12+$0xFFFFFF60]  }
0x153: {  	s17 =	sadd.s32 $0xB5, s8;
	[tilespmem:v4+s1+$0x0] =	vst.idx.msk $0xffff, v2;
	v2 =	vadd.f32 v11, v10;
	v4 =	vld [tilespmem:s16+$0xFFFFFF70]  }
0x154: {  	v10 =	vadd.s32 s17, v0;
	v11 =	vld [tilespmem:s12+$0xFFFFFF70]  }
0x155: {  	s17 =	sadd.s32 $0xB6, s8;
	[tilespmem:v8+s1+$0x0] =	vst.idx.msk $0xffff, v2;
	v2 =	vadd.f32 v9, v7;
	v7 =	vld [tilespmem:s16+$0xFFFFFF80]  }
0x156: {  	v8 =	vadd.s32 s17, v0;
	v9 =	vld [tilespmem:s12+$0xFFFFFF80]  }
0x157: {  	s17 =	sadd.s32 $0xB7, s8;
	[tilespmem:v5+s1+$0x0] =	vst.idx.msk $0xffff, v2;
	v2 =	vadd.f32 v6, v3;
	v3 =	vld [tilespmem:s16+$0xFFFFFF90]  }
0x158: {  	v5 =	vadd.s32 s17, v0;
	v6 =	vld [tilespmem:s12+$0xFFFFFF90]  }
0x159: {  	s17 =	sadd.s32 $0xB8, s8;
	[tilespmem:v10+s1+$0x0] =	vst.idx.msk $0xffff, v2;
	v2 =	vadd.f32 v11, v4;
	v4 =	vld [tilespmem:s16+$0xFFFFFFA0]  }
0x15a: {  	v10 =	vadd.s32 s17, v0;
	v11 =	vld [tilespmem:s12+$0xFFFFFFA0]  }
0x15b: {  	s17 =	sadd.s32 $0xB9, s8;
	[tilespmem:v8+s1+$0x0] =	vst.idx.msk $0xffff, v2;
	v2 =	vadd.f32 v9, v7;
	v7 =	vld [tilespmem:s16+$0xFFFFFFB0]  }
0x15c: {  	v8 =	vadd.s32 s17, v0;
	v9 =	vld [tilespmem:s12+$0xFFFFFFB0]  }
0x15d: {  	s17 =	sadd.s32 $0xBA, s8;
	[tilespmem:v5+s1+$0x0] =	vst.idx.msk $0xffff, v2;
	v2 =	vadd.f32 v6, v3;
	v3 =	vld [tilespmem:s16+$0xFFFFFFC0]  }
0x15e: {  	v5 =	vadd.s32 s17, v0;
	v6 =	vld [tilespmem:s12+$0xFFFFFFC0]  }
0x15f: {  	s17 =	sadd.s32 $0xBB, s8;
	[tilespmem:v10+s1+$0x0] =	vst.idx.msk $0xffff, v2;
	v2 =	vadd.f32 v11, v4;
	v10 =	vld [tilespmem:s16+$0xFFFFFFD0]  }
0x160: {  	v11 =	vadd.s32 s17, v0;
	v12 =	vld [tilespmem:s12+$0xFFFFFFD0]  }
.Ltmp2:
0x161: {  	s17 =	sadd.s32 $0xBC, s8;
	[tilespmem:v8+s1+$0x0] =	vst.idx.msk $0xffff, v2;
	v7 =	vadd.f32 v9, v7;
	v2 =	vld [tilespmem:s16+$0xFFFFFFE0];
	(pc) =	sbr.rel @p1 .LBB2_7-.Ltmp2, $4  }
0x162: {  	v8 =	vadd.s32 s17, v0;
	v4 =	vld [tilespmem:s12+$0xFFFFFFE0]  }
0x163: {  	s17 =	sadd.s32 $0xBD, s8;
	[tilespmem:v5+s1+$0x0] =	vst.idx.msk $0xffff, v7;
	v9 =	vadd.f32 v6, v3;
	v3 =	vld [tilespmem:s16+$0xFFFFFFF0]  }
0x164: {  	v7 =	vadd.s32 s17, v0;
	v5 =	vld [tilespmem:s12+$0xFFFFFFF0]  }
0x165: {  	s17 =	sadd.s32 $0xBE, s8;
	v6 =	vld [tilespmem:s16+$0xFFFFFF10];
	[tilespmem:v11+s1+$0x0] =	vst.idx.msk $0xffff, v9;
	v9 =	vadd.f32 v12, v10;
	s16 =	sadd.s32 $0x100, s16  }
0x166: {  	_ = 	snop  }
0x167: {  	s2 =	sadd.s32 $0xB0, s8;
	v10 =	vadd.s32 s17, v0  }
0x168: {  	v11 =	vadd.s32 s2, v0  }
0x169: {  	v2 =	vadd.f32 v4, v2  }
0x16a: {  	[tilespmem:v8+s1+$0x0] =	vst.idx.msk $0xffff, v9;
	v3 =	vadd.f32 v5, v3  }
0x16b: {  	[tilespmem:v7+s1+$0x0] =	vst.idx.msk $0xffff, v2;
	v1 =	vadd.f32 v1, v6  }
0x16c: {  	[tilespmem:v10+s1+$0x0] =	vst.idx.msk $0xffff, v3  }
0x16d: {  	s8 =	simm.s32 @!p0 $0x50;
	s12 =	simm.s32 @!p0 $0x5820;
	s2 =	sadd.s32 @!p0 $0x230, s10;
	[tilespmem:v11+s1+$0x0] =	vst.idx.msk $0xffff, v1  }
0x16e: {  	[tilespmem:s12], [sflag:$0x3] =	stream.indirect.gather @!p0 [hbm4b:s5+s8], $0x10, s2, s8, $0xb8;
	[tilespmem:$0x9920] =	vst v63  }
0x16f: {  	s2 =	sadd.s32 @!p0 $0x2940, s10;
	s12 =	simm.s32 @!p0 $0x7120  }
0x170: {  	[tilespmem:s12], [sflag:$0x3] =	stream.indirect.gather @!p0 [hbm4b:s6+s8], $0x10, s2, s8, $0xb8;
	[tilespmem:$0x9920] =	vst v63  }
0x171: {  	_ =	swait.ge [sflag:s14], $0x500  }
0x172: {  	[sflag:s14] =	ssyncset.done $0x0  }
0x173: {  	[sflag:s14] =	ssyncadd.s32 $0xFFFFFB00  }
0x174: {  	_ =	swait.ge [sflag:s14], $0x500  }
0x175: {  	[sflag:s14] =	ssyncset.done $0x0  }
0x176: {  	s16 =	simm.s32 $0x5E10;
	[sflag:s14] =	ssyncadd.s32 $0xFFFFFB00  }
0x177: {  	s12 =	simm.s32 $0x7710;
	v2 =	vld [tilespmem:s16+$0x0]  }
0x178: {  	v3 =	vld [tilespmem:s12+$0x0]  }
0x179: {  	v1 =	vld [tilespmem:s12+$0xFFFFFF10]  }
0x17a: {  	v4 =	vld [tilespmem:s16+$0xFFFFFF20]  }
0x17b: {  	v5 =	vld [tilespmem:s12+$0xFFFFFF20]  }
0x17c: {  	v6 =	vld [tilespmem:s16+$0xFFFFFF30]  }
0x17d: {  	v7 =	vld [tilespmem:s12+$0xFFFFFF30]  }
0x17e: {  	v8 =	vld [tilespmem:s16+$0xFFFFFF40]  }
0x17f: {  	v9 =	vld [tilespmem:s12+$0xFFFFFF40]  }
0x180: {  	v10 =	vld [tilespmem:s16+$0xFFFFFF50]  }
0x181: {  	v11 =	vld [tilespmem:s12+$0xFFFFFF50]  }
0x182: {  	v12 =	vld [tilespmem:s16+$0xFFFFFF60]  }
0x183: {  	v13 =	vld [tilespmem:s12+$0xFFFFFF60]  }
0x184: {  	v14 =	vld [tilespmem:s16+$0xFFFFFF70]  }
0x185: {  	s17 =	simm.s32 $0xFF;
	v15 =	vld [tilespmem:s12+$0xFFFFFF70]  }
0x186: {  	s18 =	simm.s32 $0xF1;
	v16 =	vadd.s32 s17, v0;
	v17 =	vld [tilespmem:s16+$0xFFFFFF80]  }
0x187: {  	v18 =	vadd.s32 s18, v0;
	s8 =	simm.s32 $0xF2;
	v19 =	vld [tilespmem:s12+$0xFFFFFF80]  }
0x188: {  	s17 =	simm.s32 $0xF3;
	v20 =	vadd.s32 s8, v0;
	v21 =	vld [tilespmem:s16+$0xFFFFFF90]  }
0x189: {  	s18 =	simm.s32 $0xF4;
	v22 =	vld [tilespmem:s12+$0xFFFFFF90];
	v2 =	vadd.f32 v3, v2;
	v3 =	vadd.s32 s17, v0  }
0x18a: {  	s8 =	simm.s32 $0xF5;
	v23 =	vld [tilespmem:s16+$0xFFFFFFA0];
	v4 =	vadd.f32 v5, v4;
	v5 =	vadd.s32 s18, v0  }
0x18b: {  	v59 =	vld [tilespmem:s16+$0xFFFFFFC0];
	s17 =	simm.s32 $0xF6;
	[tilespmem:v16+s1+$0x0] =	vst.idx.msk $0xffff, v2;
	v2 =	vadd.f32 v7, v6;
	v6 =	vadd.s32 s8, v0  }
0x18c: {  	s18 =	simm.s32 $0xF7;
	v7 =	vld [tilespmem:s12+$0xFFFFFFA0];
	[tilespmem:v18+s1+$0x0] =	vst.idx.msk $0xffff, v4;
	v4 =	vadd.f32 v9, v8;
	v8 =	vadd.s32 s17, v0  }
0x18d: {  	v9 =	vld [tilespmem:s16+$0xFFFFFFB0];
	s8 =	simm.s32 $0xF8;
	[tilespmem:v20+s1+$0x0] =	vst.idx.msk $0xffff, v2;
	v2 =	vadd.f32 v11, v10;
	v10 =	vadd.s32 s18, v0  }
0x18e: {  	s17 =	simm.s32 $0xF9;
	v11 =	vld [tilespmem:s12+$0xFFFFFFB0];
	[tilespmem:v3+s1+$0x0] =	vst.idx.msk $0xffff, v4;
	v3 =	vadd.f32 v13, v12;
	v4 =	vadd.s32 s8, v0  }
0x18f: {  	v60 =	vld [tilespmem:s12+$0xFFFFFFC0];
	s18 =	simm.s32 $0xFA;
	[tilespmem:v5+s1+$0x0] =	vst.idx.msk $0xffff, v2;
	v2 =	vadd.f32 v15, v14;
	v5 =	vadd.s32 s17, v0  }
0x190: {  	v61 =	vld [tilespmem:s16+$0xFFFFFFD0];
	s8 =	simm.s32 $0xFB;
	[tilespmem:v6+s1+$0x0] =	vst.idx.msk $0xffff, v3;
	v3 =	vadd.f32 v19, v17;
	v6 =	vadd.s32 s18, v0  }
0x191: {  	v63 =	vld [tilespmem:s12+$0xFFFFFFD0];
	v62 =	vadd.s32 s8, v0;
	[tilespmem:v8+s1+$0x0] =	vst.idx.msk $0xffff, v2;
	v8 =	vadd.f32 v22, v21  }
0x192: {  	s17 =	simm.s32 $0xFC;
	v2 =	vld [tilespmem:s16+$0xFFFFFFE0];
	[tilespmem:v10+s1+$0x0] =	vst.idx.msk $0xffff, v3;
	v3 =	vadd.f32 v7, v23  }
0x193: {  	v7 =	vadd.f32 v11, v9;
	[tilespmem:v4+s1+$0x0] =	vst.idx.msk $0xffff, v8;
	v4 =	vld [tilespmem:s12+$0xFFFFFFE0];
	v8 =	vadd.s32 s17, v0  }
0x194: {  	s18 =	simm.s32 $0xFD;
	v9 =	vadd.f32 v60, v59;
	[tilespmem:v5+s1+$0x0] =	vst.idx.msk $0xffff, v3;
	v3 =	vld [tilespmem:s16+$0xFFFFFFF0]  }
0x195: {  	s2 =	simm.s32 $0x0;
	v5 =	vld [tilespmem:s12+$0xFFFFFFF0];
	[tilespmem:v6+s1+$0x0] =	vst.idx.msk $0xffff, v7;
	v7 =	vadd.s32 s18, v0  }
0x196: {  	s8 =	simm.s32 $0xFFFFFFF0;
	s17 =	simm.s32 $0xFE;
	[tilespmem:v62+s1+$0x0] =	vst.idx.msk $0xffff, v9;
	v9 =	vadd.f32 v63, v61;
	v6 =	vld [tilespmem:s16+$0xFFFFFF10];
	s16 =	simm.s32 $0x5F10  }
.LBB2_9:
0x197: {  	v10 =	vld [tilespmem:s16+$0x0];
	s18 =	sadd.s32 $0x100, s8;
	v11 =	vadd.s32 s17, v0;
	s12 =	sadd.s32 $0x100, s12;
	s8 =	smov.u32 s2  }
0x198: {  	s2 =	sadd.s32 $0x10, s2;
	v12 =	vld [tilespmem:s12+$0x0];
	v13 =	vadd.s32 s18, v0;
	[tilespmem:v8+s1+$0x0] =	vst.idx.msk $0xffff, v9;
	v2 =	vadd.f32 v4, v2  }
0x199: {  	s17 =	sadd.s32 $0x10F, s8;
	p1 =	slt.u32 s2, $0x40;
	v4 =	vld [tilespmem:s12+$0xFFFFFF10]  }
0x19a: {  	v9 =	vadd.s32 s17, v0;
	v8 =	vld [tilespmem:s16+$0xFFFFFF20];
	[tilespmem:v7+s1+$0x0] =	vst.idx.msk $0xffff, v2;
	v2 =	vadd.f32 v5, v3  }
0x19b: {  	v3 =	vld [tilespmem:s12+$0xFFFFFF20];
	v14 =	vadd.f32 v1, v6  }
0x19c: {  	s17 =	sadd.s32 $0x101, s8;
	v5 =	vld [tilespmem:s16+$0xFFFFFF30];
	[tilespmem:v11+s1+$0x0] =	vst.idx.msk $0xffff, v2  }
0x19d: {  	v2 =	vadd.s32 s17, v0;
	v6 =	vld [tilespmem:s12+$0xFFFFFF30];
	v7 =	vadd.f32 v12, v10;
	[tilespmem:v13+s1+$0x0] =	vst.idx.msk $0xffff, v14  }
0x19e: {  	s17 =	sadd.s32 $0x102, s8;
	v10 =	vld [tilespmem:s16+$0xFFFFFF40];
	v1 =	vmov v4  }
0x19f: {  	v4 =	vadd.s32 s17, v0;
	v11 =	vld [tilespmem:s12+$0xFFFFFF40];
	[tilespmem:v9+s1+$0x0] =	vst.idx.msk $0xffff, v7  }
0x1a0: {  	s17 =	sadd.s32 $0x103, s8;
	v3 =	vadd.f32 v3, v8;
	v7 =	vld [tilespmem:s16+$0xFFFFFF50]  }
0x1a1: {  	v8 =	vadd.s32 s17, v0;
	v9 =	vld [tilespmem:s12+$0xFFFFFF50]  }
0x1a2: {  	s17 =	sadd.s32 $0x104, s8;
	[tilespmem:v2+s1+$0x0] =	vst.idx.msk $0xffff, v3;
	v2 =	vadd.f32 v6, v5;
	v3 =	vld [tilespmem:s16+$0xFFFFFF60]  }
0x1a3: {  	v5 =	vadd.s32 s17, v0;
	v6 =	vld [tilespmem:s12+$0xFFFFFF60]  }
0x1a4: {  	s17 =	sadd.s32 $0x105, s8;
	[tilespmem:v4+s1+$0x0] =	vst.idx.msk $0xffff, v2;
	v2 =	vadd.f32 v11, v10;
	v4 =	vld [tilespmem:s16+$0xFFFFFF70]  }
0x1a5: {  	v10 =	vadd.s32 s17, v0;
	v11 =	vld [tilespmem:s12+$0xFFFFFF70]  }
0x1a6: {  	s17 =	sadd.s32 $0x106, s8;
	[tilespmem:v8+s1+$0x0] =	vst.idx.msk $0xffff, v2;
	v2 =	vadd.f32 v9, v7;
	v7 =	vld [tilespmem:s16+$0xFFFFFF80]  }
0x1a7: {  	v8 =	vadd.s32 s17, v0;
	v9 =	vld [tilespmem:s12+$0xFFFFFF80]  }
0x1a8: {  	s17 =	sadd.s32 $0x107, s8;
	[tilespmem:v5+s1+$0x0] =	vst.idx.msk $0xffff, v2;
	v2 =	vadd.f32 v6, v3;
	v3 =	vld [tilespmem:s16+$0xFFFFFF90]  }
0x1a9: {  	v5 =	vadd.s32 s17, v0;
	v6 =	vld [tilespmem:s12+$0xFFFFFF90]  }
0x1aa: {  	s17 =	sadd.s32 $0x108, s8;
	[tilespmem:v10+s1+$0x0] =	vst.idx.msk $0xffff, v2;
	v2 =	vadd.f32 v11, v4;
	v4 =	vld [tilespmem:s16+$0xFFFFFFA0]  }
0x1ab: {  	v10 =	vadd.s32 s17, v0;
	v11 =	vld [tilespmem:s12+$0xFFFFFFA0]  }
0x1ac: {  	s17 =	sadd.s32 $0x109, s8;
	[tilespmem:v8+s1+$0x0] =	vst.idx.msk $0xffff, v2;
	v2 =	vadd.f32 v9, v7;
	v7 =	vld [tilespmem:s16+$0xFFFFFFB0]  }
0x1ad: {  	v8 =	vadd.s32 s17, v0;
	v9 =	vld [tilespmem:s12+$0xFFFFFFB0]  }
0x1ae: {  	s17 =	sadd.s32 $0x10A, s8;
	[tilespmem:v5+s1+$0x0] =	vst.idx.msk $0xffff, v2;
	v2 =	vadd.f32 v6, v3;
	v3 =	vld [tilespmem:s16+$0xFFFFFFC0]  }
0x1af: {  	v5 =	vadd.s32 s17, v0;
	v6 =	vld [tilespmem:s12+$0xFFFFFFC0]  }
0x1b0: {  	s17 =	sadd.s32 $0x10B, s8;
	[tilespmem:v10+s1+$0x0] =	vst.idx.msk $0xffff, v2;
	v2 =	vadd.f32 v11, v4;
	v10 =	vld [tilespmem:s16+$0xFFFFFFD0]  }
0x1b1: {  	v11 =	vadd.s32 s17, v0;
	v12 =	vld [tilespmem:s12+$0xFFFFFFD0]  }
.Ltmp3:
0x1b2: {  	s17 =	sadd.s32 $0x10C, s8;
	[tilespmem:v8+s1+$0x0] =	vst.idx.msk $0xffff, v2;
	v7 =	vadd.f32 v9, v7;
	v2 =	vld [tilespmem:s16+$0xFFFFFFE0];
	(pc) =	sbr.rel @p1 .LBB2_9-.Ltmp3, $4  }
0x1b3: {  	v8 =	vadd.s32 s17, v0;
	v4 =	vld [tilespmem:s12+$0xFFFFFFE0]  }
0x1b4: {  	s17 =	sadd.s32 $0x10D, s8;
	[tilespmem:v5+s1+$0x0] =	vst.idx.msk $0xffff, v7;
	v9 =	vadd.f32 v6, v3;
	v3 =	vld [tilespmem:s16+$0xFFFFFFF0]  }
0x1b5: {  	v7 =	vadd.s32 s17, v0;
	v5 =	vld [tilespmem:s12+$0xFFFFFFF0]  }
0x1b6: {  	s17 =	sadd.s32 $0x10E, s8;
	v6 =	vld [tilespmem:s16+$0xFFFFFF10];
	[tilespmem:v11+s1+$0x0] =	vst.idx.msk $0xffff, v9;
	v9 =	vadd.f32 v12, v10;
	s16 =	sadd.s32 $0x100, s16  }
0x1b7: {  	_ = 	snop  }
0x1b8: {  	s2 =	sadd.s32 $0x100, s8;
	v10 =	vadd.s32 s17, v0  }
0x1b9: {  	v11 =	vadd.s32 s2, v0  }
0x1ba: {  	v2 =	vadd.f32 v4, v2  }
0x1bb: {  	[tilespmem:v8+s1+$0x0] =	vst.idx.msk $0xffff, v9;
	v3 =	vadd.f32 v5, v3  }
0x1bc: {  	[tilespmem:v7+s1+$0x0] =	vst.idx.msk $0xffff, v2;
	v1 =	vadd.f32 v1, v6  }
0x1bd: {  	[tilespmem:v10+s1+$0x0] =	vst.idx.msk $0xffff, v3  }
0x1be: {  	s8 =	simm.s32 @!p0 $0x50;
	s12 =	simm.s32 @!p0 $0x5D20;
	s2 =	sadd.s32 @!p0 $0x280, s10;
	[tilespmem:v11+s1+$0x0] =	vst.idx.msk $0xffff, v1  }
0x1bf: {  	[tilespmem:s12], [sflag:$0x4] =	stream.indirect.gather @!p0 [hbm4b:s5+s8], $0x10, s2, s8, $0xb8;
	[tilespmem:$0x9920] =	vst v63  }
0x1c0: {  	s2 =	sadd.s32 @!p0 $0x2990, s10;
	s12 =	simm.s32 @!p0 $0x7620  }
0x1c1: {  	[tilespmem:s12], [sflag:$0x4] =	stream.indirect.gather @!p0 [hbm4b:s6+s8], $0x10, s2, s8, $0xb8;
	[tilespmem:$0x9920] =	vst v63  }
0x1c2: {  	_ =	swait.ge [sflag:s15], $0x500  }
0x1c3: {  	[sflag:s15] =	ssyncset.done $0x0  }
0x1c4: {  	[sflag:s15] =	ssyncadd.s32 $0xFFFFFB00  }
0x1c5: {  	_ =	swait.ge [sflag:s15], $0x500  }
0x1c6: {  	[sflag:s15] =	ssyncset.done $0x0  }
0x1c7: {  	s16 =	simm.s32 $0x6310;
	[sflag:s15] =	ssyncadd.s32 $0xFFFFFB00  }
0x1c8: {  	s12 =	simm.s32 $0x7C10;
	v2 =	vld [tilespmem:s16+$0x0]  }
0x1c9: {  	v3 =	vld [tilespmem:s12+$0x0]  }
0x1ca: {  	v1 =	vld [tilespmem:s12+$0xFFFFFF10]  }
0x1cb: {  	v4 =	vld [tilespmem:s16+$0xFFFFFF20]  }
0x1cc: {  	v5 =	vld [tilespmem:s12+$0xFFFFFF20]  }
0x1cd: {  	v6 =	vld [tilespmem:s16+$0xFFFFFF30]  }
0x1ce: {  	v7 =	vld [tilespmem:s12+$0xFFFFFF30]  }
0x1cf: {  	v8 =	vld [tilespmem:s16+$0xFFFFFF40]  }
0x1d0: {  	v9 =	vld [tilespmem:s12+$0xFFFFFF40]  }
0x1d1: {  	v10 =	vld [tilespmem:s16+$0xFFFFFF50]  }
0x1d2: {  	v11 =	vld [tilespmem:s12+$0xFFFFFF50]  }
0x1d3: {  	v12 =	vld [tilespmem:s16+$0xFFFFFF60]  }
0x1d4: {  	v13 =	vld [tilespmem:s12+$0xFFFFFF60]  }
0x1d5: {  	v14 =	vld [tilespmem:s16+$0xFFFFFF70]  }
0x1d6: {  	s17 =	simm.s32 $0x14F;
	v15 =	vld [tilespmem:s12+$0xFFFFFF70]  }
0x1d7: {  	s18 =	simm.s32 $0x141;
	v16 =	vadd.s32 s17, v0;
	v17 =	vld [tilespmem:s16+$0xFFFFFF80]  }
0x1d8: {  	v18 =	vadd.s32 s18, v0;
	s8 =	simm.s32 $0x142;
	v19 =	vld [tilespmem:s12+$0xFFFFFF80]  }
0x1d9: {  	s17 =	simm.s32 $0x143;
	v20 =	vadd.s32 s8, v0;
	v21 =	vld [tilespmem:s16+$0xFFFFFF90]  }
0x1da: {  	s18 =	simm.s32 $0x144;
	v22 =	vld [tilespmem:s12+$0xFFFFFF90];
	v2 =	vadd.f32 v3, v2;
	v3 =	vadd.s32 s17, v0  }
0x1db: {  	s8 =	simm.s32 $0x145;
	v23 =	vld [tilespmem:s16+$0xFFFFFFA0];
	v4 =	vadd.f32 v5, v4;
	v5 =	vadd.s32 s18, v0  }
0x1dc: {  	v59 =	vld [tilespmem:s16+$0xFFFFFFC0];
	s17 =	simm.s32 $0x146;
	[tilespmem:v16+s1+$0x0] =	vst.idx.msk $0xffff, v2;
	v2 =	vadd.f32 v7, v6;
	v6 =	vadd.s32 s8, v0  }
0x1dd: {  	s18 =	simm.s32 $0x147;
	v7 =	vld [tilespmem:s12+$0xFFFFFFA0];
	[tilespmem:v18+s1+$0x0] =	vst.idx.msk $0xffff, v4;
	v4 =	vadd.f32 v9, v8;
	v8 =	vadd.s32 s17, v0  }
0x1de: {  	v9 =	vld [tilespmem:s16+$0xFFFFFFB0];
	s8 =	simm.s32 $0x148;
	[tilespmem:v20+s1+$0x0] =	vst.idx.msk $0xffff, v2;
	v2 =	vadd.f32 v11, v10;
	v10 =	vadd.s32 s18, v0  }
0x1df: {  	s17 =	simm.s32 $0x149;
	v11 =	vld [tilespmem:s12+$0xFFFFFFB0];
	[tilespmem:v3+s1+$0x0] =	vst.idx.msk $0xffff, v4;
	v3 =	vadd.f32 v13, v12;
	v4 =	vadd.s32 s8, v0  }
0x1e0: {  	v60 =	vld [tilespmem:s12+$0xFFFFFFC0];
	s18 =	simm.s32 $0x14A;
	[tilespmem:v5+s1+$0x0] =	vst.idx.msk $0xffff, v2;
	v2 =	vadd.f32 v15, v14;
	v5 =	vadd.s32 s17, v0  }
0x1e1: {  	v61 =	vld [tilespmem:s16+$0xFFFFFFD0];
	s8 =	simm.s32 $0x14B;
	[tilespmem:v6+s1+$0x0] =	vst.idx.msk $0xffff, v3;
	v3 =	vadd.f32 v19, v17;
	v6 =	vadd.s32 s18, v0  }
0x1e2: {  	v63 =	vld [tilespmem:s12+$0xFFFFFFD0];
	v62 =	vadd.s32 s8, v0;
	[tilespmem:v8+s1+$0x0] =	vst.idx.msk $0xffff, v2;
	v8 =	vadd.f32 v22, v21  }
0x1e3: {  	s17 =	simm.s32 $0x14C;
	v2 =	vld [tilespmem:s16+$0xFFFFFFE0];
	[tilespmem:v10+s1+$0x0] =	vst.idx.msk $0xffff, v3;
	v3 =	vadd.f32 v7, v23  }
0x1e4: {  	v7 =	vadd.f32 v11, v9;
	[tilespmem:v4+s1+$0x0] =	vst.idx.msk $0xffff, v8;
	v4 =	vld [tilespmem:s12+$0xFFFFFFE0];
	v8 =	vadd.s32 s17, v0  }
0x1e5: {  	s18 =	simm.s32 $0x14D;
	v9 =	vadd.f32 v60, v59;
	[tilespmem:v5+s1+$0x0] =	vst.idx.msk $0xffff, v3;
	v3 =	vld [tilespmem:s16+$0xFFFFFFF0]  }
0x1e6: {  	s2 =	simm.s32 $0x0;
	v5 =	vld [tilespmem:s12+$0xFFFFFFF0];
	[tilespmem:v6+s1+$0x0] =	vst.idx.msk $0xffff, v7;
	v7 =	vadd.s32 s18, v0  }
0x1e7: {  	s8 =	simm.s32 $0xFFFFFFF0;
	s17 =	simm.s32 $0x14E;
	[tilespmem:v62+s1+$0x0] =	vst.idx.msk $0xffff, v9;
	v9 =	vadd.f32 v63, v61;
	v6 =	vld [tilespmem:s16+$0xFFFFFF10];
	s16 =	simm.s32 $0x6410  }
.LBB2_11:
0x1e8: {  	v10 =	vld [tilespmem:s16+$0x0];
	s18 =	sadd.s32 $0x150, s8;
	v11 =	vadd.s32 s17, v0;
	s12 =	sadd.s32 $0x100, s12;
	s8 =	smov.u32 s2  }
0x1e9: {  	s2 =	sadd.s32 $0x10, s2;
	v12 =	vld [tilespmem:s12+$0x0];
	v13 =	vadd.s32 s18, v0;
	[tilespmem:v8+s1+$0x0] =	vst.idx.msk $0xffff, v9;
	v2 =	vadd.f32 v4, v2  }
0x1ea: {  	s17 =	sadd.s32 $0x15F, s8;
	p1 =	slt.u32 s2, $0x40;
	v4 =	vld [tilespmem:s12+$0xFFFFFF10]  }
0x1eb: {  	v9 =	vadd.s32 s17, v0;
	v8 =	vld [tilespmem:s16+$0xFFFFFF20];
	[tilespmem:v7+s1+$0x0] =	vst.idx.msk $0xffff, v2;
	v2 =	vadd.f32 v5, v3  }
0x1ec: {  	v3 =	vld [tilespmem:s12+$0xFFFFFF20];
	v14 =	vadd.f32 v1, v6  }
0x1ed: {  	s17 =	sadd.s32 $0x151, s8;
	v5 =	vld [tilespmem:s16+$0xFFFFFF30];
	[tilespmem:v11+s1+$0x0] =	vst.idx.msk $0xffff, v2  }
0x1ee: {  	v2 =	vadd.s32 s17, v0;
	v6 =	vld [tilespmem:s12+$0xFFFFFF30];
	v7 =	vadd.f32 v12, v10;
	[tilespmem:v13+s1+$0x0] =	vst.idx.msk $0xffff, v14  }
0x1ef: {  	s17 =	sadd.s32 $0x152, s8;
	v10 =	vld [tilespmem:s16+$0xFFFFFF40];
	v1 =	vmov v4  }
0x1f0: {  	v4 =	vadd.s32 s17, v0;
	v11 =	vld [tilespmem:s12+$0xFFFFFF40];
	[tilespmem:v9+s1+$0x0] =	vst.idx.msk $0xffff, v7  }
0x1f1: {  	s17 =	sadd.s32 $0x153, s8;
	v3 =	vadd.f32 v3, v8;
	v7 =	vld [tilespmem:s16+$0xFFFFFF50]  }
0x1f2: {  	v8 =	vadd.s32 s17, v0;
	v9 =	vld [tilespmem:s12+$0xFFFFFF50]  }
0x1f3: {  	s17 =	sadd.s32 $0x154, s8;
	[tilespmem:v2+s1+$0x0] =	vst.idx.msk $0xffff, v3;
	v2 =	vadd.f32 v6, v5;
	v3 =	vld [tilespmem:s16+$0xFFFFFF60]  }
0x1f4: {  	v5 =	vadd.s32 s17, v0;
	v6 =	vld [tilespmem:s12+$0xFFFFFF60]  }
0x1f5: {  	s17 =	sadd.s32 $0x155, s8;
	[tilespmem:v4+s1+$0x0] =	vst.idx.msk $0xffff, v2;
	v2 =	vadd.f32 v11, v10;
	v4 =	vld [tilespmem:s16+$0xFFFFFF70]  }
0x1f6: {  	v10 =	vadd.s32 s17, v0;
	v11 =	vld [tilespmem:s12+$0xFFFFFF70]  }
0x1f7: {  	s17 =	sadd.s32 $0x156, s8;
	[tilespmem:v8+s1+$0x0] =	vst.idx.msk $0xffff, v2;
	v2 =	vadd.f32 v9, v7;
	v7 =	vld [tilespmem:s16+$0xFFFFFF80]  }
0x1f8: {  	v8 =	vadd.s32 s17, v0;
	v9 =	vld [tilespmem:s12+$0xFFFFFF80]  }
0x1f9: {  	s17 =	sadd.s32 $0x157, s8;
	[tilespmem:v5+s1+$0x0] =	vst.idx.msk $0xffff, v2;
	v2 =	vadd.f32 v6, v3;
	v3 =	vld [tilespmem:s16+$0xFFFFFF90]  }
0x1fa: {  	v5 =	vadd.s32 s17, v0;
	v6 =	vld [tilespmem:s12+$0xFFFFFF90]  }
0x1fb: {  	s17 =	sadd.s32 $0x158, s8;
	[tilespmem:v10+s1+$0x0] =	vst.idx.msk $0xffff, v2;
	v2 =	vadd.f32 v11, v4;
	v4 =	vld [tilespmem:s16+$0xFFFFFFA0]  }
0x1fc: {  	v10 =	vadd.s32 s17, v0;
	v11 =	vld [tilespmem:s12+$0xFFFFFFA0]  }
0x1fd: {  	s17 =	sadd.s32 $0x159, s8;
	[tilespmem:v8+s1+$0x0] =	vst.idx.msk $0xffff, v2;
	v2 =	vadd.f32 v9, v7;
	v7 =	vld [tilespmem:s16+$0xFFFFFFB0]  }
0x1fe: {  	v8 =	vadd.s32 s17, v0;
	v9 =	vld [tilespmem:s12+$0xFFFFFFB0]  }
0x1ff: {  	s17 =	sadd.s32 $0x15A, s8;
	[tilespmem:v5+s1+$0x0] =	vst.idx.msk $0xffff, v2;
	v2 =	vadd.f32 v6, v3;
	v3 =	vld [tilespmem:s16+$0xFFFFFFC0]  }
0x200: {  	v5 =	vadd.s32 s17, v0;
	v6 =	vld [tilespmem:s12+$0xFFFFFFC0]  }
0x201: {  	s17 =	sadd.s32 $0x15B, s8;
	[tilespmem:v10+s1+$0x0] =	vst.idx.msk $0xffff, v2;
	v2 =	vadd.f32 v11, v4;
	v10 =	vld [tilespmem:s16+$0xFFFFFFD0]  }
0x202: {  	v11 =	vadd.s32 s17, v0;
	v12 =	vld [tilespmem:s12+$0xFFFFFFD0]  }
.Ltmp4:
0x203: {  	s17 =	sadd.s32 $0x15C, s8;
	[tilespmem:v8+s1+$0x0] =	vst.idx.msk $0xffff, v2;
	v7 =	vadd.f32 v9, v7;
	v2 =	vld [tilespmem:s16+$0xFFFFFFE0];
	(pc) =	sbr.rel @p1 .LBB2_11-.Ltmp4, $4  }
0x204: {  	v8 =	vadd.s32 s17, v0;
	v4 =	vld [tilespmem:s12+$0xFFFFFFE0]  }
0x205: {  	s17 =	sadd.s32 $0x15D, s8;
	[tilespmem:v5+s1+$0x0] =	vst.idx.msk $0xffff, v7;
	v9 =	vadd.f32 v6, v3;
	v3 =	vld [tilespmem:s16+$0xFFFFFFF0]  }
0x206: {  	v7 =	vadd.s32 s17, v0;
	v5 =	vld [tilespmem:s12+$0xFFFFFFF0]  }
0x207: {  	s17 =	sadd.s32 $0x15E, s8;
	v6 =	vld [tilespmem:s16+$0xFFFFFF10];
	[tilespmem:v11+s1+$0x0] =	vst.idx.msk $0xffff, v9;
	v9 =	vadd.f32 v12, v10;
	s16 =	sadd.s32 $0x100, s16  }
0x208: {  	_ = 	snop  }
0x209: {  	s2 =	sadd.s32 $0x150, s8;
	v10 =	vadd.s32 s17, v0  }
0x20a: {  	v11 =	vadd.s32 s2, v0  }
0x20b: {  	v2 =	vadd.f32 v4, v2  }
0x20c: {  	[tilespmem:v8+s1+$0x0] =	vst.idx.msk $0xffff, v9;
	v3 =	vadd.f32 v5, v3  }
0x20d: {  	[tilespmem:v7+s1+$0x0] =	vst.idx.msk $0xffff, v2;
	v1 =	vadd.f32 v1, v6  }
0x20e: {  	[tilespmem:v10+s1+$0x0] =	vst.idx.msk $0xffff, v3  }
0x20f: {  	s8 =	simm.s32 @!p0 $0x50;
	s12 =	simm.s32 @!p0 $0x6220;
	s2 =	sadd.s32 @!p0 $0x2D0, s10;
	[tilespmem:v11+s1+$0x0] =	vst.idx.msk $0xffff, v1  }
0x210: {  	[tilespmem:s12], [sflag:$0x5] =	stream.indirect.gather @!p0 [hbm4b:s5+s8], $0x10, s2, s8, $0xb8;
	[tilespmem:$0x9920] =	vst v63  }
0x211: {  	s2 =	sadd.s32 @!p0 $0x29E0, s10;
	s10 =	simm.s32 @p0 $0x2580  }
0x212: {  	s12 =	simm.s32 @!p0 $0x7B20;
	s16 =	sadd.s32 s4, s10  }
0x213: {  	[tilespmem:s12], [sflag:$0x5] =	stream.indirect.gather @!p0 [hbm4b:s6+s8], $0x10, s2, s8, $0xb8;
	[tilespmem:$0x9920] =	vst v63  }
0x214: {  	s17 =	rddreg [dreg:$0x1];
	s2 =	sshrl.u32 s16, $0x3  }
0x215: {  	s2 =	sadd.s32 s17, s2  }
0x216: {  	[hbm4b:s2+s3] =	stream.linear.scatter [tilespmem:s1], [sflag:$0x6], $0x190, $0x38;
	[tilespmem:$0x9920] =	vst v63  }
0x217: {  	s18 =	simm.s32 $0x81B0;
	s8 =	sadd.s32 $0x9C40, s2  }
0x218: {  	[hbm4b:s8+s3] =	stream.linear.scatter [tilespmem:s18], [sflag:$0x6], $0x190, $0x38;
	[tilespmem:$0x9920] =	vst v63  }
0x219: {  	s12 =	simm.s32 $0x8340;
	s10 =	sadd.s32 $0x13880, s2  }
0x21a: {  	[hbm4b:s10+s3] =	stream.linear.scatter [tilespmem:s12], [sflag:$0x6], $0x190, $0x38;
	[tilespmem:$0x9920] =	vst v63  }
0x21b: {  	s17 =	simm.s32 $0x84D0;
	s16 =	sadd.s32 $0x1D4C0, s2  }
0x21c: {  	[hbm4b:s16+s3] =	stream.linear.scatter [tilespmem:s17], [sflag:$0x6], $0x190, $0x38;
	[tilespmem:$0x9920] =	vst v63  }
0x21d: {  	s18 =	sadd.s32 $0x27100, s2  }
0x21e: {  	[hbm4b:s18+s3] =	stream.linear.scatter [tilespmem:s19], [sflag:$0x6], $0x190, $0x38;
	[tilespmem:$0x9920] =	vst v63  }
0x21f: {  	s10 =	sadd.s32 $0x30D40, s2  }
0x220: {  	[hbm4b:s10+s3] =	stream.linear.scatter [tilespmem:s20], [sflag:$0x6], $0x190, $0x38;
	[tilespmem:$0x9920] =	vst v63  }
0x221: {  	s12 =	sadd.s32 $0x3A980, s2  }
0x222: {  	[hbm4b:s12+s3] =	stream.linear.scatter [tilespmem:s21], [sflag:$0x6], $0x190, $0x38;
	[tilespmem:$0x9920] =	vst v63  }
0x223: {  	s16 =	sadd.s32 $0x445C0, s2  }
0x224: {  	[hbm4b:s16+s3] =	stream.linear.scatter [tilespmem:s22], [sflag:$0x6], $0x190, $0x38;
	[tilespmem:$0x9920] =	vst v63  }
0x225: {  	s17 =	sadd.s32 $0x4E200, s2  }
0x226: {  	[hbm4b:s17+s3] =	stream.linear.scatter [tilespmem:s23], [sflag:$0x6], $0x190, $0x38;
	[tilespmem:$0x9920] =	vst v63  }
0x227: {  	s18 =	sadd.s32 $0x57E40, s2  }
0x228: {  	[hbm4b:s18+s3] =	stream.linear.scatter [tilespmem:s24], [sflag:$0x6], $0x190, $0x38;
	[tilespmem:$0x9920] =	vst v63  }
0x229: {  	s10 =	sadd.s32 $0x61A80, s2  }
0x22a: {  	[hbm4b:s10+s3] =	stream.linear.scatter [tilespmem:s25], [sflag:$0x6], $0x190, $0x38;
	[tilespmem:$0x9920] =	vst v63  }
0x22b: {  	s12 =	sadd.s32 $0x6B6C0, s2  }
0x22c: {  	[hbm4b:s12+s3] =	stream.linear.scatter [tilespmem:s26], [sflag:$0x6], $0x190, $0x38;
	[tilespmem:$0x9920] =	vst v63  }
0x22d: {  	s9 =	sadd.s32 $0x1, s9;
	s16 =	sadd.s32 $0x75300, s2  }
0x22e: {  	[hbm4b:s16+s3] =	stream.linear.scatter [tilespmem:s28], [sflag:$0x6], $0x190, $0x38;
	[tilespmem:$0x9920] =	vst v63  }
0x22f: {  	p0 =	sne.s32 s9, $0x19;
	s17 =	sadd.s32 $0x7EF40, s2  }
0x230: {  	[hbm4b:s17+s3] =	stream.linear.scatter [tilespmem:s29], [sflag:$0x6], $0x190, $0x38;
	[tilespmem:$0x9920] =	vst v63  }
.Ltmp5:
0x231: {  	_ = 	snop;
	(pc) =	sbr.rel @p0 .LBB2_2-.Ltmp5, $4  }
0x232: {  	s18 =	sadd.s32 $0x88B80, s2  }
0x233: {  	[hbm4b:s18+s3] =	stream.linear.scatter [tilespmem:s30], [sflag:$0x6], $0x190, $0x38;
	[tilespmem:$0x9920] =	vst v63  }
0x234: {  	s2 =	sadd.s32 $0x927C0, s2  }
0x235: {  	[hbm4b:s2+s3] =	stream.linear.scatter [tilespmem:s11], [sflag:$0x6], $0x190, $0x38;
	[tilespmem:$0x9920] =	vst v63  }
0x236: {  	_ =	swait.ge [sflag:s7], $0x190  }
0x237: {  	[sflag:s7] =	ssyncset.done $0x0  }
0x238: {  	[sflag:s7] =	ssyncadd.s32 $0xFFFFFE70  }
0x239: {  	_ =	swait.ge [sflag:s7], $0x190  }
0x23a: {  	[sflag:s7] =	ssyncset.done $0x0  }
0x23b: {  	[sflag:s7] =	ssyncadd.s32 $0xFFFFFE70  }
0x23c: {  	_ =	swait.ge [sflag:s7], $0x190  }
0x23d: {  	[sflag:s7] =	ssyncset.done $0x0  }
0x23e: {  	[sflag:s7] =	ssyncadd.s32 $0xFFFFFE70  }
0x23f: {  	_ =	swait.ge [sflag:s7], $0x190  }
0x240: {  	[sflag:s7] =	ssyncset.done $0x0  }
0x241: {  	[sflag:s7] =	ssyncadd.s32 $0xFFFFFE70  }
0x242: {  	_ =	swait.ge [sflag:s7], $0x190  }
0x243: {  	[sflag:s7] =	ssyncset.done $0x0  }
0x244: {  	[sflag:s7] =	ssyncadd.s32 $0xFFFFFE70  }
0x245: {  	_ =	swait.ge [sflag:s7], $0x190  }
0x246: {  	[sflag:s7] =	ssyncset.done $0x0  }
0x247: {  	[sflag:s7] =	ssyncadd.s32 $0xFFFFFE70  }
0x248: {  	_ =	swait.ge [sflag:s7], $0x190  }
0x249: {  	[sflag:s7] =	ssyncset.done $0x0  }
0x24a: {  	[sflag:s7] =	ssyncadd.s32 $0xFFFFFE70  }
0x24b: {  	_ =	swait.ge [sflag:s7], $0x190  }
0x24c: {  	[sflag:s7] =	ssyncset.done $0x0  }
0x24d: {  	[sflag:s7] =	ssyncadd.s32 $0xFFFFFE70  }
0x24e: {  	_ =	swait.ge [sflag:s7], $0x190  }
0x24f: {  	[sflag:s7] =	ssyncset.done $0x0  }
0x250: {  	[sflag:s7] =	ssyncadd.s32 $0xFFFFFE70  }
0x251: {  	_ =	swait.ge [sflag:s7], $0x190  }
0x252: {  	[sflag:s7] =	ssyncset.done $0x0  }
0x253: {  	[sflag:s7] =	ssyncadd.s32 $0xFFFFFE70  }
0x254: {  	_ =	swait.ge [sflag:s7], $0x190  }
0x255: {  	[sflag:s7] =	ssyncset.done $0x0  }
0x256: {  	[sflag:s7] =	ssyncadd.s32 $0xFFFFFE70  }
0x257: {  	_ =	swait.ge [sflag:s7], $0x190  }
0x258: {  	[sflag:s7] =	ssyncset.done $0x0  }
0x259: {  	[sflag:s7] =	ssyncadd.s32 $0xFFFFFE70  }
0x25a: {  	_ =	swait.ge [sflag:s7], $0x190  }
0x25b: {  	[sflag:s7] =	ssyncset.done $0x0  }
0x25c: {  	[sflag:s7] =	ssyncadd.s32 $0xFFFFFE70  }
0x25d: {  	_ =	swait.ge [sflag:s7], $0x190  }
0x25e: {  	[sflag:s7] =	ssyncset.done $0x0  }
0x25f: {  	[sflag:s7] =	ssyncadd.s32 $0xFFFFFE70  }
0x260: {  	_ =	swait.ge [sflag:s7], $0x190  }
0x261: {  	[sflag:s7] =	ssyncset.done $0x0  }
0x262: {  	[sflag:s7] =	ssyncadd.s32 $0xFFFFFE70  }
0x263: {  	_ =	swait.ge [sflag:s7], $0x190  }
0x264: {  	s8 =	rddreg [dreg:$0x6]  }
0x265: {  	s2 =	rddreg [dreg:$0x5];
	s8 =	sadd.s32 $0x1, s8  }
0x266: {  	p0 =	sne.s32 s8, s2  }
.Ltmp6:
0x267: {  	_ = 	snop;
	(pc) =	sbr.rel @p0 .LBB2_1-.Ltmp6, $3  }
0x268: {  	_ =	sdelay $0x1  }
0x269: {  	[sflag:s7] =	ssyncset.done $0x0  }
0x26a: {  	[sflag:s7] =	ssyncadd.s32 $0xFFFFFE70  }
0x26b: {  	_ =	sfence.sel $0x180000  }
0x26c: {  	[bflag:$0x0] =	sbarrier.arrive $0xFFFF  }
0x26d: {  	_ =	strace $0x90000047  }
0x26e: {  	s0 =	stileid.u32;
	[bflag:$0x2] =	sbarrier.arrive $0xFFFF  }
0x26f: {  	p0 =	sne.s32 s0, $0x0;
	s0 =	rddreg [dreg:$0x2]  }
0x270: {  	s0 =	sadd.s32 @!p0 $0x100000, s0  }
0x271: {  	[sflag:s0] =	ssyncadd.tile.s32 @!p0 $0x1;
	_ =	shalt  }
.Lfunc_end2:
_tile_overlayer_lowered:
.L_overlay_start_2:
0x272: {  	(tag) =	ssettag $0x2  }
0x273: {  	s0 =	rddreg [dreg:$0x0];
	s2 =	stileid.u32  }
0x274: {  	s1 =	rddreg [dreg:$0x1];
	p0 =	sne.s32 s2, $0x0  }
0x275: {  	s3 =	rddreg [dreg:$0x2];
	[bflag:$0x3] =	sbarrier.arrive $0xFFFF;
	s2 =	simm.s32 @!p0 $0x1C07  }
0x276: {  	[timem:s3], [sflag:s2] =	dma.local @!p0 [hbm:s0], s1  }
0x277: {  	s0 =	simm.s32 @!p0 $0x7  }
0x278: {  	_ =	swait.ge @!p0 [sflag:s0], s1  }
0x279: {  	s1 =	ssub.s32 @!p0 $0x0, s1;
	[sflag:s0] =	ssyncset.done @!p0 $0x0  }
0x27a: {  	[sflag:s0] =	ssyncadd.s32 @!p0 s1  }
0x27b: {  	[bflag:$0x3] =	sbarrier.arrive $0xFFFF  }
0x27c: {  	_ =	shalt  }

</sc_bundles>
